<compile_context>
chip_gen: v7x
topology: tpu7x:2x2x1
jax: 0.10.2.dev20260603
libtpu: 0.0.44.dev20260713+nightly
codegen_flags: <defaults>
</compile_context>

<pallas_src>
import functools

import jax
import jax.numpy as jnp
from jax import lax
from jax.experimental import pallas as pl
from jax.experimental.pallas import tpu as pltpu
from jax.experimental.pallas import tpu_sc as plsc

K_TOP = 2048
TEMPERATURE = 0.1

N = 4194304
NUM_CORES = 2
NUM_SUBCORES = 16
NUM_WORKERS = NUM_CORES * NUM_SUBCORES
LANES = 16
SHARD = N // NUM_WORKERS
CHUNK = 16384
NCHUNK = SHARD // CHUNK
BINS = 65536
ROWS = 512
COLS = 128
UNROLL = 8
MIN_I32 = -(2**31)


def _monotone_key(x_f32):
    b = lax.bitcast_convert_type(x_f32, jnp.int32)
    return b ^ ((b >> 31) | jnp.int32(MIN_I32))


def _make_hist_kernel(prefix_pass):
    mesh = plsc.VectorSubcoreMesh(core_axis_name="c", subcore_axis_name="s")

    @functools.partial(
        pl.kernel,
        mesh=mesh,
        out_type=jax.ShapeDtypeStruct((NUM_WORKERS * BINS,), jnp.int32),
        compiler_params=pltpu.CompilerParams(needs_layout_passes=False),
        scratch_types=[
            pltpu.VMEM((BINS,), jnp.int32),
            pltpu.VMEM((CHUNK,), jnp.float32),
            pltpu.VMEM((CHUNK,), jnp.float32),
            pltpu.VMEM((LANES,), jnp.int32),
            pltpu.SemaphoreType.DMA,
            pltpu.SemaphoreType.DMA,
        ],
    )
    def hist_kernel(logits_hbm, prefix_hbm, out_hbm, hist_v, buf0, buf1,
                    pref_v, sem0, sem1):
        wid = lax.axis_index("s") * NUM_CORES + lax.axis_index("c")
        base = wid * SHARD
        ones = jnp.ones((LANES,), jnp.int32)
        zeros = jnp.zeros((LANES,), jnp.int32)
        bufs = (buf0, buf1)
        sems = (sem0, sem1)

        pltpu.sync_copy(prefix_hbm, pref_v)
        pvec = pref_v[...]

        copies = [None] * NCHUNK
        copies[0] = pltpu.async_copy(
            logits_hbm.at[pl.ds(base, CHUNK)], buf0, sem0)

        @plsc.parallel_loop(0, BINS // LANES, 1, unroll=UNROLL)
        def _(j):
            hist_v[pl.ds(j * LANES, LANES)] = zeros

        for c in range(NCHUNK):
            if c + 1 < NCHUNK:
                copies[c + 1] = pltpu.async_copy(
                    logits_hbm.at[pl.ds(base + (c + 1) * CHUNK, CHUNK)],
                    bufs[(c + 1) % 2], sems[(c + 1) % 2])
            copies[c].wait()
            buf = bufs[c % 2]

            @plsc.parallel_loop(0, CHUNK // LANES, 1, unroll=UNROLL)
            def _(i):
                x = buf[pl.ds(i * LANES, LANES)]
                key = _monotone_key(x)
                if not prefix_pass:
                    bins = lax.shift_right_logical(key, 16)
                    plsc.addupdate_scatter(hist_v, [bins], ones)
                else:
                    match = lax.shift_right_logical(key, 16) == pvec
                    bins = key & (BINS - 1)
                    plsc.addupdate_scatter(hist_v, [bins], ones, mask=match)

        pltpu.sync_copy(hist_v, out_hbm.at[pl.ds(wid * BINS, BINS)])

    return hist_kernel


_hist_pass1 = _make_hist_kernel(prefix_pass=False)
_hist_pass2 = _make_hist_kernel(prefix_pass=True)


def _scan_pick(h_ref, rank):
    acc = h_ref[pl.ds(0, ROWS), :]
    for w in range(1, NUM_WORKERS):
        acc = acc + h_ref[pl.ds(w * ROWS, ROWS), :]
    h2d = acc.astype(jnp.float32)

    rows = jnp.sum(h2d, axis=1, keepdims=True)
    i_r = lax.broadcasted_iota(jnp.int32, (ROWS, ROWS), 0)
    j_r = lax.broadcasted_iota(jnp.int32, (ROWS, ROWS), 1)
    tri_r = (j_r <= i_r).astype(jnp.float32)
    row_cum = jnp.dot(tri_r, rows, precision=lax.Precision.HIGHEST,
                      preferred_element_type=jnp.float32)

    target = (rank + 1).astype(jnp.float32)
    idx_r = lax.broadcasted_iota(jnp.int32, (ROWS, 1), 0)
    br = jnp.sum((row_cum < target).astype(jnp.int32))
    prev_r = jnp.sum(jnp.where(idx_r == br - 1, row_cum, 0.0))
    rank_in_row = rank - prev_r.astype(jnp.int32)

    idx_r2 = lax.broadcasted_iota(jnp.int32, (ROWS, COLS), 0)
    row = jnp.sum(jnp.where(idx_r2 == br, h2d, 0.0),
                  axis=0, keepdims=True)
    i_c = lax.broadcasted_iota(jnp.int32, (COLS, COLS), 0)
    j_c = lax.broadcasted_iota(jnp.int32, (COLS, COLS), 1)
    tri_ct = (i_c <= j_c).astype(jnp.float32)
    col_cum = jnp.dot(row, tri_ct, precision=lax.Precision.HIGHEST,
                      preferred_element_type=jnp.float32)

    target2 = (rank_in_row + 1).astype(jnp.float32)
    idx_c = lax.broadcasted_iota(jnp.int32, (1, COLS), 1)
    bc = jnp.sum((col_cum < target2).astype(jnp.int32))
    prev_c = jnp.sum(jnp.where(idx_c == bc - 1, col_cum, 0.0))
    new_rank = rank_in_row - prev_c.astype(jnp.int32)
    return br * COLS + bc, new_rank


def _pick1_body(h_ref, rank_ref, pref_ref, b1_ref, rank_out_ref):
    b, new_rank = _scan_pick(h_ref, rank_ref[0])
    pref_ref[...] = jnp.full((LANES,), b, jnp.int32)
    b1_ref[0] = b
    rank_out_ref[0] = new_rank


def _pick2_body(h_ref, b1_ref, rank_ref, vbits_ref):
    b2, _ = _scan_pick(h_ref, rank_ref[0])
    key = (b1_ref[0] << 16) | b2
    vbits_ref[0] = jnp.where(key < 0, key ^ jnp.int32(MIN_I32), ~key)


def _sigmoid_body(x_ref, t_ref, o_ref):
    t = t_ref[0]
    z = (t - x_ref[...]) * jnp.float32(1.0 / TEMPERATURE)
    o_ref[...] = 1.0 / (1.0 + jnp.exp(z))


_HIST_SPEC = pl.BlockSpec((NUM_WORKERS * ROWS, COLS), lambda: (0, 0))
_SMEM = pl.BlockSpec(memory_space=pltpu.SMEM)


def kernel(logits):
    n = logits.shape[-1]
    rank0 = jnp.full((1,), n - K_TOP - 1, jnp.int32)

    zeros16 = jnp.zeros((LANES,), jnp.int32)
    h1 = _hist_pass1(logits, zeros16).reshape(NUM_WORKERS * ROWS, COLS)
    pref, b1, rank1 = pl.pallas_call(
        _pick1_body,
        in_specs=[_HIST_SPEC, _SMEM],
        out_specs=[pl.BlockSpec((LANES,), lambda: (0,)), _SMEM, _SMEM],
        out_shape=[
            jax.ShapeDtypeStruct((LANES,), jnp.int32),
            jax.ShapeDtypeStruct((1,), jnp.int32),
            jax.ShapeDtypeStruct((1,), jnp.int32),
        ],
    )(h1, rank0)

    h2 = _hist_pass2(logits, pref).reshape(NUM_WORKERS * ROWS, COLS)
    vbits = pl.pallas_call(
        _pick2_body,
        in_specs=[_HIST_SPEC, _SMEM, _SMEM],
        out_specs=_SMEM,
        out_shape=jax.ShapeDtypeStruct((1,), jnp.int32),
    )(h2, b1, rank1)
    kth_value = lax.bitcast_convert_type(vbits, jnp.float32)

    blk = 524288
    out = pl.pallas_call(
        _sigmoid_body,
        grid=(n // blk,),
        in_specs=[
            pl.BlockSpec((blk,), lambda i: (i,)),
            _SMEM,
        ],
        out_specs=pl.BlockSpec((blk,), lambda i: (i,)),
        out_shape=jax.ShapeDtypeStruct((n,), jnp.float32),
    )(logits, kth_value)
    return out

# --- scband reference (transcript-rebuilt; emitter-appended) ---
"""Pipeline reference for scband-differentiable-top-k-29772713296402 (READ-ONLY COPY).

The authoritative reference and input builder live on the scoring server;
editing this copy changes nothing except your own understanding.
"""

import jax, jax.numpy as jnp
import numpy as np

K = 2048
TEMPERATURE = 0.1


def setup_inputs(seed: int = 0) -> dict:
    key = jax.random.key(seed)
    logits = jax.random.normal(key, (4194304,), dtype=jnp.float32)
    return {"logits": logits}


def reference(logits):
    n = logits.shape[-1]
    if K < 1:
        return jnp.zeros_like(logits)
    if K < n:
        # torch.kthvalue(logits, n - K) = (n-K)-th smallest (1-indexed)
        sorted_logits = jnp.sort(logits, axis=-1)
        kth_value = sorted_logits[n - K - 1]
    else:
        kth_value = jnp.min(logits) - 1.0
    soft_mask = jax.nn.sigmoid((logits - kth_value) / TEMPERATURE)
    return soft_mask

if __name__ == "__main__":
    import jax
    _d = setup_inputs()
    print(jax.jit(kernel)(*tuple(_d.values())))

</pallas_src>

<mosaic_0001>
#map = affine_map<(d0, d1) -> (0)>
module attributes {stable_mosaic.version = 14 : i64} {
  func.func @hist_kernel(%arg0: i32, %arg1: i32, %arg2: memref<4194304xf32, #tpu.memory_space<hbm>>, %arg3: memref<16xi32, #tpu.memory_space<hbm>>, %arg4: memref<2097152xi32, #tpu.memory_space<hbm>>, %arg5: memref<65536xi32, #tpu.memory_space<vmem>>, %arg6: memref<16384xf32, #tpu.memory_space<vmem>>, %arg7: memref<16384xf32, #tpu.memory_space<vmem>>, %arg8: memref<16xi32, #tpu.memory_space<vmem>>, %arg9: memref<!tpu.dma_semaphore, #tpu.memory_space<semaphore_mem>>, %arg10: memref<!tpu.dma_semaphore, #tpu.memory_space<semaphore_mem>>) attributes {dimension_semantics = [#tpu.dimension_semantics<core_parallel>, #tpu.dimension_semantics<subcore_parallel>], iteration_bounds = array<i64: 2, 16>, scalar_prefetch = 0 : i64, scratch_operands = 6 : i64, tpu.core_type = #tpu.core_type<sc_vector_subcore>, window_params = [{transform_indices = #map}, {transform_indices = #map}, {transform_indices = #map}]} {
    %mul3A = arith.constant 2 : i32
    %mul3A_0 = arith.muli %arg1, %mul3A : i32
    %add3A = arith.addi %mul3A_0, %arg0 : i32
    %mul3A_1 = arith.constant 131072 : i32
    %mul3A_2 = arith.muli %add3A, %mul3A_1 : i32
    %broadcast_in_dim3A = arith.constant 1 : i32
    %broadcast_in_dim3A_3 = vector.broadcast %broadcast_in_dim3A : i32 to vector<16xi32>
    %broadcast_in_dim3A_4 = arith.constant 0 : i32
    %broadcast_in_dim3A_5 = vector.broadcast %broadcast_in_dim3A_4 : i32 to vector<16xi32>
    "tpu.region"() ({
      %run_scoped3A = tpu.sem_alloc : memref<!tpu.dma_semaphore, #tpu.memory_space<semaphore_mem>>
      tpu.enqueue_dma source(%arg3 : memref<16xi32, #tpu.memory_space<hbm>>) target(%arg8 : memref<16xi32, #tpu.memory_space<vmem>>) target_semaphore(%run_scoped3A : memref<!tpu.dma_semaphore, #tpu.memory_space<semaphore_mem>>)
      tpu.wait_dma2 semaphore(%run_scoped3A : memref<!tpu.dma_semaphore, #tpu.memory_space<semaphore_mem>>) src(%arg3 : memref<16xi32, #tpu.memory_space<hbm>>) dst(%arg8 : memref<16xi32, #tpu.memory_space<vmem>>)
      tpu.yield
    }) : () -> ()
    %get3A = arith.constant 0 : index
    %get3A_6 = tpu.vector_load %arg8[%get3A] {strides = array<i32>} : memref<16xi32, #tpu.memory_space<vmem>>, vector<16xi32>,
    %dma_start3A = tpu.memref_slice %arg2[%mul3A_2] : memref<4194304xf32, #tpu.memory_space<hbm>> -> memref<16384xf32, #tpu.memory_space<hbm>>
    %dma_start3A_7 = tpu.memref_slice %arg2[%mul3A_2] : memref<4194304xf32, #tpu.memory_space<hbm>> -> memref<16384xf32, #tpu.memory_space<hbm>>
    tpu.enqueue_dma source(%dma_start3A_7 : memref<16384xf32, #tpu.memory_space<hbm>>) target(%arg6 : memref<16384xf32, #tpu.memory_space<vmem>>) target_semaphore(%arg9 : memref<!tpu.dma_semaphore, #tpu.memory_space<semaphore_mem>>)
    %parallel_loop3A = arith.constant 0 : i32
    %parallel_loop3A_8 = arith.constant 4096 : i32
    %parallel_loop3A_9 = arith.constant 1 : i32
    scf.for %parallel_loop3A_79 = %parallel_loop3A to %parallel_loop3A_8 step %parallel_loop3A_9  : i32 {
      %parallel_loop3A_80 = arith.constant 16 : i32
      %parallel_loop3A_81 = arith.muli %parallel_loop3A_79, %parallel_loop3A_80 : i32
      %parallel_loop3A_82 = arith.index_cast %parallel_loop3A_81 : i32 to index
      %parallel_loop3A_83 = tpu.vector_load %arg5[%parallel_loop3A_82] {strides = array<i32>} : memref<65536xi32, #tpu.memory_space<vmem>>, vector<16xi32>,
      tpu.vector_store %arg5[%parallel_loop3A_82], %broadcast_in_dim3A_5 {strides = array<i32>} : memref<65536xi32, #tpu.memory_space<vmem>>, vector<16xi32>,
    } {sc.loop_unroll_factor = 8 : i64, sc.parallel_access}
    %add3A_10 = arith.constant 16384 : i32
    %add3A_11 = arith.addi %mul3A_2, %add3A_10 : i32
    %dma_start3A_12 = tpu.memref_slice %arg2[%add3A_11] : memref<4194304xf32, #tpu.memory_space<hbm>> -> memref<16384xf32, #tpu.memory_space<hbm>>
    %dma_start3A_13 = tpu.memref_slice %arg2[%add3A_11] : memref<4194304xf32, #tpu.memory_space<hbm>> -> memref<16384xf32, #tpu.memory_space<hbm>>
    tpu.enqueue_dma source(%dma_start3A_13 : memref<16384xf32, #tpu.memory_space<hbm>>) target(%arg7 : memref<16384xf32, #tpu.memory_space<vmem>>) target_semaphore(%arg10 : memref<!tpu.dma_semaphore, #tpu.memory_space<semaphore_mem>>)
    %dma_wait3A = tpu.memref_slice %arg2[%mul3A_2] : memref<4194304xf32, #tpu.memory_space<hbm>> -> memref<16384xf32, #tpu.memory_space<hbm>>
    %dma_wait3A_14 = tpu.memref_slice %arg2[%mul3A_2] : memref<4194304xf32, #tpu.memory_space<hbm>> -> memref<16384xf32, #tpu.memory_space<hbm>>
    tpu.wait_dma2 semaphore(%arg9 : memref<!tpu.dma_semaphore, #tpu.memory_space<semaphore_mem>>) src(%dma_wait3A_14 : memref<16384xf32, #tpu.memory_space<hbm>>) dst(%arg6 : memref<16384xf32, #tpu.memory_space<vmem>>)
    %parallel_loop3A_15 = arith.constant 0 : i32
    %parallel_loop3A_16 = arith.constant 1024 : i32
    %parallel_loop3A_17 = arith.constant 1 : i32
    scf.for %parallel_loop3A_79 = %parallel_loop3A_15 to %parallel_loop3A_16 step %parallel_loop3A_17  : i32 {
      %parallel_loop3A_80 = arith.constant 16 : i32
      %parallel_loop3A_81 = arith.muli %parallel_loop3A_79, %parallel_loop3A_80 : i32
      %parallel_loop3A_82 = arith.index_cast %parallel_loop3A_81 : i32 to index
      %parallel_loop3A_83 = tpu.vector_load %arg6[%parallel_loop3A_82] {strides = array<i32>} : memref<16384xf32, #tpu.memory_space<vmem>>, vector<16xf32>,
      %parallel_loop3A_84 = tpu.bitcast %parallel_loop3A_83 : vector<16xf32> -> vector<16xi32>
      %parallel_loop3A_85 = arith.constant 31 : i32
      %parallel_loop3A_86 = vector.broadcast %parallel_loop3A_85 : i32 to vector<16xi32>
      %parallel_loop3A_87 = arith.shrsi %parallel_loop3A_84, %parallel_loop3A_86 : vector<16xi32>
      %parallel_loop3A_88 = arith.constant -2147483648 : i32
      %parallel_loop3A_89 = vector.broadcast %parallel_loop3A_88 : i32 to vector<16xi32>
      %parallel_loop3A_90 = arith.ori %parallel_loop3A_87, %parallel_loop3A_89 : vector<16xi32>
      %parallel_loop3A_91 = arith.xori %parallel_loop3A_84, %parallel_loop3A_90 : vector<16xi32>
      %parallel_loop3A_92 = arith.constant 16 : i32
      %parallel_loop3A_93 = vector.broadcast %parallel_loop3A_92 : i32 to vector<16xi32>
      %parallel_loop3A_94 = arith.shrui %parallel_loop3A_91, %parallel_loop3A_93 : vector<16xi32>
      tpu.vector_store_idx %arg5[%parallel_loop3A_94], %broadcast_in_dim3A_3 {add = true} : memref<65536xi32, #tpu.memory_space<vmem>>[vector<16xi32>], vector<16xi32>,
    } {sc.loop_unroll_factor = 8 : i64, sc.parallel_access}
    %add3A_18 = arith.constant 32768 : i32
    %add3A_19 = arith.addi %mul3A_2, %add3A_18 : i32
    %dma_start3A_20 = tpu.memref_slice %arg2[%add3A_19] : memref<4194304xf32, #tpu.memory_space<hbm>> -> memref<16384xf32, #tpu.memory_space<hbm>>
    %dma_start3A_21 = tpu.memref_slice %arg2[%add3A_19] : memref<4194304xf32, #tpu.memory_space<hbm>> -> memref<16384xf32, #tpu.memory_space<hbm>>
    tpu.enqueue_dma source(%dma_start3A_21 : memref<16384xf32, #tpu.memory_space<hbm>>) target(%arg6 : memref<16384xf32, #tpu.memory_space<vmem>>) target_semaphore(%arg9 : memref<!tpu.dma_semaphore, #tpu.memory_space<semaphore_mem>>)
    %dma_wait3A_22 = tpu.memref_slice %arg2[%add3A_11] : memref<4194304xf32, #tpu.memory_space<hbm>> -> memref<16384xf32, #tpu.memory_space<hbm>>
    %dma_wait3A_23 = tpu.memref_slice %arg2[%add3A_11] : memref<4194304xf32, #tpu.memory_space<hbm>> -> memref<16384xf32, #tpu.memory_space<hbm>>
    tpu.wait_dma2 semaphore(%arg10 : memref<!tpu.dma_semaphore, #tpu.memory_space<semaphore_mem>>) src(%dma_wait3A_23 : memref<16384xf32, #tpu.memory_space<hbm>>) dst(%arg7 : memref<16384xf32, #tpu.memory_space<vmem>>)
    %parallel_loop3A_24 = arith.constant 0 : i32
    %parallel_loop3A_25 = arith.constant 1024 : i32
    %parallel_loop3A_26 = arith.constant 1 : i32
    scf.for %parallel_loop3A_79 = %parallel_loop3A_24 to %parallel_loop3A_25 step %parallel_loop3A_26  : i32 {
      %parallel_loop3A_80 = arith.constant 16 : i32
      %parallel_loop3A_81 = arith.muli %parallel_loop3A_79, %parallel_loop3A_80 : i32
      %parallel_loop3A_82 = arith.index_cast %parallel_loop3A_81 : i32 to index
      %parallel_loop3A_83 = tpu.vector_load %arg7[%parallel_loop3A_82] {strides = array<i32>} : memref<16384xf32, #tpu.memory_space<vmem>>, vector<16xf32>,
      %parallel_loop3A_84 = tpu.bitcast %parallel_loop3A_83 : vector<16xf32> -> vector<16xi32>
      %parallel_loop3A_85 = arith.constant 31 : i32
      %parallel_loop3A_86 = vector.broadcast %parallel_loop3A_85 : i32 to vector<16xi32>
      %parallel_loop3A_87 = arith.shrsi %parallel_loop3A_84, %parallel_loop3A_86 : vector<16xi32>
      %parallel_loop3A_88 = arith.constant -2147483648 : i32
      %parallel_loop3A_89 = vector.broadcast %parallel_loop3A_88 : i32 to vector<16xi32>
      %parallel_loop3A_90 = arith.ori %parallel_loop3A_87, %parallel_loop3A_89 : vector<16xi32>
      %parallel_loop3A_91 = arith.xori %parallel_loop3A_84, %parallel_loop3A_90 : vector<16xi32>
      %parallel_loop3A_92 = arith.constant 16 : i32
      %parallel_loop3A_93 = vector.broadcast %parallel_loop3A_92 : i32 to vector<16xi32>
      %parallel_loop3A_94 = arith.shrui %parallel_loop3A_91, %parallel_loop3A_93 : vector<16xi32>
      tpu.vector_store_idx %arg5[%parallel_loop3A_94], %broadcast_in_dim3A_3 {add = true} : memref<65536xi32, #tpu.memory_space<vmem>>[vector<16xi32>], vector<16xi32>,
    } {sc.loop_unroll_factor = 8 : i64, sc.parallel_access}
    %add3A_27 = arith.constant 49152 : i32
    %add3A_28 = arith.addi %mul3A_2, %add3A_27 : i32
    %dma_start3A_29 = tpu.memref_slice %arg2[%add3A_28] : memref<4194304xf32, #tpu.memory_space<hbm>> -> memref<16384xf32, #tpu.memory_space<hbm>>
    %dma_start3A_30 = tpu.memref_slice %arg2[%add3A_28] : memref<4194304xf32, #tpu.memory_space<hbm>> -> memref<16384xf32, #tpu.memory_space<hbm>>
    tpu.enqueue_dma source(%dma_start3A_30 : memref<16384xf32, #tpu.memory_space<hbm>>) target(%arg7 : memref<16384xf32, #tpu.memory_space<vmem>>) target_semaphore(%arg10 : memref<!tpu.dma_semaphore, #tpu.memory_space<semaphore_mem>>)
    %dma_wait3A_31 = tpu.memref_slice %arg2[%add3A_19] : memref<4194304xf32, #tpu.memory_space<hbm>> -> memref<16384xf32, #tpu.memory_space<hbm>>
    %dma_wait3A_32 = tpu.memref_slice %arg2[%add3A_19] : memref<4194304xf32, #tpu.memory_space<hbm>> -> memref<16384xf32, #tpu.memory_space<hbm>>
    tpu.wait_dma2 semaphore(%arg9 : memref<!tpu.dma_semaphore, #tpu.memory_space<semaphore_mem>>) src(%dma_wait3A_32 : memref<16384xf32, #tpu.memory_space<hbm>>) dst(%arg6 : memref<16384xf32, #tpu.memory_space<vmem>>)
    %parallel_loop3A_33 = arith.constant 0 : i32
    %parallel_loop3A_34 = arith.constant 1024 : i32
    %parallel_loop3A_35 = arith.constant 1 : i32
    scf.for %parallel_loop3A_79 = %parallel_loop3A_33 to %parallel_loop3A_34 step %parallel_loop3A_35  : i32 {
      %parallel_loop3A_80 = arith.constant 16 : i32
      %parallel_loop3A_81 = arith.muli %parallel_loop3A_79, %parallel_loop3A_80 : i32
      %parallel_loop3A_82 = arith.index_cast %parallel_loop3A_81 : i32 to index
      %parallel_loop3A_83 = tpu.vector_load %arg6[%parallel_loop3A_82] {strides = array<i32>} : memref<16384xf32, #tpu.memory_space<vmem>>, vector<16xf32>,
      %parallel_loop3A_84 = tpu.bitcast %parallel_loop3A_83 : vector<16xf32> -> vector<16xi32>
      %parallel_loop3A_85 = arith.constant 31 : i32
      %parallel_loop3A_86 = vector.broadcast %parallel_loop3A_85 : i32 to vector<16xi32>
      %parallel_loop3A_87 = arith.shrsi %parallel_loop3A_84, %parallel_loop3A_86 : vector<16xi32>
      %parallel_loop3A_88 = arith.constant -2147483648 : i32
      %parallel_loop3A_89 = vector.broadcast %parallel_loop3A_88 : i32 to vector<16xi32>
      %parallel_loop3A_90 = arith.ori %parallel_loop3A_87, %parallel_loop3A_89 : vector<16xi32>
      %parallel_loop3A_91 = arith.xori %parallel_loop3A_84, %parallel_loop3A_90 : vector<16xi32>
      %parallel_loop3A_92 = arith.constant 16 : i32
      %parallel_loop3A_93 = vector.broadcast %parallel_loop3A_92 : i32 to vector<16xi32>
      %parallel_loop3A_94 = arith.shrui %parallel_loop3A_91, %parallel_loop3A_93 : vector<16xi32>
      tpu.vector_store_idx %arg5[%parallel_loop3A_94], %broadcast_in_dim3A_3 {add = true} : memref<65536xi32, #tpu.memory_space<vmem>>[vector<16xi32>], vector<16xi32>,
    } {sc.loop_unroll_factor = 8 : i64, sc.parallel_access}
    %add3A_36 = arith.constant 65536 : i32
    %add3A_37 = arith.addi %mul3A_2, %add3A_36 : i32
    %dma_start3A_38 = tpu.memref_slice %arg2[%add3A_37] : memref<4194304xf32, #tpu.memory_space<hbm>> -> memref<16384xf32, #tpu.memory_space<hbm>>
    %dma_start3A_39 = tpu.memref_slice %arg2[%add3A_37] : memref<4194304xf32, #tpu.memory_space<hbm>> -> memref<16384xf32, #tpu.memory_space<hbm>>
    tpu.enqueue_dma source(%dma_start3A_39 : memref<16384xf32, #tpu.memory_space<hbm>>) target(%arg6 : memref<16384xf32, #tpu.memory_space<vmem>>) target_semaphore(%arg9 : memref<!tpu.dma_semaphore, #tpu.memory_space<semaphore_mem>>)
    %dma_wait3A_40 = tpu.memref_slice %arg2[%add3A_28] : memref<4194304xf32, #tpu.memory_space<hbm>> -> memref<16384xf32, #tpu.memory_space<hbm>>
    %dma_wait3A_41 = tpu.memref_slice %arg2[%add3A_28] : memref<4194304xf32, #tpu.memory_space<hbm>> -> memref<16384xf32, #tpu.memory_space<hbm>>
    tpu.wait_dma2 semaphore(%arg10 : memref<!tpu.dma_semaphore, #tpu.memory_space<semaphore_mem>>) src(%dma_wait3A_41 : memref<16384xf32, #tpu.memory_space<hbm>>) dst(%arg7 : memref<16384xf32, #tpu.memory_space<vmem>>)
    %parallel_loop3A_42 = arith.constant 0 : i32
    %parallel_loop3A_43 = arith.constant 1024 : i32
    %parallel_loop3A_44 = arith.constant 1 : i32
    scf.for %parallel_loop3A_79 = %parallel_loop3A_42 to %parallel_loop3A_43 step %parallel_loop3A_44  : i32 {
      %parallel_loop3A_80 = arith.constant 16 : i32
      %parallel_loop3A_81 = arith.muli %parallel_loop3A_79, %parallel_loop3A_80 : i32
      %parallel_loop3A_82 = arith.index_cast %parallel_loop3A_81 : i32 to index
      %parallel_loop3A_83 = tpu.vector_load %arg7[%parallel_loop3A_82] {strides = array<i32>} : memref<16384xf32, #tpu.memory_space<vmem>>, vector<16xf32>,
      %parallel_loop3A_84 = tpu.bitcast %parallel_loop3A_83 : vector<16xf32> -> vector<16xi32>
      %parallel_loop3A_85 = arith.constant 31 : i32
      %parallel_loop3A_86 = vector.broadcast %parallel_loop3A_85 : i32 to vector<16xi32>
      %parallel_loop3A_87 = arith.shrsi %parallel_loop3A_84, %parallel_loop3A_86 : vector<16xi32>
      %parallel_loop3A_88 = arith.constant -2147483648 : i32
      %parallel_loop3A_89 = vector.broadcast %parallel_loop3A_88 : i32 to vector<16xi32>
      %parallel_loop3A_90 = arith.ori %parallel_loop3A_87, %parallel_loop3A_89 : vector<16xi32>
      %parallel_loop3A_91 = arith.xori %parallel_loop3A_84, %parallel_loop3A_90 : vector<16xi32>
      %parallel_loop3A_92 = arith.constant 16 : i32
      %parallel_loop3A_93 = vector.broadcast %parallel_loop3A_92 : i32 to vector<16xi32>
      %parallel_loop3A_94 = arith.shrui %parallel_loop3A_91, %parallel_loop3A_93 : vector<16xi32>
      tpu.vector_store_idx %arg5[%parallel_loop3A_94], %broadcast_in_dim3A_3 {add = true} : memref<65536xi32, #tpu.memory_space<vmem>>[vector<16xi32>], vector<16xi32>,
    } {sc.loop_unroll_factor = 8 : i64, sc.parallel_access}
    %add3A_45 = arith.constant 81920 : i32
    %add3A_46 = arith.addi %mul3A_2, %add3A_45 : i32
    %dma_start3A_47 = tpu.memref_slice %arg2[%add3A_46] : memref<4194304xf32, #tpu.memory_space<hbm>> -> memref<16384xf32, #tpu.memory_space<hbm>>
    %dma_start3A_48 = tpu.memref_slice %arg2[%add3A_46] : memref<4194304xf32, #tpu.memory_space<hbm>> -> memref<16384xf32, #tpu.memory_space<hbm>>
    tpu.enqueue_dma source(%dma_start3A_48 : memref<16384xf32, #tpu.memory_space<hbm>>) target(%arg7 : memref<16384xf32, #tpu.memory_space<vmem>>) target_semaphore(%arg10 : memref<!tpu.dma_semaphore, #tpu.memory_space<semaphore_mem>>)
    %dma_wait3A_49 = tpu.memref_slice %arg2[%add3A_37] : memref<4194304xf32, #tpu.memory_space<hbm>> -> memref<16384xf32, #tpu.memory_space<hbm>>
    %dma_wait3A_50 = tpu.memref_slice %arg2[%add3A_37] : memref<4194304xf32, #tpu.memory_space<hbm>> -> memref<16384xf32, #tpu.memory_space<hbm>>
    tpu.wait_dma2 semaphore(%arg9 : memref<!tpu.dma_semaphore, #tpu.memory_space<semaphore_mem>>) src(%dma_wait3A_50 : memref<16384xf32, #tpu.memory_space<hbm>>) dst(%arg6 : memref<16384xf32, #tpu.memory_space<vmem>>)
    %parallel_loop3A_51 = arith.constant 0 : i32
    %parallel_loop3A_52 = arith.constant 1024 : i32
    %parallel_loop3A_53 = arith.constant 1 : i32
    scf.for %parallel_loop3A_79 = %parallel_loop3A_51 to %parallel_loop3A_52 step %parallel_loop3A_53  : i32 {
      %parallel_loop3A_80 = arith.constant 16 : i32
      %parallel_loop3A_81 = arith.muli %parallel_loop3A_79, %parallel_loop3A_80 : i32
      %parallel_loop3A_82 = arith.index_cast %parallel_loop3A_81 : i32 to index
      %parallel_loop3A_83 = tpu.vector_load %arg6[%parallel_loop3A_82] {strides = array<i32>} : memref<16384xf32, #tpu.memory_space<vmem>>, vector<16xf32>,
      %parallel_loop3A_84 = tpu.bitcast %parallel_loop3A_83 : vector<16xf32> -> vector<16xi32>
      %parallel_loop3A_85 = arith.constant 31 : i32
      %parallel_loop3A_86 = vector.broadcast %parallel_loop3A_85 : i32 to vector<16xi32>
      %parallel_loop3A_87 = arith.shrsi %parallel_loop3A_84, %parallel_loop3A_86 : vector<16xi32>
      %parallel_loop3A_88 = arith.constant -2147483648 : i32
      %parallel_loop3A_89 = vector.broadcast %parallel_loop3A_88 : i32 to vector<16xi32>
      %parallel_loop3A_90 = arith.ori %parallel_loop3A_87, %parallel_loop3A_89 : vector<16xi32>
      %parallel_loop3A_91 = arith.xori %parallel_loop3A_84, %parallel_loop3A_90 : vector<16xi32>
      %parallel_loop3A_92 = arith.constant 16 : i32
      %parallel_loop3A_93 = vector.broadcast %parallel_loop3A_92 : i32 to vector<16xi32>
      %parallel_loop3A_94 = arith.shrui %parallel_loop3A_91, %parallel_loop3A_93 : vector<16xi32>
      tpu.vector_store_idx %arg5[%parallel_loop3A_94], %broadcast_in_dim3A_3 {add = true} : memref<65536xi32, #tpu.memory_space<vmem>>[vector<16xi32>], vector<16xi32>,
    } {sc.loop_unroll_factor = 8 : i64, sc.parallel_access}
    %add3A_54 = arith.constant 98304 : i32
    %add3A_55 = arith.addi %mul3A_2, %add3A_54 : i32
    %dma_start3A_56 = tpu.memref_slice %arg2[%add3A_55] : memref<4194304xf32, #tpu.memory_space<hbm>> -> memref<16384xf32, #tpu.memory_space<hbm>>
    %dma_start3A_57 = tpu.memref_slice %arg2[%add3A_55] : memref<4194304xf32, #tpu.memory_space<hbm>> -> memref<16384xf32, #tpu.memory_space<hbm>>
    tpu.enqueue_dma source(%dma_start3A_57 : memref<16384xf32, #tpu.memory_space<hbm>>) target(%arg6 : memref<16384xf32, #tpu.memory_space<vmem>>) target_semaphore(%arg9 : memref<!tpu.dma_semaphore, #tpu.memory_space<semaphore_mem>>)
    %dma_wait3A_58 = tpu.memref_slice %arg2[%add3A_46] : memref<4194304xf32, #tpu.memory_space<hbm>> -> memref<16384xf32, #tpu.memory_space<hbm>>
    %dma_wait3A_59 = tpu.memref_slice %arg2[%add3A_46] : memref<4194304xf32, #tpu.memory_space<hbm>> -> memref<16384xf32, #tpu.memory_space<hbm>>
    tpu.wait_dma2 semaphore(%arg10 : memref<!tpu.dma_semaphore, #tpu.memory_space<semaphore_mem>>) src(%dma_wait3A_59 : memref<16384xf32, #tpu.memory_space<hbm>>) dst(%arg7 : memref<16384xf32, #tpu.memory_space<vmem>>)
    %parallel_loop3A_60 = arith.constant 0 : i32
    %parallel_loop3A_61 = arith.constant 1024 : i32
    %parallel_loop3A_62 = arith.constant 1 : i32
    scf.for %parallel_loop3A_79 = %parallel_loop3A_60 to %parallel_loop3A_61 step %parallel_loop3A_62  : i32 {
      %parallel_loop3A_80 = arith.constant 16 : i32
      %parallel_loop3A_81 = arith.muli %parallel_loop3A_79, %parallel_loop3A_80 : i32
      %parallel_loop3A_82 = arith.index_cast %parallel_loop3A_81 : i32 to index
      %parallel_loop3A_83 = tpu.vector_load %arg7[%parallel_loop3A_82] {strides = array<i32>} : memref<16384xf32, #tpu.memory_space<vmem>>, vector<16xf32>,
      %parallel_loop3A_84 = tpu.bitcast %parallel_loop3A_83 : vector<16xf32> -> vector<16xi32>
      %parallel_loop3A_85 = arith.constant 31 : i32
      %parallel_loop3A_86 = vector.broadcast %parallel_loop3A_85 : i32 to vector<16xi32>
      %parallel_loop3A_87 = arith.shrsi %parallel_loop3A_84, %parallel_loop3A_86 : vector<16xi32>
      %parallel_loop3A_88 = arith.constant -2147483648 : i32
      %parallel_loop3A_89 = vector.broadcast %parallel_loop3A_88 : i32 to vector<16xi32>
      %parallel_loop3A_90 = arith.ori %parallel_loop3A_87, %parallel_loop3A_89 : vector<16xi32>
      %parallel_loop3A_91 = arith.xori %parallel_loop3A_84, %parallel_loop3A_90 : vector<16xi32>
      %parallel_loop3A_92 = arith.constant 16 : i32
      %parallel_loop3A_93 = vector.broadcast %parallel_loop3A_92 : i32 to vector<16xi32>
      %parallel_loop3A_94 = arith.shrui %parallel_loop3A_91, %parallel_loop3A_93 : vector<16xi32>
      tpu.vector_store_idx %arg5[%parallel_loop3A_94], %broadcast_in_dim3A_3 {add = true} : memref<65536xi32, #tpu.memory_space<vmem>>[vector<16xi32>], vector<16xi32>,
    } {sc.loop_unroll_factor = 8 : i64, sc.parallel_access}
    %add3A_63 = arith.constant 114688 : i32
    %add3A_64 = arith.addi %mul3A_2, %add3A_63 : i32
    %dma_start3A_65 = tpu.memref_slice %arg2[%add3A_64] : memref<4194304xf32, #tpu.memory_space<hbm>> -> memref<16384xf32, #tpu.memory_space<hbm>>
    %dma_start3A_66 = tpu.memref_slice %arg2[%add3A_64] : memref<4194304xf32, #tpu.memory_space<hbm>> -> memref<16384xf32, #tpu.memory_space<hbm>>
    tpu.enqueue_dma source(%dma_start3A_66 : memref<16384xf32, #tpu.memory_space<hbm>>) target(%arg7 : memref<16384xf32, #tpu.memory_space<vmem>>) target_semaphore(%arg10 : memref<!tpu.dma_semaphore, #tpu.memory_space<semaphore_mem>>)
    %dma_wait3A_67 = tpu.memref_slice %arg2[%add3A_55] : memref<4194304xf32, #tpu.memory_space<hbm>> -> memref<16384xf32, #tpu.memory_space<hbm>>
    %dma_wait3A_68 = tpu.memref_slice %arg2[%add3A_55] : memref<4194304xf32, #tpu.memory_space<hbm>> -> memref<16384xf32, #tpu.memory_space<hbm>>
    tpu.wait_dma2 semaphore(%arg9 : memref<!tpu.dma_semaphore, #tpu.memory_space<semaphore_mem>>) src(%dma_wait3A_68 : memref<16384xf32, #tpu.memory_space<hbm>>) dst(%arg6 : memref<16384xf32, #tpu.memory_space<vmem>>)
    %parallel_loop3A_69 = arith.constant 0 : i32
    %parallel_loop3A_70 = arith.constant 1024 : i32
    %parallel_loop3A_71 = arith.constant 1 : i32
    scf.for %parallel_loop3A_79 = %parallel_loop3A_69 to %parallel_loop3A_70 step %parallel_loop3A_71  : i32 {
      %parallel_loop3A_80 = arith.constant 16 : i32
      %parallel_loop3A_81 = arith.muli %parallel_loop3A_79, %parallel_loop3A_80 : i32
      %parallel_loop3A_82 = arith.index_cast %parallel_loop3A_81 : i32 to index
      %parallel_loop3A_83 = tpu.vector_load %arg6[%parallel_loop3A_82] {strides = array<i32>} : memref<16384xf32, #tpu.memory_space<vmem>>, vector<16xf32>,
      %parallel_loop3A_84 = tpu.bitcast %parallel_loop3A_83 : vector<16xf32> -> vector<16xi32>
      %parallel_loop3A_85 = arith.constant 31 : i32
      %parallel_loop3A_86 = vector.broadcast %parallel_loop3A_85 : i32 to vector<16xi32>
      %parallel_loop3A_87 = arith.shrsi %parallel_loop3A_84, %parallel_loop3A_86 : vector<16xi32>
      %parallel_loop3A_88 = arith.constant -2147483648 : i32
      %parallel_loop3A_89 = vector.broadcast %parallel_loop3A_88 : i32 to vector<16xi32>
      %parallel_loop3A_90 = arith.ori %parallel_loop3A_87, %parallel_loop3A_89 : vector<16xi32>
      %parallel_loop3A_91 = arith.xori %parallel_loop3A_84, %parallel_loop3A_90 : vector<16xi32>
      %parallel_loop3A_92 = arith.constant 16 : i32
      %parallel_loop3A_93 = vector.broadcast %parallel_loop3A_92 : i32 to vector<16xi32>
      %parallel_loop3A_94 = arith.shrui %parallel_loop3A_91, %parallel_loop3A_93 : vector<16xi32>
      tpu.vector_store_idx %arg5[%parallel_loop3A_94], %broadcast_in_dim3A_3 {add = true} : memref<65536xi32, #tpu.memory_space<vmem>>[vector<16xi32>], vector<16xi32>,
    } {sc.loop_unroll_factor = 8 : i64, sc.parallel_access}
    %dma_wait3A_72 = tpu.memref_slice %arg2[%add3A_64] : memref<4194304xf32, #tpu.memory_space<hbm>> -> memref<16384xf32, #tpu.memory_space<hbm>>
    %dma_wait3A_73 = tpu.memref_slice %arg2[%add3A_64] : memref<4194304xf32, #tpu.memory_space<hbm>> -> memref<16384xf32, #tpu.memory_space<hbm>>
    tpu.wait_dma2 semaphore(%arg10 : memref<!tpu.dma_semaphore, #tpu.memory_space<semaphore_mem>>) src(%dma_wait3A_73 : memref<16384xf32, #tpu.memory_space<hbm>>) dst(%arg7 : memref<16384xf32, #tpu.memory_space<vmem>>)
    %parallel_loop3A_74 = arith.constant 0 : i32
    %parallel_loop3A_75 = arith.constant 1024 : i32
    %parallel_loop3A_76 = arith.constant 1 : i32
    scf.for %parallel_loop3A_79 = %parallel_loop3A_74 to %parallel_loop3A_75 step %parallel_loop3A_76  : i32 {
      %parallel_loop3A_80 = arith.constant 16 : i32
      %parallel_loop3A_81 = arith.muli %parallel_loop3A_79, %parallel_loop3A_80 : i32
      %parallel_loop3A_82 = arith.index_cast %parallel_loop3A_81 : i32 to index
      %parallel_loop3A_83 = tpu.vector_load %arg7[%parallel_loop3A_82] {strides = array<i32>} : memref<16384xf32, #tpu.memory_space<vmem>>, vector<16xf32>,
      %parallel_loop3A_84 = tpu.bitcast %parallel_loop3A_83 : vector<16xf32> -> vector<16xi32>
      %parallel_loop3A_85 = arith.constant 31 : i32
      %parallel_loop3A_86 = vector.broadcast %parallel_loop3A_85 : i32 to vector<16xi32>
      %parallel_loop3A_87 = arith.shrsi %parallel_loop3A_84, %parallel_loop3A_86 : vector<16xi32>
      %parallel_loop3A_88 = arith.constant -2147483648 : i32
      %parallel_loop3A_89 = vector.broadcast %parallel_loop3A_88 : i32 to vector<16xi32>
      %parallel_loop3A_90 = arith.ori %parallel_loop3A_87, %parallel_loop3A_89 : vector<16xi32>
      %parallel_loop3A_91 = arith.xori %parallel_loop3A_84, %parallel_loop3A_90 : vector<16xi32>
      %parallel_loop3A_92 = arith.constant 16 : i32
      %parallel_loop3A_93 = vector.broadcast %parallel_loop3A_92 : i32 to vector<16xi32>
      %parallel_loop3A_94 = arith.shrui %parallel_loop3A_91, %parallel_loop3A_93 : vector<16xi32>
      tpu.vector_store_idx %arg5[%parallel_loop3A_94], %broadcast_in_dim3A_3 {add = true} : memref<65536xi32, #tpu.memory_space<vmem>>[vector<16xi32>], vector<16xi32>,
    } {sc.loop_unroll_factor = 8 : i64, sc.parallel_access}
    %mul3A_77 = arith.constant 65536 : i32
    %mul3A_78 = arith.muli %add3A, %mul3A_77 : i32
    "tpu.region"() ({
      %run_scoped3A = tpu.sem_alloc : memref<!tpu.dma_semaphore, #tpu.memory_space<semaphore_mem>>
      %dma_start3A_79 = tpu.memref_slice %arg4[%mul3A_78] : memref<2097152xi32, #tpu.memory_space<hbm>> -> memref<65536xi32, #tpu.memory_space<hbm>>
      %dma_start3A_80 = tpu.memref_slice %arg4[%mul3A_78] : memref<2097152xi32, #tpu.memory_space<hbm>> -> memref<65536xi32, #tpu.memory_space<hbm>>
      tpu.enqueue_dma source(%arg5 : memref<65536xi32, #tpu.memory_space<vmem>>) target(%dma_start3A_80 : memref<65536xi32, #tpu.memory_space<hbm>>) target_semaphore(%run_scoped3A : memref<!tpu.dma_semaphore, #tpu.memory_space<semaphore_mem>>)
      %dma_wait3A_81 = tpu.memref_slice %arg4[%mul3A_78] : memref<2097152xi32, #tpu.memory_space<hbm>> -> memref<65536xi32, #tpu.memory_space<hbm>>
      %dma_wait3A_82 = tpu.memref_slice %arg4[%mul3A_78] : memref<2097152xi32, #tpu.memory_space<hbm>> -> memref<65536xi32, #tpu.memory_space<hbm>>
      tpu.wait_dma2 semaphore(%run_scoped3A : memref<!tpu.dma_semaphore, #tpu.memory_space<semaphore_mem>>) src(%arg5 : memref<65536xi32, #tpu.memory_space<vmem>>) dst(%dma_wait3A_82 : memref<65536xi32, #tpu.memory_space<hbm>>)
      tpu.yield
    }) : () -> ()
    return
  }
}

#map = affine_map<(d0, d1) -> (0)>
module attributes {stable_mosaic.version = 14 : i64} {
  func.func @hist_kernel(%arg0: i32, %arg1: i32, %arg2: memref<4194304xf32, #tpu.memory_space<hbm>>, %arg3: memref<16xi32, #tpu.memory_space<hbm>>, %arg4: memref<2097152xi32, #tpu.memory_space<hbm>>, %arg5: memref<65536xi32, #tpu.memory_space<vmem>>, %arg6: memref<16384xf32, #tpu.memory_space<vmem>>, %arg7: memref<16384xf32, #tpu.memory_space<vmem>>, %arg8: memref<16xi32, #tpu.memory_space<vmem>>, %arg9: memref<!tpu.dma_semaphore, #tpu.memory_space<semaphore_mem>>, %arg10: memref<!tpu.dma_semaphore, #tpu.memory_space<semaphore_mem>>) attributes {dimension_semantics = [#tpu.dimension_semantics<core_parallel>, #tpu.dimension_semantics<subcore_parallel>], iteration_bounds = array<i64: 2, 16>, scalar_prefetch = 0 : i64, scratch_operands = 6 : i64, tpu.core_type = #tpu.core_type<sc_vector_subcore>, window_params = [{transform_indices = #map}, {transform_indices = #map}, {transform_indices = #map}]} {
    %mul3A = arith.constant 2 : i32
    %mul3A_0 = arith.muli %arg1, %mul3A : i32
    %add3A = arith.addi %mul3A_0, %arg0 : i32
    %mul3A_1 = arith.constant 131072 : i32
    %mul3A_2 = arith.muli %add3A, %mul3A_1 : i32
    %broadcast_in_dim3A = arith.constant 1 : i32
    %broadcast_in_dim3A_3 = vector.broadcast %broadcast_in_dim3A : i32 to vector<16xi32>
    %broadcast_in_dim3A_4 = arith.constant 0 : i32
    %broadcast_in_dim3A_5 = vector.broadcast %broadcast_in_dim3A_4 : i32 to vector<16xi32>
    "tpu.region"() ({
      %run_scoped3A = tpu.sem_alloc : memref<!tpu.dma_semaphore, #tpu.memory_space<semaphore_mem>>
      tpu.enqueue_dma source(%arg3 : memref<16xi32, #tpu.memory_space<hbm>>) target(%arg8 : memref<16xi32, #tpu.memory_space<vmem>>) target_semaphore(%run_scoped3A : memref<!tpu.dma_semaphore, #tpu.memory_space<semaphore_mem>>)
      tpu.wait_dma2 semaphore(%run_scoped3A : memref<!tpu.dma_semaphore, #tpu.memory_space<semaphore_mem>>) src(%arg3 : memref<16xi32, #tpu.memory_space<hbm>>) dst(%arg8 : memref<16xi32, #tpu.memory_space<vmem>>)
      tpu.yield
    }) : () -> ()
    %get3A = arith.constant 0 : index
    %get3A_6 = tpu.vector_load %arg8[%get3A] {strides = array<i32>} : memref<16xi32, #tpu.memory_space<vmem>>, vector<16xi32>,
    %dma_start3A = tpu.memref_slice %arg2[%mul3A_2] : memref<4194304xf32, #tpu.memory_space<hbm>> -> memref<16384xf32, #tpu.memory_space<hbm>>
    %dma_start3A_7 = tpu.memref_slice %arg2[%mul3A_2] : memref<4194304xf32, #tpu.memory_space<hbm>> -> memref<16384xf32, #tpu.memory_space<hbm>>
    tpu.enqueue_dma source(%dma_start3A_7 : memref<16384xf32, #tpu.memory_space<hbm>>) target(%arg6 : memref<16384xf32, #tpu.memory_space<vmem>>) target_semaphore(%arg9 : memref<!tpu.dma_semaphore, #tpu.memory_space<semaphore_mem>>)
    %parallel_loop3A = arith.constant 0 : i32
    %parallel_loop3A_8 = arith.constant 4096 : i32
    %parallel_loop3A_9 = arith.constant 1 : i32
    scf.for %parallel_loop3A_79 = %parallel_loop3A to %parallel_loop3A_8 step %parallel_loop3A_9  : i32 {
      %parallel_loop3A_80 = arith.constant 16 : i32
      %parallel_loop3A_81 = arith.muli %parallel_loop3A_79, %parallel_loop3A_80 : i32
      %parallel_loop3A_82 = arith.index_cast %parallel_loop3A_81 : i32 to index
      %parallel_loop3A_83 = tpu.vector_load %arg5[%parallel_loop3A_82] {strides = array<i32>} : memref<65536xi32, #tpu.memory_space<vmem>>, vector<16xi32>,
      tpu.vector_store %arg5[%parallel_loop3A_82], %broadcast_in_dim3A_5 {strides = array<i32>} : memref<65536xi32, #tpu.memory_space<vmem>>, vector<16xi32>,
    } {sc.loop_unroll_factor = 8 : i64, sc.parallel_access}
    %add3A_10 = arith.constant 16384 : i32
    %add3A_11 = arith.addi %mul3A_2, %add3A_10 : i32
    %dma_start3A_12 = tpu.memref_slice %arg2[%add3A_11] : memref<4194304xf32, #tpu.memory_space<hbm>> -> memref<16384xf32, #tpu.memory_space<hbm>>
    %dma_start3A_13 = tpu.memref_slice %arg2[%add3A_11] : memref<4194304xf32, #tpu.memory_space<hbm>> -> memref<16384xf32, #tpu.memory_space<hbm>>
    tpu.enqueue_dma source(%dma_start3A_13 : memref<16384xf32, #tpu.memory_space<hbm>>) target(%arg7 : memref<16384xf32, #tpu.memory_space<vmem>>) target_semaphore(%arg10 : memref<!tpu.dma_semaphore, #tpu.memory_space<semaphore_mem>>)
    %dma_wait3A = tpu.memref_slice %arg2[%mul3A_2] : memref<4194304xf32, #tpu.memory_space<hbm>> -> memref<16384xf32, #tpu.memory_space<hbm>>
    %dma_wait3A_14 = tpu.memref_slice %arg2[%mul3A_2] : memref<4194304xf32, #tpu.memory_space<hbm>> -> memref<16384xf32, #tpu.memory_space<hbm>>
    tpu.wait_dma2 semaphore(%arg9 : memref<!tpu.dma_semaphore, #tpu.memory_space<semaphore_mem>>) src(%dma_wait3A_14 : memref<16384xf32, #tpu.memory_space<hbm>>) dst(%arg6 : memref<16384xf32, #tpu.memory_space<vmem>>)
    %parallel_loop3A_15 = arith.constant 0 : i32
    %parallel_loop3A_16 = arith.constant 1024 : i32
    %parallel_loop3A_17 = arith.constant 1 : i32
    scf.for %parallel_loop3A_79 = %parallel_loop3A_15 to %parallel_loop3A_16 step %parallel_loop3A_17  : i32 {
      %parallel_loop3A_80 = arith.constant 16 : i32
      %parallel_loop3A_81 = arith.muli %parallel_loop3A_79, %parallel_loop3A_80 : i32
      %parallel_loop3A_82 = arith.index_cast %parallel_loop3A_81 : i32 to index
      %parallel_loop3A_83 = tpu.vector_load %arg6[%parallel_loop3A_82] {strides = array<i32>} : memref<16384xf32, #tpu.memory_space<vmem>>, vector<16xf32>,
      %parallel_loop3A_84 = tpu.bitcast %parallel_loop3A_83 : vector<16xf32> -> vector<16xi32>
      %parallel_loop3A_85 = arith.constant 31 : i32
      %parallel_loop3A_86 = vector.broadcast %parallel_loop3A_85 : i32 to vector<16xi32>
      %parallel_loop3A_87 = arith.shrsi %parallel_loop3A_84, %parallel_loop3A_86 : vector<16xi32>
      %parallel_loop3A_88 = arith.constant -2147483648 : i32
      %parallel_loop3A_89 = vector.broadcast %parallel_loop3A_88 : i32 to vector<16xi32>
      %parallel_loop3A_90 = arith.ori %parallel_loop3A_87, %parallel_loop3A_89 : vector<16xi32>
      %parallel_loop3A_91 = arith.xori %parallel_loop3A_84, %parallel_loop3A_90 : vector<16xi32>
      %parallel_loop3A_92 = arith.constant 16 : i32
      %parallel_loop3A_93 = vector.broadcast %parallel_loop3A_92 : i32 to vector<16xi32>
      %parallel_loop3A_94 = arith.shrui %parallel_loop3A_91, %parallel_loop3A_93 : vector<16xi32>
      %parallel_loop3A_95 = arith.cmpi eq, %parallel_loop3A_94, %get3A_6 : vector<16xi32>
      %parallel_loop3A_96 = arith.constant 65535 : i32
      %parallel_loop3A_97 = vector.broadcast %parallel_loop3A_96 : i32 to vector<16xi32>
      %parallel_loop3A_98 = arith.andi %parallel_loop3A_91, %parallel_loop3A_97 : vector<16xi32>
      tpu.vector_store_idx %arg5[%parallel_loop3A_98], %broadcast_in_dim3A_3 masked %parallel_loop3A_95 {add = true} : memref<65536xi32, #tpu.memory_space<vmem>>[vector<16xi32>], vector<16xi32>, vector<16xi1>
    } {sc.loop_unroll_factor = 8 : i64, sc.parallel_access}
    %add3A_18 = arith.constant 32768 : i32
    %add3A_19 = arith.addi %mul3A_2, %add3A_18 : i32
    %dma_start3A_20 = tpu.memref_slice %arg2[%add3A_19] : memref<4194304xf32, #tpu.memory_space<hbm>> -> memref<16384xf32, #tpu.memory_space<hbm>>
    %dma_start3A_21 = tpu.memref_slice %arg2[%add3A_19] : memref<4194304xf32, #tpu.memory_space<hbm>> -> memref<16384xf32, #tpu.memory_space<hbm>>
    tpu.enqueue_dma source(%dma_start3A_21 : memref<16384xf32, #tpu.memory_space<hbm>>) target(%arg6 : memref<16384xf32, #tpu.memory_space<vmem>>) target_semaphore(%arg9 : memref<!tpu.dma_semaphore, #tpu.memory_space<semaphore_mem>>)
    %dma_wait3A_22 = tpu.memref_slice %arg2[%add3A_11] : memref<4194304xf32, #tpu.memory_space<hbm>> -> memref<16384xf32, #tpu.memory_space<hbm>>
    %dma_wait3A_23 = tpu.memref_slice %arg2[%add3A_11] : memref<4194304xf32, #tpu.memory_space<hbm>> -> memref<16384xf32, #tpu.memory_space<hbm>>
    tpu.wait_dma2 semaphore(%arg10 : memref<!tpu.dma_semaphore, #tpu.memory_space<semaphore_mem>>) src(%dma_wait3A_23 : memref<16384xf32, #tpu.memory_space<hbm>>) dst(%arg7 : memref<16384xf32, #tpu.memory_space<vmem>>)
    %parallel_loop3A_24 = arith.constant 0 : i32
    %parallel_loop3A_25 = arith.constant 1024 : i32
    %parallel_loop3A_26 = arith.constant 1 : i32
    scf.for %parallel_loop3A_79 = %parallel_loop3A_24 to %parallel_loop3A_25 step %parallel_loop3A_26  : i32 {
      %parallel_loop3A_80 = arith.constant 16 : i32
      %parallel_loop3A_81 = arith.muli %parallel_loop3A_79, %parallel_loop3A_80 : i32
      %parallel_loop3A_82 = arith.index_cast %parallel_loop3A_81 : i32 to index
      %parallel_loop3A_83 = tpu.vector_load %arg7[%parallel_loop3A_82] {strides = array<i32>} : memref<16384xf32, #tpu.memory_space<vmem>>, vector<16xf32>,
      %parallel_loop3A_84 = tpu.bitcast %parallel_loop3A_83 : vector<16xf32> -> vector<16xi32>
      %parallel_loop3A_85 = arith.constant 31 : i32
      %parallel_loop3A_86 = vector.broadcast %parallel_loop3A_85 : i32 to vector<16xi32>
      %parallel_loop3A_87 = arith.shrsi %parallel_loop3A_84, %parallel_loop3A_86 : vector<16xi32>
      %parallel_loop3A_88 = arith.constant -2147483648 : i32
      %parallel_loop3A_89 = vector.broadcast %parallel_loop3A_88 : i32 to vector<16xi32>
      %parallel_loop3A_90 = arith.ori %parallel_loop3A_87, %parallel_loop3A_89 : vector<16xi32>
      %parallel_loop3A_91 = arith.xori %parallel_loop3A_84, %parallel_loop3A_90 : vector<16xi32>
      %parallel_loop3A_92 = arith.constant 16 : i32
      %parallel_loop3A_93 = vector.broadcast %parallel_loop3A_92 : i32 to vector<16xi32>
      %parallel_loop3A_94 = arith.shrui %parallel_loop3A_91, %parallel_loop3A_93 : vector<16xi32>
      %parallel_loop3A_95 = arith.cmpi eq, %parallel_loop3A_94, %get3A_6 : vector<16xi32>
      %parallel_loop3A_96 = arith.constant 65535 : i32
      %parallel_loop3A_97 = vector.broadcast %parallel_loop3A_96 : i32 to vector<16xi32>
      %parallel_loop3A_98 = arith.andi %parallel_loop3A_91, %parallel_loop3A_97 : vector<16xi32>
      tpu.vector_store_idx %arg5[%parallel_loop3A_98], %broadcast_in_dim3A_3 masked %parallel_loop3A_95 {add = true} : memref<65536xi32, #tpu.memory_space<vmem>>[vector<16xi32>], vector<16xi32>, vector<16xi1>
    } {sc.loop_unroll_factor = 8 : i64, sc.parallel_access}
    %add3A_27 = arith.constant 49152 : i32
    %add3A_28 = arith.addi %mul3A_2, %add3A_27 : i32
    %dma_start3A_29 = tpu.memref_slice %arg2[%add3A_28] : memref<4194304xf32, #tpu.memory_space<hbm>> -> memref<16384xf32, #tpu.memory_space<hbm>>
    %dma_start3A_30 = tpu.memref_slice %arg2[%add3A_28] : memref<4194304xf32, #tpu.memory_space<hbm>> -> memref<16384xf32, #tpu.memory_space<hbm>>
    tpu.enqueue_dma source(%dma_start3A_30 : memref<16384xf32, #tpu.memory_space<hbm>>) target(%arg7 : memref<16384xf32, #tpu.memory_space<vmem>>) target_semaphore(%arg10 : memref<!tpu.dma_semaphore, #tpu.memory_space<semaphore_mem>>)
    %dma_wait3A_31 = tpu.memref_slice %arg2[%add3A_19] : memref<4194304xf32, #tpu.memory_space<hbm>> -> memref<16384xf32, #tpu.memory_space<hbm>>
    %dma_wait3A_32 = tpu.memref_slice %arg2[%add3A_19] : memref<4194304xf32, #tpu.memory_space<hbm>> -> memref<16384xf32, #tpu.memory_space<hbm>>
    tpu.wait_dma2 semaphore(%arg9 : memref<!tpu.dma_semaphore, #tpu.memory_space<semaphore_mem>>) src(%dma_wait3A_32 : memref<16384xf32, #tpu.memory_space<hbm>>) dst(%arg6 : memref<16384xf32, #tpu.memory_space<vmem>>)
    %parallel_loop3A_33 = arith.constant 0 : i32
    %parallel_loop3A_34 = arith.constant 1024 : i32
    %parallel_loop3A_35 = arith.constant 1 : i32
    scf.for %parallel_loop3A_79 = %parallel_loop3A_33 to %parallel_loop3A_34 step %parallel_loop3A_35  : i32 {
      %parallel_loop3A_80 = arith.constant 16 : i32
      %parallel_loop3A_81 = arith.muli %parallel_loop3A_79, %parallel_loop3A_80 : i32
      %parallel_loop3A_82 = arith.index_cast %parallel_loop3A_81 : i32 to index
      %parallel_loop3A_83 = tpu.vector_load %arg6[%parallel_loop3A_82] {strides = array<i32>} : memref<16384xf32, #tpu.memory_space<vmem>>, vector<16xf32>,
      %parallel_loop3A_84 = tpu.bitcast %parallel_loop3A_83 : vector<16xf32> -> vector<16xi32>
      %parallel_loop3A_85 = arith.constant 31 : i32
      %parallel_loop3A_86 = vector.broadcast %parallel_loop3A_85 : i32 to vector<16xi32>
      %parallel_loop3A_87 = arith.shrsi %parallel_loop3A_84, %parallel_loop3A_86 : vector<16xi32>
      %parallel_loop3A_88 = arith.constant -2147483648 : i32
      %parallel_loop3A_89 = vector.broadcast %parallel_loop3A_88 : i32 to vector<16xi32>
      %parallel_loop3A_90 = arith.ori %parallel_loop3A_87, %parallel_loop3A_89 : vector<16xi32>
      %parallel_loop3A_91 = arith.xori %parallel_loop3A_84, %parallel_loop3A_90 : vector<16xi32>
      %parallel_loop3A_92 = arith.constant 16 : i32
      %parallel_loop3A_93 = vector.broadcast %parallel_loop3A_92 : i32 to vector<16xi32>
      %parallel_loop3A_94 = arith.shrui %parallel_loop3A_91, %parallel_loop3A_93 : vector<16xi32>
      %parallel_loop3A_95 = arith.cmpi eq, %parallel_loop3A_94, %get3A_6 : vector<16xi32>
      %parallel_loop3A_96 = arith.constant 65535 : i32
      %parallel_loop3A_97 = vector.broadcast %parallel_loop3A_96 : i32 to vector<16xi32>
      %parallel_loop3A_98 = arith.andi %parallel_loop3A_91, %parallel_loop3A_97 : vector<16xi32>
      tpu.vector_store_idx %arg5[%parallel_loop3A_98], %broadcast_in_dim3A_3 masked %parallel_loop3A_95 {add = true} : memref<65536xi32, #tpu.memory_space<vmem>>[vector<16xi32>], vector<16xi32>, vector<16xi1>
    } {sc.loop_unroll_factor = 8 : i64, sc.parallel_access}
    %add3A_36 = arith.constant 65536 : i32
    %add3A_37 = arith.addi %mul3A_2, %add3A_36 : i32
    %dma_start3A_38 = tpu.memref_slice %arg2[%add3A_37] : memref<4194304xf32, #tpu.memory_space<hbm>> -> memref<16384xf32, #tpu.memory_space<hbm>>
    %dma_start3A_39 = tpu.memref_slice %arg2[%add3A_37] : memref<4194304xf32, #tpu.memory_space<hbm>> -> memref<16384xf32, #tpu.memory_space<hbm>>
    tpu.enqueue_dma source(%dma_start3A_39 : memref<16384xf32, #tpu.memory_space<hbm>>) target(%arg6 : memref<16384xf32, #tpu.memory_space<vmem>>) target_semaphore(%arg9 : memref<!tpu.dma_semaphore, #tpu.memory_space<semaphore_mem>>)
    %dma_wait3A_40 = tpu.memref_slice %arg2[%add3A_28] : memref<4194304xf32, #tpu.memory_space<hbm>> -> memref<16384xf32, #tpu.memory_space<hbm>>
    %dma_wait3A_41 = tpu.memref_slice %arg2[%add3A_28] : memref<4194304xf32, #tpu.memory_space<hbm>> -> memref<16384xf32, #tpu.memory_space<hbm>>
    tpu.wait_dma2 semaphore(%arg10 : memref<!tpu.dma_semaphore, #tpu.memory_space<semaphore_mem>>) src(%dma_wait3A_41 : memref<16384xf32, #tpu.memory_space<hbm>>) dst(%arg7 : memref<16384xf32, #tpu.memory_space<vmem>>)
    %parallel_loop3A_42 = arith.constant 0 : i32
    %parallel_loop3A_43 = arith.constant 1024 : i32
    %parallel_loop3A_44 = arith.constant 1 : i32
    scf.for %parallel_loop3A_79 = %parallel_loop3A_42 to %parallel_loop3A_43 step %parallel_loop3A_44  : i32 {
      %parallel_loop3A_80 = arith.constant 16 : i32
      %parallel_loop3A_81 = arith.muli %parallel_loop3A_79, %parallel_loop3A_80 : i32
      %parallel_loop3A_82 = arith.index_cast %parallel_loop3A_81 : i32 to index
      %parallel_loop3A_83 = tpu.vector_load %arg7[%parallel_loop3A_82] {strides = array<i32>} : memref<16384xf32, #tpu.memory_space<vmem>>, vector<16xf32>,
      %parallel_loop3A_84 = tpu.bitcast %parallel_loop3A_83 : vector<16xf32> -> vector<16xi32>
      %parallel_loop3A_85 = arith.constant 31 : i32
      %parallel_loop3A_86 = vector.broadcast %parallel_loop3A_85 : i32 to vector<16xi32>
      %parallel_loop3A_87 = arith.shrsi %parallel_loop3A_84, %parallel_loop3A_86 : vector<16xi32>
      %parallel_loop3A_88 = arith.constant -2147483648 : i32
      %parallel_loop3A_89 = vector.broadcast %parallel_loop3A_88 : i32 to vector<16xi32>
      %parallel_loop3A_90 = arith.ori %parallel_loop3A_87, %parallel_loop3A_89 : vector<16xi32>
      %parallel_loop3A_91 = arith.xori %parallel_loop3A_84, %parallel_loop3A_90 : vector<16xi32>
      %parallel_loop3A_92 = arith.constant 16 : i32
      %parallel_loop3A_93 = vector.broadcast %parallel_loop3A_92 : i32 to vector<16xi32>
      %parallel_loop3A_94 = arith.shrui %parallel_loop3A_91, %parallel_loop3A_93 : vector<16xi32>
      %parallel_loop3A_95 = arith.cmpi eq, %parallel_loop3A_94, %get3A_6 : vector<16xi32>
      %parallel_loop3A_96 = arith.constant 65535 : i32
      %parallel_loop3A_97 = vector.broadcast %parallel_loop3A_96 : i32 to vector<16xi32>
      %parallel_loop3A_98 = arith.andi %parallel_loop3A_91, %parallel_loop3A_97 : vector<16xi32>
      tpu.vector_store_idx %arg5[%parallel_loop3A_98], %broadcast_in_dim3A_3 masked %parallel_loop3A_95 {add = true} : memref<65536xi32, #tpu.memory_space<vmem>>[vector<16xi32>], vector<16xi32>, vector<16xi1>
    } {sc.loop_unroll_factor = 8 : i64, sc.parallel_access}
    %add3A_45 = arith.constant 81920 : i32
    %add3A_46 = arith.addi %mul3A_2, %add3A_45 : i32
    %dma_start3A_47 = tpu.memref_slice %arg2[%add3A_46] : memref<4194304xf32, #tpu.memory_space<hbm>> -> memref<16384xf32, #tpu.memory_space<hbm>>
    %dma_start3A_48 = tpu.memref_slice %arg2[%add3A_46] : memref<4194304xf32, #tpu.memory_space<hbm>> -> memref<16384xf32, #tpu.memory_space<hbm>>
    tpu.enqueue_dma source(%dma_start3A_48 : memref<16384xf32, #tpu.memory_space<hbm>>) target(%arg7 : memref<16384xf32, #tpu.memory_space<vmem>>) target_semaphore(%arg10 : memref<!tpu.dma_semaphore, #tpu.memory_space<semaphore_mem>>)
    %dma_wait3A_49 = tpu.memref_slice %arg2[%add3A_37] : memref<4194304xf32, #tpu.memory_space<hbm>> -> memref<16384xf32, #tpu.memory_space<hbm>>
    %dma_wait3A_50 = tpu.memref_slice %arg2[%add3A_37] : memref<4194304xf32, #tpu.memory_space<hbm>> -> memref<16384xf32, #tpu.memory_space<hbm>>
    tpu.wait_dma2 semaphore(%arg9 : memref<!tpu.dma_semaphore, #tpu.memory_space<semaphore_mem>>) src(%dma_wait3A_50 : memref<16384xf32, #tpu.memory_space<hbm>>) dst(%arg6 : memref<16384xf32, #tpu.memory_space<vmem>>)
    %parallel_loop3A_51 = arith.constant 0 : i32
    %parallel_loop3A_52 = arith.constant 1024 : i32
    %parallel_loop3A_53 = arith.constant 1 : i32
    scf.for %parallel_loop3A_79 = %parallel_loop3A_51 to %parallel_loop3A_52 step %parallel_loop3A_53  : i32 {
      %parallel_loop3A_80 = arith.constant 16 : i32
      %parallel_loop3A_81 = arith.muli %parallel_loop3A_79, %parallel_loop3A_80 : i32
      %parallel_loop3A_82 = arith.index_cast %parallel_loop3A_81 : i32 to index
      %parallel_loop3A_83 = tpu.vector_load %arg6[%parallel_loop3A_82] {strides = array<i32>} : memref<16384xf32, #tpu.memory_space<vmem>>, vector<16xf32>,
      %parallel_loop3A_84 = tpu.bitcast %parallel_loop3A_83 : vector<16xf32> -> vector<16xi32>
      %parallel_loop3A_85 = arith.constant 31 : i32
      %parallel_loop3A_86 = vector.broadcast %parallel_loop3A_85 : i32 to vector<16xi32>
      %parallel_loop3A_87 = arith.shrsi %parallel_loop3A_84, %parallel_loop3A_86 : vector<16xi32>
      %parallel_loop3A_88 = arith.constant -2147483648 : i32
      %parallel_loop3A_89 = vector.broadcast %parallel_loop3A_88 : i32 to vector<16xi32>
      %parallel_loop3A_90 = arith.ori %parallel_loop3A_87, %parallel_loop3A_89 : vector<16xi32>
      %parallel_loop3A_91 = arith.xori %parallel_loop3A_84, %parallel_loop3A_90 : vector<16xi32>
      %parallel_loop3A_92 = arith.constant 16 : i32
      %parallel_loop3A_93 = vector.broadcast %parallel_loop3A_92 : i32 to vector<16xi32>
      %parallel_loop3A_94 = arith.shrui %parallel_loop3A_91, %parallel_loop3A_93 : vector<16xi32>
      %parallel_loop3A_95 = arith.cmpi eq, %parallel_loop3A_94, %get3A_6 : vector<16xi32>
      %parallel_loop3A_96 = arith.constant 65535 : i32
      %parallel_loop3A_97 = vector.broadcast %parallel_loop3A_96 : i32 to vector<16xi32>
      %parallel_loop3A_98 = arith.andi %parallel_loop3A_91, %parallel_loop3A_97 : vector<16xi32>
      tpu.vector_store_idx %arg5[%parallel_loop3A_98], %broadcast_in_dim3A_3 masked %parallel_loop3A_95 {add = true} : memref<65536xi32, #tpu.memory_space<vmem>>[vector<16xi32>], vector<16xi32>, vector<16xi1>
    } {sc.loop_unroll_factor = 8 : i64, sc.parallel_access}
    %add3A_54 = arith.constant 98304 : i32
    %add3A_55 = arith.addi %mul3A_2, %add3A_54 : i32
    %dma_start3A_56 = tpu.memref_slice %arg2[%add3A_55] : memref<4194304xf32, #tpu.memory_space<hbm>> -> memref<16384xf32, #tpu.memory_space<hbm>>
    %dma_start3A_57 = tpu.memref_slice %arg2[%add3A_55] : memref<4194304xf32, #tpu.memory_space<hbm>> -> memref<16384xf32, #tpu.memory_space<hbm>>
    tpu.enqueue_dma source(%dma_start3A_57 : memref<16384xf32, #tpu.memory_space<hbm>>) target(%arg6 : memref<16384xf32, #tpu.memory_space<vmem>>) target_semaphore(%arg9 : memref<!tpu.dma_semaphore, #tpu.memory_space<semaphore_mem>>)
    %dma_wait3A_58 = tpu.memref_slice %arg2[%add3A_46] : memref<4194304xf32, #tpu.memory_space<hbm>> -> memref<16384xf32, #tpu.memory_space<hbm>>
    %dma_wait3A_59 = tpu.memref_slice %arg2[%add3A_46] : memref<4194304xf32, #tpu.memory_space<hbm>> -> memref<16384xf32, #tpu.memory_space<hbm>>
    tpu.wait_dma2 semaphore(%arg10 : memref<!tpu.dma_semaphore, #tpu.memory_space<semaphore_mem>>) src(%dma_wait3A_59 : memref<16384xf32, #tpu.memory_space<hbm>>) dst(%arg7 : memref<16384xf32, #tpu.memory_space<vmem>>)
    %parallel_loop3A_60 = arith.constant 0 : i32
    %parallel_loop3A_61 = arith.constant 1024 : i32
    %parallel_loop3A_62 = arith.constant 1 : i32
    scf.for %parallel_loop3A_79 = %parallel_loop3A_60 to %parallel_loop3A_61 step %parallel_loop3A_62  : i32 {
      %parallel_loop3A_80 = arith.constant 16 : i32
      %parallel_loop3A_81 = arith.muli %parallel_loop3A_79, %parallel_loop3A_80 : i32
      %parallel_loop3A_82 = arith.index_cast %parallel_loop3A_81 : i32 to index
      %parallel_loop3A_83 = tpu.vector_load %arg7[%parallel_loop3A_82] {strides = array<i32>} : memref<16384xf32, #tpu.memory_space<vmem>>, vector<16xf32>,
      %parallel_loop3A_84 = tpu.bitcast %parallel_loop3A_83 : vector<16xf32> -> vector<16xi32>
      %parallel_loop3A_85 = arith.constant 31 : i32
      %parallel_loop3A_86 = vector.broadcast %parallel_loop3A_85 : i32 to vector<16xi32>
      %parallel_loop3A_87 = arith.shrsi %parallel_loop3A_84, %parallel_loop3A_86 : vector<16xi32>
      %parallel_loop3A_88 = arith.constant -2147483648 : i32
      %parallel_loop3A_89 = vector.broadcast %parallel_loop3A_88 : i32 to vector<16xi32>
      %parallel_loop3A_90 = arith.ori %parallel_loop3A_87, %parallel_loop3A_89 : vector<16xi32>
      %parallel_loop3A_91 = arith.xori %parallel_loop3A_84, %parallel_loop3A_90 : vector<16xi32>
      %parallel_loop3A_92 = arith.constant 16 : i32
      %parallel_loop3A_93 = vector.broadcast %parallel_loop3A_92 : i32 to vector<16xi32>
      %parallel_loop3A_94 = arith.shrui %parallel_loop3A_91, %parallel_loop3A_93 : vector<16xi32>
      %parallel_loop3A_95 = arith.cmpi eq, %parallel_loop3A_94, %get3A_6 : vector<16xi32>
      %parallel_loop3A_96 = arith.constant 65535 : i32
      %parallel_loop3A_97 = vector.broadcast %parallel_loop3A_96 : i32 to vector<16xi32>
      %parallel_loop3A_98 = arith.andi %parallel_loop3A_91, %parallel_loop3A_97 : vector<16xi32>
      tpu.vector_store_idx %arg5[%parallel_loop3A_98], %broadcast_in_dim3A_3 masked %parallel_loop3A_95 {add = true} : memref<65536xi32, #tpu.memory_space<vmem>>[vector<16xi32>], vector<16xi32>, vector<16xi1>
    } {sc.loop_unroll_factor = 8 : i64, sc.parallel_access}
    %add3A_63 = arith.constant 114688 : i32
    %add3A_64 = arith.addi %mul3A_2, %add3A_63 : i32
    %dma_start3A_65 = tpu.memref_slice %arg2[%add3A_64] : memref<4194304xf32, #tpu.memory_space<hbm>> -> memref<16384xf32, #tpu.memory_space<hbm>>
    %dma_start3A_66 = tpu.memref_slice %arg2[%add3A_64] : memref<4194304xf32, #tpu.memory_space<hbm>> -> memref<16384xf32, #tpu.memory_space<hbm>>
    tpu.enqueue_dma source(%dma_start3A_66 : memref<16384xf32, #tpu.memory_space<hbm>>) target(%arg7 : memref<16384xf32, #tpu.memory_space<vmem>>) target_semaphore(%arg10 : memref<!tpu.dma_semaphore, #tpu.memory_space<semaphore_mem>>)
    %dma_wait3A_67 = tpu.memref_slice %arg2[%add3A_55] : memref<4194304xf32, #tpu.memory_space<hbm>> -> memref<16384xf32, #tpu.memory_space<hbm>>
    %dma_wait3A_68 = tpu.memref_slice %arg2[%add3A_55] : memref<4194304xf32, #tpu.memory_space<hbm>> -> memref<16384xf32, #tpu.memory_space<hbm>>
    tpu.wait_dma2 semaphore(%arg9 : memref<!tpu.dma_semaphore, #tpu.memory_space<semaphore_mem>>) src(%dma_wait3A_68 : memref<16384xf32, #tpu.memory_space<hbm>>) dst(%arg6 : memref<16384xf32, #tpu.memory_space<vmem>>)
    %parallel_loop3A_69 = arith.constant 0 : i32
    %parallel_loop3A_70 = arith.constant 1024 : i32
    %parallel_loop3A_71 = arith.constant 1 : i32
    scf.for %parallel_loop3A_79 = %parallel_loop3A_69 to %parallel_loop3A_70 step %parallel_loop3A_71  : i32 {
      %parallel_loop3A_80 = arith.constant 16 : i32
      %parallel_loop3A_81 = arith.muli %parallel_loop3A_79, %parallel_loop3A_80 : i32
      %parallel_loop3A_82 = arith.index_cast %parallel_loop3A_81 : i32 to index
      %parallel_loop3A_83 = tpu.vector_load %arg6[%parallel_loop3A_82] {strides = array<i32>} : memref<16384xf32, #tpu.memory_space<vmem>>, vector<16xf32>,
      %parallel_loop3A_84 = tpu.bitcast %parallel_loop3A_83 : vector<16xf32> -> vector<16xi32>
      %parallel_loop3A_85 = arith.constant 31 : i32
      %parallel_loop3A_86 = vector.broadcast %parallel_loop3A_85 : i32 to vector<16xi32>
      %parallel_loop3A_87 = arith.shrsi %parallel_loop3A_84, %parallel_loop3A_86 : vector<16xi32>
      %parallel_loop3A_88 = arith.constant -2147483648 : i32
      %parallel_loop3A_89 = vector.broadcast %parallel_loop3A_88 : i32 to vector<16xi32>
      %parallel_loop3A_90 = arith.ori %parallel_loop3A_87, %parallel_loop3A_89 : vector<16xi32>
      %parallel_loop3A_91 = arith.xori %parallel_loop3A_84, %parallel_loop3A_90 : vector<16xi32>
      %parallel_loop3A_92 = arith.constant 16 : i32
      %parallel_loop3A_93 = vector.broadcast %parallel_loop3A_92 : i32 to vector<16xi32>
      %parallel_loop3A_94 = arith.shrui %parallel_loop3A_91, %parallel_loop3A_93 : vector<16xi32>
      %parallel_loop3A_95 = arith.cmpi eq, %parallel_loop3A_94, %get3A_6 : vector<16xi32>
      %parallel_loop3A_96 = arith.constant 65535 : i32
      %parallel_loop3A_97 = vector.broadcast %parallel_loop3A_96 : i32 to vector<16xi32>
      %parallel_loop3A_98 = arith.andi %parallel_loop3A_91, %parallel_loop3A_97 : vector<16xi32>
      tpu.vector_store_idx %arg5[%parallel_loop3A_98], %broadcast_in_dim3A_3 masked %parallel_loop3A_95 {add = true} : memref<65536xi32, #tpu.memory_space<vmem>>[vector<16xi32>], vector<16xi32>, vector<16xi1>
    } {sc.loop_unroll_factor = 8 : i64, sc.parallel_access}
    %dma_wait3A_72 = tpu.memref_slice %arg2[%add3A_64] : memref<4194304xf32, #tpu.memory_space<hbm>> -> memref<16384xf32, #tpu.memory_space<hbm>>
    %dma_wait3A_73 = tpu.memref_slice %arg2[%add3A_64] : memref<4194304xf32, #tpu.memory_space<hbm>> -> memref<16384xf32, #tpu.memory_space<hbm>>
    tpu.wait_dma2 semaphore(%arg10 : memref<!tpu.dma_semaphore, #tpu.memory_space<semaphore_mem>>) src(%dma_wait3A_73 : memref<16384xf32, #tpu.memory_space<hbm>>) dst(%arg7 : memref<16384xf32, #tpu.memory_space<vmem>>)
    %parallel_loop3A_74 = arith.constant 0 : i32
    %parallel_loop3A_75 = arith.constant 1024 : i32
    %parallel_loop3A_76 = arith.constant 1 : i32
    scf.for %parallel_loop3A_79 = %parallel_loop3A_74 to %parallel_loop3A_75 step %parallel_loop3A_76  : i32 {
      %parallel_loop3A_80 = arith.constant 16 : i32
      %parallel_loop3A_81 = arith.muli %parallel_loop3A_79, %parallel_loop3A_80 : i32
      %parallel_loop3A_82 = arith.index_cast %parallel_loop3A_81 : i32 to index
      %parallel_loop3A_83 = tpu.vector_load %arg7[%parallel_loop3A_82] {strides = array<i32>} : memref<16384xf32, #tpu.memory_space<vmem>>, vector<16xf32>,
      %parallel_loop3A_84 = tpu.bitcast %parallel_loop3A_83 : vector<16xf32> -> vector<16xi32>
      %parallel_loop3A_85 = arith.constant 31 : i32
      %parallel_loop3A_86 = vector.broadcast %parallel_loop3A_85 : i32 to vector<16xi32>
      %parallel_loop3A_87 = arith.shrsi %parallel_loop3A_84, %parallel_loop3A_86 : vector<16xi32>
      %parallel_loop3A_88 = arith.constant -2147483648 : i32
      %parallel_loop3A_89 = vector.broadcast %parallel_loop3A_88 : i32 to vector<16xi32>
      %parallel_loop3A_90 = arith.ori %parallel_loop3A_87, %parallel_loop3A_89 : vector<16xi32>
      %parallel_loop3A_91 = arith.xori %parallel_loop3A_84, %parallel_loop3A_90 : vector<16xi32>
      %parallel_loop3A_92 = arith.constant 16 : i32
      %parallel_loop3A_93 = vector.broadcast %parallel_loop3A_92 : i32 to vector<16xi32>
      %parallel_loop3A_94 = arith.shrui %parallel_loop3A_91, %parallel_loop3A_93 : vector<16xi32>
      %parallel_loop3A_95 = arith.cmpi eq, %parallel_loop3A_94, %get3A_6 : vector<16xi32>
      %parallel_loop3A_96 = arith.constant 65535 : i32
      %parallel_loop3A_97 = vector.broadcast %parallel_loop3A_96 : i32 to vector<16xi32>
      %parallel_loop3A_98 = arith.andi %parallel_loop3A_91, %parallel_loop3A_97 : vector<16xi32>
      tpu.vector_store_idx %arg5[%parallel_loop3A_98], %broadcast_in_dim3A_3 masked %parallel_loop3A_95 {add = true} : memref<65536xi32, #tpu.memory_space<vmem>>[vector<16xi32>], vector<16xi32>, vector<16xi1>
    } {sc.loop_unroll_factor = 8 : i64, sc.parallel_access}
    %mul3A_77 = arith.constant 65536 : i32
    %mul3A_78 = arith.muli %add3A, %mul3A_77 : i32
    "tpu.region"() ({
      %run_scoped3A = tpu.sem_alloc : memref<!tpu.dma_semaphore, #tpu.memory_space<semaphore_mem>>
      %dma_start3A_79 = tpu.memref_slice %arg4[%mul3A_78] : memref<2097152xi32, #tpu.memory_space<hbm>> -> memref<65536xi32, #tpu.memory_space<hbm>>
      %dma_start3A_80 = tpu.memref_slice %arg4[%mul3A_78] : memref<2097152xi32, #tpu.memory_space<hbm>> -> memref<65536xi32, #tpu.memory_space<hbm>>
      tpu.enqueue_dma source(%arg5 : memref<65536xi32, #tpu.memory_space<vmem>>) target(%dma_start3A_80 : memref<65536xi32, #tpu.memory_space<hbm>>) target_semaphore(%run_scoped3A : memref<!tpu.dma_semaphore, #tpu.memory_space<semaphore_mem>>)
      %dma_wait3A_81 = tpu.memref_slice %arg4[%mul3A_78] : memref<2097152xi32, #tpu.memory_space<hbm>> -> memref<65536xi32, #tpu.memory_space<hbm>>
      %dma_wait3A_82 = tpu.memref_slice %arg4[%mul3A_78] : memref<2097152xi32, #tpu.memory_space<hbm>> -> memref<65536xi32, #tpu.memory_space<hbm>>
      tpu.wait_dma2 semaphore(%run_scoped3A : memref<!tpu.dma_semaphore, #tpu.memory_space<semaphore_mem>>) src(%arg5 : memref<65536xi32, #tpu.memory_space<vmem>>) dst(%dma_wait3A_82 : memref<65536xi32, #tpu.memory_space<hbm>>)
      tpu.yield
    }) : () -> ()
    return
  }
}

module attributes {stable_mosaic.version = 14 : i64} {
  func.func @_pick2_body(%arg0: memref<16384x128xi32, #tpu.memory_space<vmem>>, %arg1: memref<1xi32, #tpu.memory_space<smem>>, %arg2: memref<1xi32, #tpu.memory_space<smem>>, %arg3: memref<1xi32, #tpu.memory_space<smem>>) attributes {dimension_semantics = [], scalar_prefetch = 0 : i64, scratch_operands = 0 : i64, tpu.core_type = #tpu.core_type<tc>} {
    %get3A = arith.constant 0 : index
    %get3A_0 = memref.load %arg2[%get3A] : memref<1xi32, #tpu.memory_space<smem>>
    %get3A_1 = arith.constant 0 : index
    %get3A_2 = arith.constant 0 : index
    %get3A_3 = vector.load %arg0[%get3A_1, %get3A_2] : memref<16384x128xi32, #tpu.memory_space<vmem>>, vector<512x128xi32>
    %get3A_4 = arith.constant 512 : index
    %get3A_5 = arith.constant 0 : index
    %get3A_6 = vector.load %arg0[%get3A_4, %get3A_5] : memref<16384x128xi32, #tpu.memory_space<vmem>>, vector<512x128xi32>
    %add3A = arith.addi %get3A_3, %get3A_6 : vector<512x128xi32>
    %get3A_7 = arith.constant 1024 : index
    %get3A_8 = arith.constant 0 : index
    %get3A_9 = vector.load %arg0[%get3A_7, %get3A_8] : memref<16384x128xi32, #tpu.memory_space<vmem>>, vector<512x128xi32>
    %add3A_10 = arith.addi %add3A, %get3A_9 : vector<512x128xi32>
    %get3A_11 = arith.constant 1536 : index
    %get3A_12 = arith.constant 0 : index
    %get3A_13 = vector.load %arg0[%get3A_11, %get3A_12] : memref<16384x128xi32, #tpu.memory_space<vmem>>, vector<512x128xi32>
    %add3A_14 = arith.addi %add3A_10, %get3A_13 : vector<512x128xi32>
    %get3A_15 = arith.constant 2048 : index
    %get3A_16 = arith.constant 0 : index
    %get3A_17 = vector.load %arg0[%get3A_15, %get3A_16] : memref<16384x128xi32, #tpu.memory_space<vmem>>, vector<512x128xi32>
    %add3A_18 = arith.addi %add3A_14, %get3A_17 : vector<512x128xi32>
    %get3A_19 = arith.constant 2560 : index
    %get3A_20 = arith.constant 0 : index
    %get3A_21 = vector.load %arg0[%get3A_19, %get3A_20] : memref<16384x128xi32, #tpu.memory_space<vmem>>, vector<512x128xi32>
    %add3A_22 = arith.addi %add3A_18, %get3A_21 : vector<512x128xi32>
    %get3A_23 = arith.constant 3072 : index
    %get3A_24 = arith.constant 0 : index
    %get3A_25 = vector.load %arg0[%get3A_23, %get3A_24] : memref<16384x128xi32, #tpu.memory_space<vmem>>, vector<512x128xi32>
    %add3A_26 = arith.addi %add3A_22, %get3A_25 : vector<512x128xi32>
    %get3A_27 = arith.constant 3584 : index
    %get3A_28 = arith.constant 0 : index
    %get3A_29 = vector.load %arg0[%get3A_27, %get3A_28] : memref<16384x128xi32, #tpu.memory_space<vmem>>, vector<512x128xi32>
    %add3A_30 = arith.addi %add3A_26, %get3A_29 : vector<512x128xi32>
    %get3A_31 = arith.constant 4096 : index
    %get3A_32 = arith.constant 0 : index
    %get3A_33 = vector.load %arg0[%get3A_31, %get3A_32] : memref<16384x128xi32, #tpu.memory_space<vmem>>, vector<512x128xi32>
    %add3A_34 = arith.addi %add3A_30, %get3A_33 : vector<512x128xi32>
    %get3A_35 = arith.constant 4608 : index
    %get3A_36 = arith.constant 0 : index
    %get3A_37 = vector.load %arg0[%get3A_35, %get3A_36] : memref<16384x128xi32, #tpu.memory_space<vmem>>, vector<512x128xi32>
    %add3A_38 = arith.addi %add3A_34, %get3A_37 : vector<512x128xi32>
    %get3A_39 = arith.constant 5120 : index
    %get3A_40 = arith.constant 0 : index
    %get3A_41 = vector.load %arg0[%get3A_39, %get3A_40] : memref<16384x128xi32, #tpu.memory_space<vmem>>, vector<512x128xi32>
    %add3A_42 = arith.addi %add3A_38, %get3A_41 : vector<512x128xi32>
    %get3A_43 = arith.constant 5632 : index
    %get3A_44 = arith.constant 0 : index
    %get3A_45 = vector.load %arg0[%get3A_43, %get3A_44] : memref<16384x128xi32, #tpu.memory_space<vmem>>, vector<512x128xi32>
    %add3A_46 = arith.addi %add3A_42, %get3A_45 : vector<512x128xi32>
    %get3A_47 = arith.constant 6144 : index
    %get3A_48 = arith.constant 0 : index
    %get3A_49 = vector.load %arg0[%get3A_47, %get3A_48] : memref<16384x128xi32, #tpu.memory_space<vmem>>, vector<512x128xi32>
    %add3A_50 = arith.addi %add3A_46, %get3A_49 : vector<512x128xi32>
    %get3A_51 = arith.constant 6656 : index
    %get3A_52 = arith.constant 0 : index
    %get3A_53 = vector.load %arg0[%get3A_51, %get3A_52] : memref<16384x128xi32, #tpu.memory_space<vmem>>, vector<512x128xi32>
    %add3A_54 = arith.addi %add3A_50, %get3A_53 : vector<512x128xi32>
    %get3A_55 = arith.constant 7168 : index
    %get3A_56 = arith.constant 0 : index
    %get3A_57 = vector.load %arg0[%get3A_55, %get3A_56] : memref<16384x128xi32, #tpu.memory_space<vmem>>, vector<512x128xi32>
    %add3A_58 = arith.addi %add3A_54, %get3A_57 : vector<512x128xi32>
    %get3A_59 = arith.constant 7680 : index
    %get3A_60 = arith.constant 0 : index
    %get3A_61 = vector.load %arg0[%get3A_59, %get3A_60] : memref<16384x128xi32, #tpu.memory_space<vmem>>, vector<512x128xi32>
    %add3A_62 = arith.addi %add3A_58, %get3A_61 : vector<512x128xi32>
    %get3A_63 = arith.constant 8192 : index
    %get3A_64 = arith.constant 0 : index
    %get3A_65 = vector.load %arg0[%get3A_63, %get3A_64] : memref<16384x128xi32, #tpu.memory_space<vmem>>, vector<512x128xi32>
    %add3A_66 = arith.addi %add3A_62, %get3A_65 : vector<512x128xi32>
    %get3A_67 = arith.constant 8704 : index
    %get3A_68 = arith.constant 0 : index
    %get3A_69 = vector.load %arg0[%get3A_67, %get3A_68] : memref<16384x128xi32, #tpu.memory_space<vmem>>, vector<512x128xi32>
    %add3A_70 = arith.addi %add3A_66, %get3A_69 : vector<512x128xi32>
    %get3A_71 = arith.constant 9216 : index
    %get3A_72 = arith.constant 0 : index
    %get3A_73 = vector.load %arg0[%get3A_71, %get3A_72] : memref<16384x128xi32, #tpu.memory_space<vmem>>, vector<512x128xi32>
    %add3A_74 = arith.addi %add3A_70, %get3A_73 : vector<512x128xi32>
    %get3A_75 = arith.constant 9728 : index
    %get3A_76 = arith.constant 0 : index
    %get3A_77 = vector.load %arg0[%get3A_75, %get3A_76] : memref<16384x128xi32, #tpu.memory_space<vmem>>, vector<512x128xi32>
    %add3A_78 = arith.addi %add3A_74, %get3A_77 : vector<512x128xi32>
    %get3A_79 = arith.constant 10240 : index
    %get3A_80 = arith.constant 0 : index
    %get3A_81 = vector.load %arg0[%get3A_79, %get3A_80] : memref<16384x128xi32, #tpu.memory_space<vmem>>, vector<512x128xi32>
    %add3A_82 = arith.addi %add3A_78, %get3A_81 : vector<512x128xi32>
    %get3A_83 = arith.constant 10752 : index
    %get3A_84 = arith.constant 0 : index
    %get3A_85 = vector.load %arg0[%get3A_83, %get3A_84] : memref<16384x128xi32, #tpu.memory_space<vmem>>, vector<512x128xi32>
    %add3A_86 = arith.addi %add3A_82, %get3A_85 : vector<512x128xi32>
    %get3A_87 = arith.constant 11264 : index
    %get3A_88 = arith.constant 0 : index
    %get3A_89 = vector.load %arg0[%get3A_87, %get3A_88] : memref<16384x128xi32, #tpu.memory_space<vmem>>, vector<512x128xi32>
    %add3A_90 = arith.addi %add3A_86, %get3A_89 : vector<512x128xi32>
    %get3A_91 = arith.constant 11776 : index
    %get3A_92 = arith.constant 0 : index
    %get3A_93 = vector.load %arg0[%get3A_91, %get3A_92] : memref<16384x128xi32, #tpu.memory_space<vmem>>, vector<512x128xi32>
    %add3A_94 = arith.addi %add3A_90, %get3A_93 : vector<512x128xi32>
    %get3A_95 = arith.constant 12288 : index
    %get3A_96 = arith.constant 0 : index
    %get3A_97 = vector.load %arg0[%get3A_95, %get3A_96] : memref<16384x128xi32, #tpu.memory_space<vmem>>, vector<512x128xi32>
    %add3A_98 = arith.addi %add3A_94, %get3A_97 : vector<512x128xi32>
    %get3A_99 = arith.constant 12800 : index
    %get3A_100 = arith.constant 0 : index
    %get3A_101 = vector.load %arg0[%get3A_99, %get3A_100] : memref<16384x128xi32, #tpu.memory_space<vmem>>, vector<512x128xi32>
    %add3A_102 = arith.addi %add3A_98, %get3A_101 : vector<512x128xi32>
    %get3A_103 = arith.constant 13312 : index
    %get3A_104 = arith.constant 0 : index
    %get3A_105 = vector.load %arg0[%get3A_103, %get3A_104] : memref<16384x128xi32, #tpu.memory_space<vmem>>, vector<512x128xi32>
    %add3A_106 = arith.addi %add3A_102, %get3A_105 : vector<512x128xi32>
    %get3A_107 = arith.constant 13824 : index
    %get3A_108 = arith.constant 0 : index
    %get3A_109 = vector.load %arg0[%get3A_107, %get3A_108] : memref<16384x128xi32, #tpu.memory_space<vmem>>, vector<512x128xi32>
    %add3A_110 = arith.addi %add3A_106, %get3A_109 : vector<512x128xi32>
    %get3A_111 = arith.constant 14336 : index
    %get3A_112 = arith.constant 0 : index
    %get3A_113 = vector.load %arg0[%get3A_111, %get3A_112] : memref<16384x128xi32, #tpu.memory_space<vmem>>, vector<512x128xi32>
    %add3A_114 = arith.addi %add3A_110, %get3A_113 : vector<512x128xi32>
    %get3A_115 = arith.constant 14848 : index
    %get3A_116 = arith.constant 0 : index
    %get3A_117 = vector.load %arg0[%get3A_115, %get3A_116] : memref<16384x128xi32, #tpu.memory_space<vmem>>, vector<512x128xi32>
    %add3A_118 = arith.addi %add3A_114, %get3A_117 : vector<512x128xi32>
    %get3A_119 = arith.constant 15360 : index
    %get3A_120 = arith.constant 0 : index
    %get3A_121 = vector.load %arg0[%get3A_119, %get3A_120] : memref<16384x128xi32, #tpu.memory_space<vmem>>, vector<512x128xi32>
    %add3A_122 = arith.addi %add3A_118, %get3A_121 : vector<512x128xi32>
    %get3A_123 = arith.constant 15872 : index
    %get3A_124 = arith.constant 0 : index
    %get3A_125 = vector.load %arg0[%get3A_123, %get3A_124] : memref<16384x128xi32, #tpu.memory_space<vmem>>, vector<512x128xi32>
    %add3A_126 = arith.addi %add3A_122, %get3A_125 : vector<512x128xi32>
    %convert_element_type3A = arith.sitofp %add3A_126 : vector<512x128xi32> to vector<512x128xf32>
    %reduce_sum3A = arith.constant dense<0.000000e+00> : vector<512xf32>
    %reduce_sum3A_127 = vector.multi_reduction <add>, %convert_element_type3A, %reduce_sum3A [1] : vector<512x128xf32> to vector<512xf32>
    %broadcast_in_dim3A = vector.shape_cast %reduce_sum3A_127 : vector<512xf32> to vector<512x1xf32>
    %iota3A = tpu.iota {dimensions = array<i32: 0>} : vector<512x512xi32>
    %iota3A_128 = tpu.iota {dimensions = array<i32: 1>} : vector<512x512xi32>
    %le3A = arith.cmpi sle, %iota3A_128, %iota3A : vector<512x512xi32>
    %convert_element_type3A_129 = arith.extui %le3A : vector<512x512xi1> to vector<512x512xi32>
    %convert_element_type3A_130 = arith.sitofp %convert_element_type3A_129 : vector<512x512xi32> to vector<512x512xf32>
    %dot_general3A = arith.constant dense<0.000000e+00> : vector<512x1xf32>
    %dot_general3A_131 = tpu.matmul %convert_element_type3A_130, %broadcast_in_dim3A, %dot_general3A {dimension_numbers = #tpu.dot_dimension_numbers<[1], [0], [0], [1], [0, 0, 1, 1], [], []>, precision = #tpu.contract_precision<fp32>, transpose_lhs_hint = false} : vector<512x512xf32>, vector<512x1xf32>, vector<512x1xf32> -> vector<512x1xf32>
    %add3A_132 = arith.constant 1 : i32
    %add3A_133 = arith.addi %get3A_0, %add3A_132 : i32
    %convert_element_type3A_134 = arith.sitofp %add3A_133 : i32 to f32
    %iota3A_135 = tpu.iota {dimensions = array<i32: 0>} : vector<512x1xi32>
    %lt3A = vector.broadcast %convert_element_type3A_134 : f32 to vector<512x1xf32>
    %lt3A_136 = arith.cmpf olt, %dot_general3A_131, %lt3A : vector<512x1xf32>
    %convert_element_type3A_137 = arith.extui %lt3A_136 : vector<512x1xi1> to vector<512x1xi32>
    %reduce_sum3A_138 = vector.shape_cast %convert_element_type3A_137 : vector<512x1xi32> to vector<1x512x1xi32>
    %reduce_sum3A_139 = arith.constant dense<0> : vector<1xi32>
    %reduce_sum3A_140 = vector.multi_reduction <add>, %reduce_sum3A_138, %reduce_sum3A_139 [1, 2] : vector<1x512x1xi32> to vector<1xi32>
    %reduce_sum3A_141 = vector.shape_cast %reduce_sum3A_140 : vector<1xi32> to vector<1x1x1xi32>
    %reduce_sum3A_142 = vector.extract %reduce_sum3A_141[0, 0, 0] : i32 from vector<1x1x1xi32>
    %sub3A = arith.constant 1 : i32
    %sub3A_143 = arith.subi %reduce_sum3A_142, %sub3A : i32
    %eq3A = vector.broadcast %sub3A_143 : i32 to vector<512x1xi32>
    %eq3A_144 = arith.cmpi eq, %iota3A_135, %eq3A : vector<512x1xi32>
    %jit3A = arith.constant 0.000000e+00 : f32
    %broadcast_in_dim3A_145 = vector.broadcast %jit3A : f32 to vector<512x1xf32>
    %select_n3A = arith.select %eq3A_144, %dot_general3A_131, %broadcast_in_dim3A_145 : vector<512x1xi1>, vector<512x1xf32>
    %reduce_sum3A_146 = vector.shape_cast %select_n3A : vector<512x1xf32> to vector<1x512x1xf32>
    %reduce_sum3A_147 = arith.constant dense<0.000000e+00> : vector<1xf32>
    %reduce_sum3A_148 = vector.multi_reduction <add>, %reduce_sum3A_146, %reduce_sum3A_147 [1, 2] : vector<1x512x1xf32> to vector<1xf32>
    %reduce_sum3A_149 = vector.shape_cast %reduce_sum3A_148 : vector<1xf32> to vector<1x1x1xf32>
    %reduce_sum3A_150 = vector.extract %reduce_sum3A_149[0, 0, 0] : f32 from vector<1x1x1xf32>
    %convert_element_type3A_151 = arith.fptosi %reduce_sum3A_150 : f32 to i32
    %sub3A_152 = arith.subi %get3A_0, %convert_element_type3A_151 : i32
    %iota3A_153 = tpu.iota {dimensions = array<i32: 0>} : vector<512x128xi32>
    %eq3A_154 = vector.broadcast %reduce_sum3A_142 : i32 to vector<512x128xi32>
    %eq3A_155 = arith.cmpi eq, %iota3A_153, %eq3A_154 : vector<512x128xi32>
    %jit3A_156 = arith.constant 0.000000e+00 : f32
    %broadcast_in_dim3A_157 = vector.broadcast %jit3A_156 : f32 to vector<512x128xf32>
    %select_n3A_158 = arith.select %eq3A_155, %convert_element_type3A, %broadcast_in_dim3A_157 : vector<512x128xi1>, vector<512x128xf32>
    %reduce_sum3A_159 = arith.constant dense<0.000000e+00> : vector<128xf32>
    %reduce_sum3A_160 = vector.multi_reduction <add>, %select_n3A_158, %reduce_sum3A_159 [0] : vector<512x128xf32> to vector<128xf32>
    %broadcast_in_dim3A_161 = vector.shape_cast %reduce_sum3A_160 : vector<128xf32> to vector<1x128xf32>
    %iota3A_162 = tpu.iota {dimensions = array<i32: 0>} : vector<128x128xi32>
    %iota3A_163 = tpu.iota {dimensions = array<i32: 1>} : vector<128x128xi32>
    %le3A_164 = arith.cmpi sle, %iota3A_162, %iota3A_163 : vector<128x128xi32>
    %convert_element_type3A_165 = arith.extui %le3A_164 : vector<128x128xi1> to vector<128x128xi32>
    %convert_element_type3A_166 = arith.sitofp %convert_element_type3A_165 : vector<128x128xi32> to vector<128x128xf32>
    %dot_general3A_167 = arith.constant dense<0.000000e+00> : vector<1x128xf32>
    %dot_general3A_168 = tpu.matmul %broadcast_in_dim3A_161, %convert_element_type3A_166, %dot_general3A_167 {dimension_numbers = #tpu.dot_dimension_numbers<[1], [0], [0], [1], [0, 0, 1, 1], [], []>, precision = #tpu.contract_precision<fp32>, transpose_lhs_hint = false} : vector<1x128xf32>, vector<128x128xf32>, vector<1x128xf32> -> vector<1x128xf32>
    %add3A_169 = arith.constant 1 : i32
    %add3A_170 = arith.addi %sub3A_152, %add3A_169 : i32
    %convert_element_type3A_171 = arith.sitofp %add3A_170 : i32 to f32
    %lt3A_172 = vector.broadcast %convert_element_type3A_171 : f32 to vector<1x128xf32>
    %lt3A_173 = arith.cmpf olt, %dot_general3A_168, %lt3A_172 : vector<1x128xf32>
    %convert_element_type3A_174 = arith.extui %lt3A_173 : vector<1x128xi1> to vector<1x128xi32>
    %reduce_sum3A_175 = vector.shape_cast %convert_element_type3A_174 : vector<1x128xi32> to vector<1x1x128xi32>
    %reduce_sum3A_176 = arith.constant dense<0> : vector<1xi32>
    %reduce_sum3A_177 = vector.multi_reduction <add>, %reduce_sum3A_175, %reduce_sum3A_176 [1, 2] : vector<1x1x128xi32> to vector<1xi32>
    %reduce_sum3A_178 = vector.shape_cast %reduce_sum3A_177 : vector<1xi32> to vector<1x1x1xi32>
    %reduce_sum3A_179 = vector.extract %reduce_sum3A_178[0, 0, 0] : i32 from vector<1x1x1xi32>
    %mul3A = arith.constant 128 : i32
    %mul3A_180 = arith.muli %reduce_sum3A_142, %mul3A : i32
    %add3A_181 = arith.addi %mul3A_180, %reduce_sum3A_179 : i32
    %get3A_182 = arith.constant 0 : index
    %get3A_183 = memref.load %arg1[%get3A_182] : memref<1xi32, #tpu.memory_space<smem>>
    %shift_left3A = arith.constant 16 : i32
    %shift_left3A_184 = arith.shli %get3A_183, %shift_left3A : i32
    %or3A = arith.ori %shift_left3A_184, %add3A_181 : i32
    %lt3A_185 = arith.constant 0 : i32
    %lt3A_186 = arith.cmpi slt, %or3A, %lt3A_185 : i32
    %xor3A = arith.constant -2147483648 : i32
    %xor3A_187 = arith.xori %or3A, %xor3A : i32
    %not3A = arith.constant -1 : i32
    %not3A_188 = arith.xori %or3A, %not3A : i32
    %select_n3A_189 = arith.select %lt3A_186, %xor3A_187, %not3A_188 : i32
    %swap3A = arith.constant 0 : index
    %swap3A_190 = memref.load %arg3[%swap3A] : memref<1xi32, #tpu.memory_space<smem>>
    memref.store %select_n3A_189, %arg3[%swap3A] : memref<1xi32, #tpu.memory_space<smem>>
    return
  }
}

module attributes {stable_mosaic.version = 14 : i64} {
  func.func @_sigmoid_body(%arg0: i32, %arg1: memref<524288xf32, #tpu.memory_space<vmem>>, %arg2: memref<1xf32, #tpu.memory_space<smem>>, %arg3: memref<524288xf32, #tpu.memory_space<vmem>>) attributes {dimension_semantics = [#tpu.dimension_semantics<arbitrary>], iteration_bounds = array<i64: 8>, scalar_prefetch = 0 : i64, scratch_operands = 0 : i64, tpu.core_type = #tpu.core_type<tc>, window_params = [{transform_indices = @transform_0, window_bounds = array<i64: 524288>}, {transform_indices = @transform_1, window_bounds = array<i64: 1>}, {transform_indices = @transform_2, window_bounds = array<i64: 524288>}]} {
    %get3A = arith.constant 0 : index
    %get3A_0 = memref.load %arg2[%get3A] : memref<1xf32, #tpu.memory_space<smem>>
    %get3A_1 = arith.constant 0 : index
    %get3A_2 = vector.load %arg1[%get3A_1] : memref<524288xf32, #tpu.memory_space<vmem>>, vector<524288xf32>
    %sub3A = vector.broadcast %get3A_0 : f32 to vector<524288xf32>
    %sub3A_3 = arith.subf %sub3A, %get3A_2 : vector<524288xf32>
    %mul3A = arith.constant 1.000000e+01 : f32
    %mul3A_4 = vector.broadcast %mul3A : f32 to vector<524288xf32>
    %mul3A_5 = arith.mulf %sub3A_3, %mul3A_4 : vector<524288xf32>
    %exp3A = math.exp %mul3A_5 : vector<524288xf32>
    %add3A = arith.constant 1.000000e+00 : f32
    %add3A_6 = vector.broadcast %add3A : f32 to vector<524288xf32>
    %add3A_7 = arith.addf %add3A_6, %exp3A : vector<524288xf32>
    %div3A = arith.constant 1.000000e+00 : f32
    %div3A_8 = vector.broadcast %div3A : f32 to vector<524288xf32>
    %div3A_9 = arith.divf %div3A_8, %add3A_7 : vector<524288xf32>
    %swap3A = arith.constant 0 : index
    %swap3A_10 = vector.load %arg3[%swap3A] : memref<524288xf32, #tpu.memory_space<vmem>>, vector<524288xf32>
    tpu.vector_store %arg3[%swap3A], %div3A_9 {strides = array<i32>} : memref<524288xf32, #tpu.memory_space<vmem>>, vector<524288xf32>,
    return
  }
  func.func @transform_0(%arg0: i32) -> i32 {
    %c0_i32 = arith.constant 0 : i32
    return %arg0 : i32
  }
  func.func @transform_1(%arg0: i32) -> i32 {
    %c0_i32 = arith.constant 0 : i32
    %c0_i32_0 = arith.constant 0 : i32
    return %c0_i32 : i32
  }
  func.func @transform_2(%arg0: i32) -> i32 {
    %c0_i32 = arith.constant 0 : i32
    return %arg0 : i32
  }
}

module attributes {stable_mosaic.version = 14 : i64} {
  func.func @_pick1_body(%arg0: memref<16384x128xi32, #tpu.memory_space<vmem>>, %arg1: memref<1xi32, #tpu.memory_space<smem>>, %arg2: memref<16xi32, #tpu.memory_space<vmem>>, %arg3: memref<1xi32, #tpu.memory_space<smem>>, %arg4: memref<1xi32, #tpu.memory_space<smem>>) attributes {dimension_semantics = [], scalar_prefetch = 0 : i64, scratch_operands = 0 : i64, tpu.core_type = #tpu.core_type<tc>} {
    %get3A = arith.constant 0 : index
    %get3A_0 = memref.load %arg1[%get3A] : memref<1xi32, #tpu.memory_space<smem>>
    %get3A_1 = arith.constant 0 : index
    %get3A_2 = arith.constant 0 : index
    %get3A_3 = vector.load %arg0[%get3A_1, %get3A_2] : memref<16384x128xi32, #tpu.memory_space<vmem>>, vector<512x128xi32>
    %get3A_4 = arith.constant 512 : index
    %get3A_5 = arith.constant 0 : index
    %get3A_6 = vector.load %arg0[%get3A_4, %get3A_5] : memref<16384x128xi32, #tpu.memory_space<vmem>>, vector<512x128xi32>
    %add3A = arith.addi %get3A_3, %get3A_6 : vector<512x128xi32>
    %get3A_7 = arith.constant 1024 : index
    %get3A_8 = arith.constant 0 : index
    %get3A_9 = vector.load %arg0[%get3A_7, %get3A_8] : memref<16384x128xi32, #tpu.memory_space<vmem>>, vector<512x128xi32>
    %add3A_10 = arith.addi %add3A, %get3A_9 : vector<512x128xi32>
    %get3A_11 = arith.constant 1536 : index
    %get3A_12 = arith.constant 0 : index
    %get3A_13 = vector.load %arg0[%get3A_11, %get3A_12] : memref<16384x128xi32, #tpu.memory_space<vmem>>, vector<512x128xi32>
    %add3A_14 = arith.addi %add3A_10, %get3A_13 : vector<512x128xi32>
    %get3A_15 = arith.constant 2048 : index
    %get3A_16 = arith.constant 0 : index
    %get3A_17 = vector.load %arg0[%get3A_15, %get3A_16] : memref<16384x128xi32, #tpu.memory_space<vmem>>, vector<512x128xi32>
    %add3A_18 = arith.addi %add3A_14, %get3A_17 : vector<512x128xi32>
    %get3A_19 = arith.constant 2560 : index
    %get3A_20 = arith.constant 0 : index
    %get3A_21 = vector.load %arg0[%get3A_19, %get3A_20] : memref<16384x128xi32, #tpu.memory_space<vmem>>, vector<512x128xi32>
    %add3A_22 = arith.addi %add3A_18, %get3A_21 : vector<512x128xi32>
    %get3A_23 = arith.constant 3072 : index
    %get3A_24 = arith.constant 0 : index
    %get3A_25 = vector.load %arg0[%get3A_23, %get3A_24] : memref<16384x128xi32, #tpu.memory_space<vmem>>, vector<512x128xi32>
    %add3A_26 = arith.addi %add3A_22, %get3A_25 : vector<512x128xi32>
    %get3A_27 = arith.constant 3584 : index
    %get3A_28 = arith.constant 0 : index
    %get3A_29 = vector.load %arg0[%get3A_27, %get3A_28] : memref<16384x128xi32, #tpu.memory_space<vmem>>, vector<512x128xi32>
    %add3A_30 = arith.addi %add3A_26, %get3A_29 : vector<512x128xi32>
    %get3A_31 = arith.constant 4096 : index
    %get3A_32 = arith.constant 0 : index
    %get3A_33 = vector.load %arg0[%get3A_31, %get3A_32] : memref<16384x128xi32, #tpu.memory_space<vmem>>, vector<512x128xi32>
    %add3A_34 = arith.addi %add3A_30, %get3A_33 : vector<512x128xi32>
    %get3A_35 = arith.constant 4608 : index
    %get3A_36 = arith.constant 0 : index
    %get3A_37 = vector.load %arg0[%get3A_35, %get3A_36] : memref<16384x128xi32, #tpu.memory_space<vmem>>, vector<512x128xi32>
    %add3A_38 = arith.addi %add3A_34, %get3A_37 : vector<512x128xi32>
    %get3A_39 = arith.constant 5120 : index
    %get3A_40 = arith.constant 0 : index
    %get3A_41 = vector.load %arg0[%get3A_39, %get3A_40] : memref<16384x128xi32, #tpu.memory_space<vmem>>, vector<512x128xi32>
    %add3A_42 = arith.addi %add3A_38, %get3A_41 : vector<512x128xi32>
    %get3A_43 = arith.constant 5632 : index
    %get3A_44 = arith.constant 0 : index
    %get3A_45 = vector.load %arg0[%get3A_43, %get3A_44] : memref<16384x128xi32, #tpu.memory_space<vmem>>, vector<512x128xi32>
    %add3A_46 = arith.addi %add3A_42, %get3A_45 : vector<512x128xi32>
    %get3A_47 = arith.constant 6144 : index
    %get3A_48 = arith.constant 0 : index
    %get3A_49 = vector.load %arg0[%get3A_47, %get3A_48] : memref<16384x128xi32, #tpu.memory_space<vmem>>, vector<512x128xi32>
    %add3A_50 = arith.addi %add3A_46, %get3A_49 : vector<512x128xi32>
    %get3A_51 = arith.constant 6656 : index
    %get3A_52 = arith.constant 0 : index
    %get3A_53 = vector.load %arg0[%get3A_51, %get3A_52] : memref<16384x128xi32, #tpu.memory_space<vmem>>, vector<512x128xi32>
    %add3A_54 = arith.addi %add3A_50, %get3A_53 : vector<512x128xi32>
    %get3A_55 = arith.constant 7168 : index
    %get3A_56 = arith.constant 0 : index
    %get3A_57 = vector.load %arg0[%get3A_55, %get3A_56] : memref<16384x128xi32, #tpu.memory_space<vmem>>, vector<512x128xi32>
    %add3A_58 = arith.addi %add3A_54, %get3A_57 : vector<512x128xi32>
    %get3A_59 = arith.constant 7680 : index
    %get3A_60 = arith.constant 0 : index
    %get3A_61 = vector.load %arg0[%get3A_59, %get3A_60] : memref<16384x128xi32, #tpu.memory_space<vmem>>, vector<512x128xi32>
    %add3A_62 = arith.addi %add3A_58, %get3A_61 : vector<512x128xi32>
    %get3A_63 = arith.constant 8192 : index
    %get3A_64 = arith.constant 0 : index
    %get3A_65 = vector.load %arg0[%get3A_63, %get3A_64] : memref<16384x128xi32, #tpu.memory_space<vmem>>, vector<512x128xi32>
    %add3A_66 = arith.addi %add3A_62, %get3A_65 : vector<512x128xi32>
    %get3A_67 = arith.constant 8704 : index
    %get3A_68 = arith.constant 0 : index
    %get3A_69 = vector.load %arg0[%get3A_67, %get3A_68] : memref<16384x128xi32, #tpu.memory_space<vmem>>, vector<512x128xi32>
    %add3A_70 = arith.addi %add3A_66, %get3A_69 : vector<512x128xi32>
    %get3A_71 = arith.constant 9216 : index
    %get3A_72 = arith.constant 0 : index
    %get3A_73 = vector.load %arg0[%get3A_71, %get3A_72] : memref<16384x128xi32, #tpu.memory_space<vmem>>, vector<512x128xi32>
    %add3A_74 = arith.addi %add3A_70, %get3A_73 : vector<512x128xi32>
    %get3A_75 = arith.constant 9728 : index
    %get3A_76 = arith.constant 0 : index
    %get3A_77 = vector.load %arg0[%get3A_75, %get3A_76] : memref<16384x128xi32, #tpu.memory_space<vmem>>, vector<512x128xi32>
    %add3A_78 = arith.addi %add3A_74, %get3A_77 : vector<512x128xi32>
    %get3A_79 = arith.constant 10240 : index
    %get3A_80 = arith.constant 0 : index
    %get3A_81 = vector.load %arg0[%get3A_79, %get3A_80] : memref<16384x128xi32, #tpu.memory_space<vmem>>, vector<512x128xi32>
    %add3A_82 = arith.addi %add3A_78, %get3A_81 : vector<512x128xi32>
    %get3A_83 = arith.constant 10752 : index
    %get3A_84 = arith.constant 0 : index
    %get3A_85 = vector.load %arg0[%get3A_83, %get3A_84] : memref<16384x128xi32, #tpu.memory_space<vmem>>, vector<512x128xi32>
    %add3A_86 = arith.addi %add3A_82, %get3A_85 : vector<512x128xi32>
    %get3A_87 = arith.constant 11264 : index
    %get3A_88 = arith.constant 0 : index
    %get3A_89 = vector.load %arg0[%get3A_87, %get3A_88] : memref<16384x128xi32, #tpu.memory_space<vmem>>, vector<512x128xi32>
    %add3A_90 = arith.addi %add3A_86, %get3A_89 : vector<512x128xi32>
    %get3A_91 = arith.constant 11776 : index
    %get3A_92 = arith.constant 0 : index
    %get3A_93 = vector.load %arg0[%get3A_91, %get3A_92] : memref<16384x128xi32, #tpu.memory_space<vmem>>, vector<512x128xi32>
    %add3A_94 = arith.addi %add3A_90, %get3A_93 : vector<512x128xi32>
    %get3A_95 = arith.constant 12288 : index
    %get3A_96 = arith.constant 0 : index
    %get3A_97 = vector.load %arg0[%get3A_95, %get3A_96] : memref<16384x128xi32, #tpu.memory_space<vmem>>, vector<512x128xi32>
    %add3A_98 = arith.addi %add3A_94, %get3A_97 : vector<512x128xi32>
    %get3A_99 = arith.constant 12800 : index
    %get3A_100 = arith.constant 0 : index
    %get3A_101 = vector.load %arg0[%get3A_99, %get3A_100] : memref<16384x128xi32, #tpu.memory_space<vmem>>, vector<512x128xi32>
    %add3A_102 = arith.addi %add3A_98, %get3A_101 : vector<512x128xi32>
    %get3A_103 = arith.constant 13312 : index
    %get3A_104 = arith.constant 0 : index
    %get3A_105 = vector.load %arg0[%get3A_103, %get3A_104] : memref<16384x128xi32, #tpu.memory_space<vmem>>, vector<512x128xi32>
    %add3A_106 = arith.addi %add3A_102, %get3A_105 : vector<512x128xi32>
    %get3A_107 = arith.constant 13824 : index
    %get3A_108 = arith.constant 0 : index
    %get3A_109 = vector.load %arg0[%get3A_107, %get3A_108] : memref<16384x128xi32, #tpu.memory_space<vmem>>, vector<512x128xi32>
    %add3A_110 = arith.addi %add3A_106, %get3A_109 : vector<512x128xi32>
    %get3A_111 = arith.constant 14336 : index
    %get3A_112 = arith.constant 0 : index
    %get3A_113 = vector.load %arg0[%get3A_111, %get3A_112] : memref<16384x128xi32, #tpu.memory_space<vmem>>, vector<512x128xi32>
    %add3A_114 = arith.addi %add3A_110, %get3A_113 : vector<512x128xi32>
    %get3A_115 = arith.constant 14848 : index
    %get3A_116 = arith.constant 0 : index
    %get3A_117 = vector.load %arg0[%get3A_115, %get3A_116] : memref<16384x128xi32, #tpu.memory_space<vmem>>, vector<512x128xi32>
    %add3A_118 = arith.addi %add3A_114, %get3A_117 : vector<512x128xi32>
    %get3A_119 = arith.constant 15360 : index
    %get3A_120 = arith.constant 0 : index
    %get3A_121 = vector.load %arg0[%get3A_119, %get3A_120] : memref<16384x128xi32, #tpu.memory_space<vmem>>, vector<512x128xi32>
    %add3A_122 = arith.addi %add3A_118, %get3A_121 : vector<512x128xi32>
    %get3A_123 = arith.constant 15872 : index
    %get3A_124 = arith.constant 0 : index
    %get3A_125 = vector.load %arg0[%get3A_123, %get3A_124] : memref<16384x128xi32, #tpu.memory_space<vmem>>, vector<512x128xi32>
    %add3A_126 = arith.addi %add3A_122, %get3A_125 : vector<512x128xi32>
    %convert_element_type3A = arith.sitofp %add3A_126 : vector<512x128xi32> to vector<512x128xf32>
    %reduce_sum3A = arith.constant dense<0.000000e+00> : vector<512xf32>
    %reduce_sum3A_127 = vector.multi_reduction <add>, %convert_element_type3A, %reduce_sum3A [1] : vector<512x128xf32> to vector<512xf32>
    %broadcast_in_dim3A = vector.shape_cast %reduce_sum3A_127 : vector<512xf32> to vector<512x1xf32>
    %iota3A = tpu.iota {dimensions = array<i32: 0>} : vector<512x512xi32>
    %iota3A_128 = tpu.iota {dimensions = array<i32: 1>} : vector<512x512xi32>
    %le3A = arith.cmpi sle, %iota3A_128, %iota3A : vector<512x512xi32>
    %convert_element_type3A_129 = arith.extui %le3A : vector<512x512xi1> to vector<512x512xi32>
    %convert_element_type3A_130 = arith.sitofp %convert_element_type3A_129 : vector<512x512xi32> to vector<512x512xf32>
    %dot_general3A = arith.constant dense<0.000000e+00> : vector<512x1xf32>
    %dot_general3A_131 = tpu.matmul %convert_element_type3A_130, %broadcast_in_dim3A, %dot_general3A {dimension_numbers = #tpu.dot_dimension_numbers<[1], [0], [0], [1], [0, 0, 1, 1], [], []>, precision = #tpu.contract_precision<fp32>, transpose_lhs_hint = false} : vector<512x512xf32>, vector<512x1xf32>, vector<512x1xf32> -> vector<512x1xf32>
    %add3A_132 = arith.constant 1 : i32
    %add3A_133 = arith.addi %get3A_0, %add3A_132 : i32
    %convert_element_type3A_134 = arith.sitofp %add3A_133 : i32 to f32
    %iota3A_135 = tpu.iota {dimensions = array<i32: 0>} : vector<512x1xi32>
    %lt3A = vector.broadcast %convert_element_type3A_134 : f32 to vector<512x1xf32>
    %lt3A_136 = arith.cmpf olt, %dot_general3A_131, %lt3A : vector<512x1xf32>
    %convert_element_type3A_137 = arith.extui %lt3A_136 : vector<512x1xi1> to vector<512x1xi32>
    %reduce_sum3A_138 = vector.shape_cast %convert_element_type3A_137 : vector<512x1xi32> to vector<1x512x1xi32>
    %reduce_sum3A_139 = arith.constant dense<0> : vector<1xi32>
    %reduce_sum3A_140 = vector.multi_reduction <add>, %reduce_sum3A_138, %reduce_sum3A_139 [1, 2] : vector<1x512x1xi32> to vector<1xi32>
    %reduce_sum3A_141 = vector.shape_cast %reduce_sum3A_140 : vector<1xi32> to vector<1x1x1xi32>
    %reduce_sum3A_142 = vector.extract %reduce_sum3A_141[0, 0, 0] : i32 from vector<1x1x1xi32>
    %sub3A = arith.constant 1 : i32
    %sub3A_143 = arith.subi %reduce_sum3A_142, %sub3A : i32
    %eq3A = vector.broadcast %sub3A_143 : i32 to vector<512x1xi32>
    %eq3A_144 = arith.cmpi eq, %iota3A_135, %eq3A : vector<512x1xi32>
    %jit3A = arith.constant 0.000000e+00 : f32
    %broadcast_in_dim3A_145 = vector.broadcast %jit3A : f32 to vector<512x1xf32>
    %select_n3A = arith.select %eq3A_144, %dot_general3A_131, %broadcast_in_dim3A_145 : vector<512x1xi1>, vector<512x1xf32>
    %reduce_sum3A_146 = vector.shape_cast %select_n3A : vector<512x1xf32> to vector<1x512x1xf32>
    %reduce_sum3A_147 = arith.constant dense<0.000000e+00> : vector<1xf32>
    %reduce_sum3A_148 = vector.multi_reduction <add>, %reduce_sum3A_146, %reduce_sum3A_147 [1, 2] : vector<1x512x1xf32> to vector<1xf32>
    %reduce_sum3A_149 = vector.shape_cast %reduce_sum3A_148 : vector<1xf32> to vector<1x1x1xf32>
    %reduce_sum3A_150 = vector.extract %reduce_sum3A_149[0, 0, 0] : f32 from vector<1x1x1xf32>
    %convert_element_type3A_151 = arith.fptosi %reduce_sum3A_150 : f32 to i32
    %sub3A_152 = arith.subi %get3A_0, %convert_element_type3A_151 : i32
    %iota3A_153 = tpu.iota {dimensions = array<i32: 0>} : vector<512x128xi32>
    %eq3A_154 = vector.broadcast %reduce_sum3A_142 : i32 to vector<512x128xi32>
    %eq3A_155 = arith.cmpi eq, %iota3A_153, %eq3A_154 : vector<512x128xi32>
    %jit3A_156 = arith.constant 0.000000e+00 : f32
    %broadcast_in_dim3A_157 = vector.broadcast %jit3A_156 : f32 to vector<512x128xf32>
    %select_n3A_158 = arith.select %eq3A_155, %convert_element_type3A, %broadcast_in_dim3A_157 : vector<512x128xi1>, vector<512x128xf32>
    %reduce_sum3A_159 = arith.constant dense<0.000000e+00> : vector<128xf32>
    %reduce_sum3A_160 = vector.multi_reduction <add>, %select_n3A_158, %reduce_sum3A_159 [0] : vector<512x128xf32> to vector<128xf32>
    %broadcast_in_dim3A_161 = vector.shape_cast %reduce_sum3A_160 : vector<128xf32> to vector<1x128xf32>
    %iota3A_162 = tpu.iota {dimensions = array<i32: 0>} : vector<128x128xi32>
    %iota3A_163 = tpu.iota {dimensions = array<i32: 1>} : vector<128x128xi32>
    %le3A_164 = arith.cmpi sle, %iota3A_162, %iota3A_163 : vector<128x128xi32>
    %convert_element_type3A_165 = arith.extui %le3A_164 : vector<128x128xi1> to vector<128x128xi32>
    %convert_element_type3A_166 = arith.sitofp %convert_element_type3A_165 : vector<128x128xi32> to vector<128x128xf32>
    %dot_general3A_167 = arith.constant dense<0.000000e+00> : vector<1x128xf32>
    %dot_general3A_168 = tpu.matmul %broadcast_in_dim3A_161, %convert_element_type3A_166, %dot_general3A_167 {dimension_numbers = #tpu.dot_dimension_numbers<[1], [0], [0], [1], [0, 0, 1, 1], [], []>, precision = #tpu.contract_precision<fp32>, transpose_lhs_hint = false} : vector<1x128xf32>, vector<128x128xf32>, vector<1x128xf32> -> vector<1x128xf32>
    %add3A_169 = arith.constant 1 : i32
    %add3A_170 = arith.addi %sub3A_152, %add3A_169 : i32
    %convert_element_type3A_171 = arith.sitofp %add3A_170 : i32 to f32
    %iota3A_172 = tpu.iota {dimensions = array<i32: 1>} : vector<1x128xi32>
    %lt3A_173 = vector.broadcast %convert_element_type3A_171 : f32 to vector<1x128xf32>
    %lt3A_174 = arith.cmpf olt, %dot_general3A_168, %lt3A_173 : vector<1x128xf32>
    %convert_element_type3A_175 = arith.extui %lt3A_174 : vector<1x128xi1> to vector<1x128xi32>
    %reduce_sum3A_176 = vector.shape_cast %convert_element_type3A_175 : vector<1x128xi32> to vector<1x1x128xi32>
    %reduce_sum3A_177 = arith.constant dense<0> : vector<1xi32>
    %reduce_sum3A_178 = vector.multi_reduction <add>, %reduce_sum3A_176, %reduce_sum3A_177 [1, 2] : vector<1x1x128xi32> to vector<1xi32>
    %reduce_sum3A_179 = vector.shape_cast %reduce_sum3A_178 : vector<1xi32> to vector<1x1x1xi32>
    %reduce_sum3A_180 = vector.extract %reduce_sum3A_179[0, 0, 0] : i32 from vector<1x1x1xi32>
    %sub3A_181 = arith.constant 1 : i32
    %sub3A_182 = arith.subi %reduce_sum3A_180, %sub3A_181 : i32
    %eq3A_183 = vector.broadcast %sub3A_182 : i32 to vector<1x128xi32>
    %eq3A_184 = arith.cmpi eq, %iota3A_172, %eq3A_183 : vector<1x128xi32>
    %jit3A_185 = arith.constant 0.000000e+00 : f32
    %broadcast_in_dim3A_186 = vector.broadcast %jit3A_185 : f32 to vector<1x128xf32>
    %select_n3A_187 = arith.select %eq3A_184, %dot_general3A_168, %broadcast_in_dim3A_186 : vector<1x128xi1>, vector<1x128xf32>
    %reduce_sum3A_188 = vector.shape_cast %select_n3A_187 : vector<1x128xf32> to vector<1x1x128xf32>
    %reduce_sum3A_189 = arith.constant dense<0.000000e+00> : vector<1xf32>
    %reduce_sum3A_190 = vector.multi_reduction <add>, %reduce_sum3A_188, %reduce_sum3A_189 [1, 2] : vector<1x1x128xf32> to vector<1xf32>
    %reduce_sum3A_191 = vector.shape_cast %reduce_sum3A_190 : vector<1xf32> to vector<1x1x1xf32>
    %reduce_sum3A_192 = vector.extract %reduce_sum3A_191[0, 0, 0] : f32 from vector<1x1x1xf32>
    %convert_element_type3A_193 = arith.fptosi %reduce_sum3A_192 : f32 to i32
    %sub3A_194 = arith.subi %sub3A_152, %convert_element_type3A_193 : i32
    %mul3A = arith.constant 128 : i32
    %mul3A_195 = arith.muli %reduce_sum3A_142, %mul3A : i32
    %add3A_196 = arith.addi %mul3A_195, %reduce_sum3A_180 : i32
    %broadcast_in_dim3A_197 = vector.broadcast %add3A_196 : i32 to vector<16xi32>
    %swap3A = arith.constant 0 : index
    %swap3A_198 = vector.load %arg2[%swap3A] : memref<16xi32, #tpu.memory_space<vmem>>, vector<16xi32>
    tpu.vector_store %arg2[%swap3A], %broadcast_in_dim3A_197 {strides = array<i32>} : memref<16xi32, #tpu.memory_space<vmem>>, vector<16xi32>,
    %swap3A_199 = arith.constant 0 : index
    %swap3A_200 = memref.load %arg3[%swap3A_199] : memref<1xi32, #tpu.memory_space<smem>>
    memref.store %add3A_196, %arg3[%swap3A_199] : memref<1xi32, #tpu.memory_space<smem>>
    %swap3A_201 = arith.constant 0 : index
    %swap3A_202 = memref.load %arg4[%swap3A_201] : memref<1xi32, #tpu.memory_space<smem>>
    memref.store %sub3A_194, %arg4[%swap3A_201] : memref<1xi32, #tpu.memory_space<smem>>
    return
  }
}

</mosaic_0001>

<sc_bundles>
// kernel: kernel.10.cloned.1.call-start
scs
__scs_entry_jumppad:
0x0: {  	(pc) =	sbr.rel $0x88, $3  }
0x1: {  	(tag) =	ssettag $0x0;
	lr =	simm.s32 $0x1  }
0x2: {  	[smem:$0x3FA0] =	sst lr;
	_ =	strace $0xD0000000  }
0x3: {  	_ = 	snop  }
0x4: {  	_ = 	snop  }
0x5: {  	_ = 	snop  }
0x6: {  	_ = 	snop  }
0x7: {  	_ = 	snop  }
__scs_overlays_trampoline_lowered:
0x8: {  	[smem:$0x3FAF] =	sst s0  }
0x9: {  	[smem:$0x3FB0] =	sst s1  }
0xa: {  	[smem:$0x3FB1] =	sst s2  }
0xb: {  	[smem:$0x3FB2] =	sst s3  }
0xc: {  	[smem:$0x3FB3] =	sst s4  }
0xd: {  	[smem:$0x3FB4] =	sst s5  }
0xe: {  	[smem:$0x3FB5] =	sst s6  }
0xf: {  	[smem:$0x3FB6] =	sst s7  }
0x10: {  	[smem:$0x3FB7] =	sst s8  }
0x11: {  	[smem:$0x3FB8] =	sst s9;
	s0 =	simm.s32 @!p0 $0x0  }
0x12: {  	s1 =	sld [smem:$0x3F9E];
	s0 =	simm.s32 @p0 $0x1  }
0x13: {  	[smem:$0x3FB9] =	sst s0;
	s0 =	simm.s32 @!p1 $0x0  }
0x14: {  	s2 =	sld [smem:$0x3F9D];
	s0 =	simm.s32 @p1 $0x1  }
0x15: {  	[smem:$0x3FBA] =	sst s0;
	s0 =	simm.s32 @!p2 $0x0  }
0x16: {  	s3 =	sld [smem:$0x3FDB];
	s0 =	simm.s32 @p2 $0x1  }
0x17: {  	s4 =	simm.s32 $0x1BF5;
	[smem:$0x3FBC] =	sst s0  }
0x18: {  	s0 =	sld [smem:$0x3F9F];
	_ =	swait.ge [sflag:s4], $0x0  }
0x19: {  	s7 =	sld [smem:$0x3FA0]  }
0x1a: {  	s8 =	sadd.s32 $0xFFFFE003, lr  }
0x1b: {  	s9 =	sadd.s32 $0xFFFFFEF7, lr;
	s5 =	simm.s32 $0xFFFFFFFF;
	p2 =	slt.u32 s8, $0xFFFFF086  }
0x1c: {  	p1 =	slt.u32 s9, $0xF7A;
	s5 =	simm.s32 @!p2 $0x0  }
0x1d: {  	s5 =	simm.s32 @p1 $0x1;
	p0 =	seq.s32 s7, s2  }
0x1e: {  	s7 =	smul.u32 @!p0 $0xF7A, s2;
	p2 =	seq.s32 @!p0 s5, $0x0  }
0x1f: {  	s9 =	smul.u32 $0xF7A, s1;
	s8 =	simm.s32 @!p0 $0x1BF5;
	p2 =	por !p2, p0  }
0x20: {  	[sflag:s8] =	ssyncset.s32 @!p0 $0xFFFFF086;
	s6 =	sadd.s32 @!p0 s3, s7;
	s7 =	simm.s32 @!p0 $0x108  }
0x21: {  	s3 =	sadd.s32 s3, s9;
	s6 =	sadd.s32 @!p0 $0x88, s6;
	s7 =	simm.s32 @p2 $0x1082  }
0x22: {  	[simem:s7], [sflag:s8] =	dma.local @!p0 [hbm:s6], $0xF7A  }
0x23: {  	s9 =	sor.u32 $0xD0000000, s2;
	s6 =	simm.s32 $0x108;
	_ =	swait.ge @!p0 [sflag:s8], $0x0  }
0x24: {  	s3 =	sadd.s32 $0x88, s3;
	s6 =	simm.s32 @!p1 $0x1082;
	[sflag:s4] =	ssyncset.s32 $0xFFFFF086  }
0x25: {  	[simem:s6], [sflag:s4] =	dma.local [hbm:s3], $0xF7A  }
0x26: {  	[smem:$0x3FA0] =	sst s1;
	(tag) =	ssettag s2;
	_ =	strace s9  }
0x27: {  	s1 =	sld [smem:$0x3FB0]  }
0x28: {  	s2 =	sld [smem:$0x3FB1]  }
0x29: {  	s4 =	sld [smem:$0x3FB3]  }
0x2a: {  	p0 =	seq.s32 s5, $0x0;
	s5 =	sld [smem:$0x3FB4]  }
0x2b: {  	s6 =	sld [smem:$0x3FB5]  }
0x2c: {  	s7 =	sld [smem:$0x3FB6]  }
0x2d: {  	s3 =	simm.s32 $0x108;
	s8 =	sld [smem:$0x3FB7]  }
0x2e: {  	s3 =	simm.s32 @!p0 $0x1082;
	s9 =	sld [smem:$0x3FB8]  }
0x2f: {  	lr =	sadd.s32 s0, s3;
	s0 =	sld [smem:$0x3FAF]  }
0x30: {  	s3 =	sld [smem:$0x3FB2]  }
0x31: {  	[smem:$0x3FBB] =	sst s10  }
0x32: {  	s10 =	sld [smem:$0x3FB9];
	_ =	sdelay $0x3  }
0x33: {  	p0 =	seq.s32 s10, $0x1;
	s10 =	sld [smem:$0x3FBB];
	_ =	sdelay $0x3  }
0x34: {  	[smem:$0x3FBB] =	sst s10  }
0x35: {  	s10 =	sld [smem:$0x3FBA];
	_ =	sdelay $0x3  }
0x36: {  	p1 =	seq.s32 s10, $0x1;
	s10 =	sld [smem:$0x3FBB];
	_ =	sdelay $0x3  }
0x37: {  	[smem:$0x3FBB] =	sst s10  }
0x38: {  	s10 =	sld [smem:$0x3FBC]  }
0x39: {  	_ = 	snop;
	(pc) =	sbr.ind lr, $3  }
0x3a: {  	_ = 	snop  }
0x3b: {  	_ = 	snop  }
0x3c: {  	p2 =	seq.s32 s10, $0x1;
	s10 =	sld [smem:$0x3FBB]  }
0x3d: {  	_ =	shalt  }
0x3e: {  	_ =	shalt  }
0x3f: {  	_ =	shalt  }
0x40: {  	_ =	shalt  }
0x41: {  	_ =	shalt  }
0x42: {  	_ =	shalt  }
0x43: {  	_ =	shalt  }
0x44: {  	_ =	shalt  }
0x45: {  	_ =	shalt  }
0x46: {  	_ =	shalt  }
0x47: {  	_ =	shalt  }
0x48: {  	_ =	shalt  }
0x49: {  	_ =	shalt  }
0x4a: {  	_ =	shalt  }
0x4b: {  	_ =	shalt  }
0x4c: {  	_ =	shalt  }
0x4d: {  	_ =	shalt  }
0x4e: {  	_ =	shalt  }
0x4f: {  	_ =	shalt  }
0x50: {  	_ =	shalt  }
0x51: {  	_ =	shalt  }
0x52: {  	_ =	shalt  }
0x53: {  	_ =	shalt  }
0x54: {  	_ =	shalt  }
0x55: {  	_ =	shalt  }
0x56: {  	_ =	shalt  }
0x57: {  	_ =	shalt  }
0x58: {  	_ =	shalt  }
0x59: {  	_ =	shalt  }
0x5a: {  	_ =	shalt  }
0x5b: {  	_ =	shalt  }
0x5c: {  	_ =	shalt  }
0x5d: {  	_ =	shalt  }
0x5e: {  	_ =	shalt  }
0x5f: {  	_ =	shalt  }
0x60: {  	_ =	shalt  }
0x61: {  	_ =	shalt  }
0x62: {  	_ =	shalt  }
0x63: {  	_ =	shalt  }
0x64: {  	_ =	shalt  }
0x65: {  	_ =	shalt  }
0x66: {  	_ =	shalt  }
0x67: {  	_ =	shalt  }
0x68: {  	_ =	shalt  }
0x69: {  	_ =	shalt  }
0x6a: {  	_ =	shalt  }
0x6b: {  	_ =	shalt  }
0x6c: {  	_ =	shalt  }
0x6d: {  	_ =	shalt  }
0x6e: {  	_ =	shalt  }
0x6f: {  	_ =	shalt  }
0x70: {  	_ =	shalt  }
0x71: {  	_ =	shalt  }
0x72: {  	_ =	shalt  }
0x73: {  	_ =	shalt  }
0x74: {  	_ =	shalt  }
0x75: {  	_ =	shalt  }
0x76: {  	_ =	shalt  }
0x77: {  	_ =	shalt  }
0x78: {  	_ =	shalt  }
0x79: {  	_ =	shalt  }
0x7a: {  	_ =	shalt  }
0x7b: {  	_ =	shalt  }
0x7c: {  	_ =	shalt  }
0x7d: {  	_ =	shalt  }
0x7e: {  	_ =	shalt  }
0x7f: {  	_ =	shalt  }
0x80: {  	_ =	shalt  }
0x81: {  	_ =	shalt  }
0x82: {  	_ =	shalt  }
0x83: {  	_ =	shalt  }
0x84: {  	_ =	shalt  }
0x85: {  	_ =	shalt  }
0x86: {  	_ =	shalt  }
0x87: {  	_ =	shalt  }
.Lfunc_end0:
.L_simem_size_0:
called_computation.1_lowered:
.L_overlay_start_0:
0x88: {  	s2 =	sld [smem:$0x3FD9]  }
0x89: {  	s3 =	sld [smem:$0x3FFE];
	_ =	sdelay $0x1  }
0x8a: {  	s1 =	srdreg.scid  }
0x8b: {  	s0 =	sand.u32 $0x1, s1  }
0x8c: {  	s17 =	sshll.u32 s0, $0xA;
	s2 =	sadd.s32 s3, s2  }
0x8d: {  	s2 =	sadd.s32 s2, s17  }
0x8e: {  	[smem:$0x3FC7] =	sst s2  }
0x8f: {  	_ = 	snop  }
0x90: {  	s2 =	sld [smem:$0x3FC9]  }
0x91: {  	s18 =	sld [smem:$0x3FD0];
	(tm) =	ssettm $0x1  }
0x92: {  	s4 =	sld [smem:$0x3FFB];
	_ =	sdelay $0x3  }
0x93: {  	_ =	strace s4  }
0x94: {  	s4 =	sld [smem:$0x3FFC];
	_ =	sdelay $0x3  }
0x95: {  	_ =	strace s4  }
0x96: {  	s4 =	sld [smem:$0x3FFD];
	_ =	sdelay $0x3  }
0x97: {  	_ =	strace s4  }
0x98: {  	_ =	strace $0x8FFFFFFF  }
0x99: {  	s19 =	sld [smem:$0x3FDB];
	_ =	sdelay $0x1  }
0x9a: {  	s5 =	simm.s32 $_scs_section_size  }
0x9b: {  	s6 =	simm.s32 $_size__tile_overlayer_lowered;
	s7 =	simm.s32 $_tile_overlayer_lowered  }
0x9c: {  	s22 =	simm.s32 $0x1BFF;
	s21 =	sshll.u32 s7, $0x1;
	s4 =	sadd.s32 s5, s19  }
0x9d: {  	s8 =	simm.s32 $0x0;
	s20 =	sshll.u32 s6, $0x1;
	s6 =	sadd.s32 s21, s4  }
0x9e: {  	[timem:s8], [sflag:s22] =	dma.local [hbm:s6], s20  }
0x9f: {  	_ =	swait.ge [sflag:s22], s20  }
0xa0: {  	s5 =	ssub.s32 $0x0, s20;
	[sflag:s22] =	ssyncset.done $0x0  }
0xa1: {  	[sflag:s22] =	ssyncadd.s32 s5;
	_ =	sdelay $0x1  }
0xa2: {  	s23 =	simm.s32 $0x1B8B  }
0xa3: {  	_ =	swait.ge [sflag:s23], $0x1  }
0xa4: {  	[sflag:s23] =	ssyncset.done $0x0  }
0xa5: {  	s25 =	simm.s32 $0x1B8E;
	s24 =	sld [smem:$0x3FFE];
	[sflag:s23] =	ssyncadd.s32 $0xFFFFFFFF  }
0xa6: {  	s26 =	simm.s32 $execute0_lowered;
	[smem:$0x3FD2] =	sst s25  }
0xa7: {  	s6 =	sshll.u32 s26, $0x1;
	_ =	strace $0x80000049;
	[dreg:$0x1] =	wrdreg $0xFFFFFFFF  }
0xa8: {  	s28 =	simm.s32 $_size_execute0_lowered;
	s4 =	sadd.s32 s4, s6;
	[dreg:$0x0] =	wrdreg $0x0  }
0xa9: {  	s6 =	sshll.u32 s28, $0x1;
	[dreg:$0x2] =	wrdreg s4  }
0xaa: {  	[dreg:$0x3] =	wrdreg s6  }
0xab: {  	[dreg:$0x4] =	wrdreg $0xC0  }
0xac: {  	_ =	task [dreg:s8], $0x5FFFF  }
0xad: {  	[dreg:$0x1] =	wrdreg $0xFFFFFFFF  }
0xae: {  	[dreg:$0x0] =	wrdreg $0x60  }
0xaf: {  	[dreg:$0x2] =	wrdreg s2  }
0xb0: {  	[dreg:$0x3] =	wrdreg s24  }
0xb1: {  	[dreg:$0x4] =	wrdreg s18  }
0xb2: {  	[dreg:$0x5] =	wrdreg $0x9  }
0xb3: {  	_ =	task.clear_ibuf [dreg:s8], $0x6FFFF;
	_ =	strace $0x90000049  }
0xb4: {  	s29 =	simm.s32 $0x9;
	_ =	strace $0x8000004B  }
0xb5: {  	_ =	swait.ge [sflag:s29], $0x1  }
0xb6: {  	[sflag:s29] =	ssyncadd.s32 $0xFFFFFFFF  }
0xb7: {  	_ =	strace $0x9000004B  }
0xb8: {  	_ =	sfence  }
0xb9: {  	s30 =	sld [smem:$0x0];
	_ =	sdelay $0x2  }
0xba: {  	s31 =	sshll.u32 s1, $0xD;
	s1 =	sshrl.u32 s1, $0x2  }
0xbb: {  	s3 =	sand.u32 $0x4000, s31;
	s1 =	sadd.s32 s1, s30  }
0xbc: {  	s0 =	sor.u32 s3, s0;
	s1 =	sshll.u32 s1, $0x11  }
0xbd: {  	s0 =	sor.u32 s1, s0  }
0xbe: {  	s0 =	sadd.s32 $0x8F2B, s0  }
0xbf: {  	[sflag:s0] =	ssyncadd.remote.s32 $0x1  }
0xc0: {  	_ =	sfence.sel $0xFFFF  }
0xc1: {  	[dreg:$0x0] =	wrdreg $0xFFFFFFFF;
	(pc) =	sbr.abs _section_cstart, $3  }
0xc2: {  	[dreg:$0x1] =	wrdreg $0xFFFFFFFF  }
0xc3: {  	_ =	task.clear_ibuf [dreg:s8], $0x2FFFF;
	_ =	strace $0x9FFFFFFF  }
0xc4: {  	(tm) =	ssettm $0x7FFFFFFF  }
0xc5: {  	_ =	shalt  }
tec
execute0_lowered:
.L_overlay_start_1:
0x0: {  	(tag) =	ssettag $0x1  }
0x1: {  	s4 =	rddreg [dreg:$0x0]  }
0x2: {  	s3 =	rddreg [dreg:$0x1]  }
0x3: {  	s12 =	rddreg [dreg:$0x2]  }
0x4: {  	s0 =	rddreg [dreg:$0x3];
	s5 =	srdreg.scid  }
0x5: {  	s1 =	stileid.u32;
	s2 =	simm.s32 $0x0;
	s15 =	simm.s32 $0x3  }
0x6: {  	s16 =	simm.s32 $0x10000;
	s17 =	simm.s32 $0x14000;
	s18 =	simm.s32 $0x1  }
0x7: {  	s19 =	simm.s32 $0x2;
	s20 =	simm.s32 $0x0;
	s5 =	sand.u32 $0x1, s5  }
0x8: {  	s6 =	sshll.u32 s1, $0x1;
	[smem:$0x7FF] =	sst s2;
	s3 =	sadd.s32 $0x1600, s3  }
0x9: {  	s13 =	sor.u32 s5, s6;
	_ =	strace $0x8000004A;
	s5 =	ssub.s32 $0x2, s5  }
0xa: {  	s6 =	sshll.u32 s13, $0xE;
	s7 =	sshrl.u32 s5, $0x1;
	s13 =	sshll.u32 s13, $0xD  }
0xb: {  	s4 =	sadd.s32 s4, s6;
	s14 =	ssub.s32 s5, s7;
	s12 =	sadd.s32 s12, s13  }
0xc: {  	s5 =	sadd.s32 $0x800, s4;
	s6 =	sadd.s32 $0x1000, s4;
	s7 =	sadd.s32 $0x1800, s4  }
0xd: {  	s8 =	sadd.s32 $0x2000, s4;
	s9 =	sadd.s32 $0x2800, s4;
	s10 =	sadd.s32 $0x3000, s4  }
0xe: {  	v0 =	vimm.s32 $0x0;
	v1 =	vimm.s32 $0x1;
	s11 =	sadd.s32 $0x3800, s4;
	s13 =	smax.u32 s14, $0x1;
	s14 =	simm.s32 $0x18000  }
.LBB2_1:
0xf: {  	[tilespmem:s14], [sflag:$0x3] =	stream.linear.gather [hbm4b:s3+s2], $0x80, $0x38;
	[tilespmem:$0x18080] =	vst v63  }
0x10: {  	_ =	swait.ge [sflag:s15], $0x80  }
0x11: {  	[sflag:s15] =	ssyncset.done $0x0  }
0x12: {  	s21 =	simm.s32 $0x40;
	[sflag:s15] =	ssyncadd.s32 $0xFFFFFF80  }
0x13: {  	v2 =	vld [tilespmem:$0x18000];
	[tilespmem:s16], [sflag:$0x1] =	stream.linear.gather [hbm4b:s4+s2], $0x4000, $0x38  }
0x14: {  	[tilespmem:s21+$0xFFFFFFC0] =	vst v0  }
0x15: {  	[tilespmem:s21+$0x30] =	vst v0  }
0x16: {  	[tilespmem:s21+$0x20] =	vst v0  }
0x17: {  	[tilespmem:s21+$0x10] =	vst v0  }
0x18: {  	[tilespmem:s21+$0x0] =	vst v0  }
0x19: {  	[tilespmem:s21+$0xFFFFFFF0] =	vst v0  }
0x1a: {  	s22 =	simm.s32 $0x0;
	[tilespmem:s21+$0xFFFFFFE0] =	vst v0  }
.LBB2_2:
0x1b: {  	s22 =	sadd.s32 $0x8, s22;
	[tilespmem:s21+$0xFFFFFFD0] =	vst v0;
	s21 =	sadd.s32 $0x80, s21  }
0x1c: {  	[tilespmem:s21+$0xFFFFFFC0] =	vst v0;
	p0 =	slt.u32 s22, $0xFF8  }
0x1d: {  	[tilespmem:s21+$0x30] =	vst v0  }
.Ltmp0:
0x1e: {  	[tilespmem:s21+$0x20] =	vst v0;
	(pc) =	sbr.rel @p0 .LBB2_2-.Ltmp0, $4  }
0x1f: {  	[tilespmem:s21+$0x10] =	vst v0  }
0x20: {  	[tilespmem:s21+$0x0] =	vst v0  }
0x21: {  	[tilespmem:s21+$0xFFFFFFF0] =	vst v0  }
0x22: {  	[tilespmem:s21+$0xFFFFFFE0] =	vst v0  }
0x23: {  	[tilespmem:s21+$0xFFFFFFD0] =	vst v0  }
0x24: {  	[tilespmem:s17], [sflag:$0x2] =	stream.linear.gather [hbm4b:s5+s2], $0x4000, $0x38;
	[tilespmem:$0x18080] =	vst v63  }
0x25: {  	_ =	swait.ge [sflag:s18], $0x4000  }
0x26: {  	[sflag:s18] =	ssyncset.done $0x0  }
0x27: {  	s31 =	simm.s32 $0x10040;
	[sflag:s18] =	ssyncadd.s32 $0xFFFFC000  }
0x28: {  	v6 =	vld [tilespmem:s31+$0x20];
	_ =	sdelay $0x1  }
0x29: {  	v7 =	vld [tilespmem:s31+$0xFFFFFFC0]  }
0x2a: {  	v4 =	vld [tilespmem:s31+$0xFFFFFFF0]  }
0x2b: {  	v3 =	vld [tilespmem:s31+$0xFFFFFFE0]  }
0x2c: {  	v12 =	vld [tilespmem:s31+$0x0];
	v5 =	vshra.s32 v6, $0x1F  }
0x2d: {  	v8 =	vld [tilespmem:s31+$0x30];
	v9 =	vor.u32 $0x80000000, v5  }
0x2e: {  	v9 =	vxor.u32 v6, v9  }
0x2f: {  	v10 =	vshra.s32 v7, $0x1F;
	v11 =	vshra.s32 v4, $0x1F;
	v5 =	vld [tilespmem:s31+$0x10];
	v13 =	vshrl.u32 v9, $0x10  }
0x30: {  	v14 =	vshra.s32 v3, $0x1F;
	v10 =	vor.u32 $0x80000000, v10;
	v6 =	vld [tilespmem:s31+$0xFFFFFFD0];
	vm1 =	veq.s32 v13, v2  }
0x31: {  	v15 =	vshra.s32 v12, $0x1F;
	v7 =	vxor.u32 v7, v10;
	v16 =	vand.u32 $0xFFFF, v9  }
0x32: {  	v10 =	vor.u32 $0x80000000, v14;
	v14 =	vshrl.u32 v7, $0x10;
	v13 =	vshra.s32 v8, $0x1F  }
0x33: {  	v11 =	vor.u32 $0x80000000, v11;
	vm0 =	veq.s32 v14, v2;
	v13 =	vor.u32 $0x80000000, v13  }
0x34: {  	v14 =	vor.u32 $0x80000000, v15;
	v9 =	vshra.s32 v5, $0x1F;
	v13 =	vxor.u32 v8, v13  }
0x35: {  	v8 =	vxor.u32 v12, v14;
	v15 =	vshra.s32 v6, $0x1F;
	v17 =	vshrl.u32 v13, $0x10  }
0x36: {  	s21 =	simm.s32 $0x0;
	s22 =	simm.s32 $0x100C0;
	v14 =	vshrl.u32 v8, $0x10;
	v12 =	vor.u32 $0x80000000, v15;
	[tilespmem:v16+s2+$0x0] =	vst.idx.add.s32.msk vm1, v1;
	vm1 =	veq.s32 v17, v2  }
.LBB2_4:
0x37: {  	v15 =	vld [tilespmem:s22+$0x20];
	s21 =	sadd.s32 $0x8, s21;
	v10 =	vxor.u32 v3, v10;
	v11 =	vxor.u32 v4, v11;
	v13 =	vand.u32 $0xFFFF, v13  }
0x38: {  	v9 =	vor.u32 $0x80000000, v9;
	v3 =	vld [tilespmem:s22+$0xFFFFFFE0];
	p0 =	slt.u32 s21, $0x3F8;
	v4 =	vshrl.u32 v10, $0x10;
	v16 =	vshrl.u32 v11, $0x10  }
0x39: {  	v7 =	vand.u32 $0xFFFF, v7;
	v5 =	vxor.u32 v5, v9;
	v17 =	vld [tilespmem:s22+$0xFFFFFFC0];
	vm2 =	veq.s32 v4, v2  }
0x3a: {  	v6 =	vxor.u32 v6, v12;
	vm4 =	veq.s32 v14, v2;
	v9 =	vshrl.u32 v5, $0x10;
	v4 =	vld [tilespmem:s22+$0xFFFFFFF0]  }
0x3b: {  	v8 =	vand.u32 $0xFFFF, v8;
	v14 =	vand.u32 $0xFFFF, v6;
	v18 =	vand.u32 $0xFFFF, v10;
	v12 =	vld [tilespmem:s22+$0x30]  }
0x3c: {  	vm5 =	veq.s32 v9, v2;
	v9 =	vand.u32 $0xFFFF, v5;
	v19 =	vld [tilespmem:s22+$0x0];
	v10 =	vshra.s32 v15, $0x1F  }
0x3d: {  	v20 =	vshrl.u32 v6, $0x10;
	vm3 =	veq.s32 v16, v2;
	v5 =	vld [tilespmem:s22+$0x10];
	v10 =	vor.u32 $0x80000000, v10  }
0x3e: {  	vm6 =	veq.s32 v20, v2;
	v6 =	vld [tilespmem:s22+$0xFFFFFFD0];
	v10 =	vxor.u32 v15, v10;
	v15 =	vand.u32 $0xFFFF, v11  }
0x3f: {  	v11 =	vshra.s32 v17, $0x1F;
	v16 =	vshra.s32 v4, $0x1F;
	v20 =	vshrl.u32 v10, $0x10;
	[tilespmem:v7+s2+$0x0] =	vst.idx.add.s32.msk vm0, v1  }
0x40: {  	v21 =	vshra.s32 v3, $0x1F;
	vm7 =	veq.s32 v20, v2;
	v20 =	vshra.s32 v12, $0x1F;
	[tilespmem:v8+s2+$0x0] =	vst.idx.add.s32.msk vm4, v1  }
0x41: {  	v7 =	vor.u32 $0x80000000, v11;
	v22 =	vand.u32 $0xFFFF, v10;
	v8 =	vshra.s32 v19, $0x1F;
	[tilespmem:v13+s2+$0x0] =	vst.idx.add.s32.msk vm1, v1  }
.Ltmp1:
0x42: {  	v10 =	vor.u32 $0x80000000, v21;
	v7 =	vxor.u32 v17, v7;
	v11 =	vor.u32 $0x80000000, v16;
	[tilespmem:v9+s2+$0x0] =	vst.idx.add.s32.msk vm5, v1;
	(pc) =	sbr.rel @p0 .LBB2_4-.Ltmp1, $4  }
0x43: {  	v13 =	vshrl.u32 v7, $0x10;
	v16 =	vor.u32 $0x80000000, v20;
	v9 =	vshra.s32 v5, $0x1F;
	[tilespmem:v18+s2+$0x0] =	vst.idx.add.s32.msk vm2, v1  }
0x44: {  	vm0 =	veq.s32 v13, v2;
	v8 =	vor.u32 $0x80000000, v8;
	v13 =	vxor.u32 v12, v16;
	[tilespmem:v14+s2+$0x0] =	vst.idx.add.s32.msk vm6, v1  }
0x45: {  	v12 =	vshra.s32 v6, $0x1F;
	v8 =	vxor.u32 v19, v8;
	v16 =	vshrl.u32 v13, $0x10;
	[tilespmem:v15+s2+$0x0] =	vst.idx.add.s32.msk vm3, v1  }
0x46: {  	s22 =	sadd.s32 $0x80, s22;
	v12 =	vor.u32 $0x80000000, v12;
	v14 =	vshrl.u32 v8, $0x10;
	vm1 =	veq.s32 v16, v2;
	[tilespmem:v22+s2+$0x0] =	vst.idx.add.s32.msk vm7, v1  }
0x47: {  	v3 =	vxor.u32 v3, v10;
	v4 =	vxor.u32 v4, v11;
	v9 =	vor.u32 $0x80000000, v9  }
0x48: {  	v7 =	vand.u32 $0xFFFF, v7;
	vm2 =	veq.s32 v14, v2;
	v8 =	vand.u32 $0xFFFF, v8  }
0x49: {  	v6 =	vxor.u32 v6, v12;
	v5 =	vxor.u32 v5, v9;
	v11 =	vshrl.u32 v3, $0x10  }
0x4a: {  	v9 =	vand.u32 $0xFFFF, v13;
	v10 =	vshrl.u32 v5, $0x10;
	vm4 =	veq.s32 v11, v2  }
0x4b: {  	v3 =	vand.u32 $0xFFFF, v3;
	v11 =	vshrl.u32 v4, $0x10;
	vm3 =	veq.s32 v10, v2  }
0x4c: {  	v5 =	vand.u32 $0xFFFF, v5;
	v10 =	vshrl.u32 v6, $0x10;
	vm6 =	veq.s32 v11, v2  }
0x4d: {  	v4 =	vand.u32 $0xFFFF, v4;
	vm5 =	veq.s32 v10, v2;
	[tilespmem:v7+s2+$0x0] =	vst.idx.add.s32.msk vm0, v1  }
0x4e: {  	v6 =	vand.u32 $0xFFFF, v6;
	[tilespmem:v8+s2+$0x0] =	vst.idx.add.s32.msk vm2, v1  }
0x4f: {  	[tilespmem:v9+s2+$0x0] =	vst.idx.add.s32.msk vm1, v1  }
0x50: {  	[tilespmem:v3+s2+$0x0] =	vst.idx.add.s32.msk vm4, v1  }
0x51: {  	[tilespmem:v5+s2+$0x0] =	vst.idx.add.s32.msk vm3, v1  }
0x52: {  	[tilespmem:v4+s2+$0x0] =	vst.idx.add.s32.msk vm6, v1  }
0x53: {  	[tilespmem:v6+s2+$0x0] =	vst.idx.add.s32.msk vm5, v1  }
0x54: {  	[tilespmem:s16], [sflag:$0x1] =	stream.linear.gather [hbm4b:s6+s2], $0x4000, $0x38;
	[tilespmem:$0x18080] =	vst v63  }
0x55: {  	_ =	swait.ge [sflag:s19], $0x4000  }
0x56: {  	[sflag:s19] =	ssyncset.done $0x0  }
0x57: {  	s21 =	simm.s32 $0x14040;
	[sflag:s19] =	ssyncadd.s32 $0xFFFFC000  }
0x58: {  	v6 =	vld [tilespmem:s21+$0x20];
	_ =	sdelay $0x1  }
0x59: {  	v7 =	vld [tilespmem:s21+$0xFFFFFFC0]  }
0x5a: {  	v4 =	vld [tilespmem:s21+$0xFFFFFFF0]  }
0x5b: {  	v3 =	vld [tilespmem:s21+$0xFFFFFFE0]  }
0x5c: {  	v12 =	vld [tilespmem:s21+$0x0];
	v5 =	vshra.s32 v6, $0x1F  }
0x5d: {  	v8 =	vld [tilespmem:s21+$0x30];
	v9 =	vor.u32 $0x80000000, v5  }
0x5e: {  	v9 =	vxor.u32 v6, v9  }
0x5f: {  	v10 =	vshra.s32 v7, $0x1F;
	v11 =	vshra.s32 v4, $0x1F;
	v5 =	vld [tilespmem:s21+$0x10];
	v13 =	vshrl.u32 v9, $0x10  }
0x60: {  	v14 =	vshra.s32 v3, $0x1F;
	v10 =	vor.u32 $0x80000000, v10;
	v6 =	vld [tilespmem:s21+$0xFFFFFFD0];
	vm1 =	veq.s32 v13, v2  }
0x61: {  	v15 =	vshra.s32 v12, $0x1F;
	v7 =	vxor.u32 v7, v10;
	v16 =	vand.u32 $0xFFFF, v9  }
0x62: {  	v10 =	vor.u32 $0x80000000, v14;
	v14 =	vshrl.u32 v7, $0x10;
	v13 =	vshra.s32 v8, $0x1F  }
0x63: {  	v11 =	vor.u32 $0x80000000, v11;
	vm0 =	veq.s32 v14, v2;
	v13 =	vor.u32 $0x80000000, v13  }
0x64: {  	v14 =	vor.u32 $0x80000000, v15;
	v9 =	vshra.s32 v5, $0x1F;
	v13 =	vxor.u32 v8, v13  }
0x65: {  	v8 =	vxor.u32 v12, v14;
	v15 =	vshra.s32 v6, $0x1F;
	v17 =	vshrl.u32 v13, $0x10  }
0x66: {  	s22 =	simm.s32 $0x140C0;
	s21 =	simm.s32 $0x0;
	v14 =	vshrl.u32 v8, $0x10;
	v12 =	vor.u32 $0x80000000, v15;
	[tilespmem:v16+s2+$0x0] =	vst.idx.add.s32.msk vm1, v1;
	vm1 =	veq.s32 v17, v2  }
.LBB2_6:
0x67: {  	v15 =	vld [tilespmem:s22+$0x20];
	s21 =	sadd.s32 $0x8, s21;
	v10 =	vxor.u32 v3, v10;
	v11 =	vxor.u32 v4, v11;
	v13 =	vand.u32 $0xFFFF, v13  }
0x68: {  	v9 =	vor.u32 $0x80000000, v9;
	v3 =	vld [tilespmem:s22+$0xFFFFFFE0];
	p0 =	slt.u32 s21, $0x3F8;
	v4 =	vshrl.u32 v10, $0x10;
	v16 =	vshrl.u32 v11, $0x10  }
0x69: {  	v7 =	vand.u32 $0xFFFF, v7;
	v5 =	vxor.u32 v5, v9;
	v17 =	vld [tilespmem:s22+$0xFFFFFFC0];
	vm2 =	veq.s32 v4, v2  }
0x6a: {  	v6 =	vxor.u32 v6, v12;
	vm4 =	veq.s32 v14, v2;
	v9 =	vshrl.u32 v5, $0x10;
	v4 =	vld [tilespmem:s22+$0xFFFFFFF0]  }
0x6b: {  	v8 =	vand.u32 $0xFFFF, v8;
	v14 =	vand.u32 $0xFFFF, v6;
	v18 =	vand.u32 $0xFFFF, v10;
	v12 =	vld [tilespmem:s22+$0x30]  }
0x6c: {  	vm5 =	veq.s32 v9, v2;
	v9 =	vand.u32 $0xFFFF, v5;
	v19 =	vld [tilespmem:s22+$0x0];
	v10 =	vshra.s32 v15, $0x1F  }
0x6d: {  	v20 =	vshrl.u32 v6, $0x10;
	vm3 =	veq.s32 v16, v2;
	v5 =	vld [tilespmem:s22+$0x10];
	v10 =	vor.u32 $0x80000000, v10  }
0x6e: {  	vm6 =	veq.s32 v20, v2;
	v6 =	vld [tilespmem:s22+$0xFFFFFFD0];
	v10 =	vxor.u32 v15, v10;
	v15 =	vand.u32 $0xFFFF, v11  }
0x6f: {  	v11 =	vshra.s32 v17, $0x1F;
	v16 =	vshra.s32 v4, $0x1F;
	v20 =	vshrl.u32 v10, $0x10;
	[tilespmem:v7+s2+$0x0] =	vst.idx.add.s32.msk vm0, v1  }
0x70: {  	v21 =	vshra.s32 v3, $0x1F;
	vm7 =	veq.s32 v20, v2;
	v20 =	vshra.s32 v12, $0x1F;
	[tilespmem:v8+s2+$0x0] =	vst.idx.add.s32.msk vm4, v1  }
0x71: {  	v7 =	vor.u32 $0x80000000, v11;
	v22 =	vand.u32 $0xFFFF, v10;
	v8 =	vshra.s32 v19, $0x1F;
	[tilespmem:v13+s2+$0x0] =	vst.idx.add.s32.msk vm1, v1  }
.Ltmp2:
0x72: {  	v10 =	vor.u32 $0x80000000, v21;
	v7 =	vxor.u32 v17, v7;
	v11 =	vor.u32 $0x80000000, v16;
	[tilespmem:v9+s2+$0x0] =	vst.idx.add.s32.msk vm5, v1;
	(pc) =	sbr.rel @p0 .LBB2_6-.Ltmp2, $4  }
0x73: {  	v13 =	vshrl.u32 v7, $0x10;
	v16 =	vor.u32 $0x80000000, v20;
	v9 =	vshra.s32 v5, $0x1F;
	[tilespmem:v18+s2+$0x0] =	vst.idx.add.s32.msk vm2, v1  }
0x74: {  	vm0 =	veq.s32 v13, v2;
	v8 =	vor.u32 $0x80000000, v8;
	v13 =	vxor.u32 v12, v16;
	[tilespmem:v14+s2+$0x0] =	vst.idx.add.s32.msk vm6, v1  }
0x75: {  	v12 =	vshra.s32 v6, $0x1F;
	v8 =	vxor.u32 v19, v8;
	v16 =	vshrl.u32 v13, $0x10;
	[tilespmem:v15+s2+$0x0] =	vst.idx.add.s32.msk vm3, v1  }
0x76: {  	s22 =	sadd.s32 $0x80, s22;
	v12 =	vor.u32 $0x80000000, v12;
	v14 =	vshrl.u32 v8, $0x10;
	vm1 =	veq.s32 v16, v2;
	[tilespmem:v22+s2+$0x0] =	vst.idx.add.s32.msk vm7, v1  }
0x77: {  	v3 =	vxor.u32 v3, v10;
	v4 =	vxor.u32 v4, v11;
	v9 =	vor.u32 $0x80000000, v9  }
0x78: {  	v7 =	vand.u32 $0xFFFF, v7;
	vm2 =	veq.s32 v14, v2;
	v8 =	vand.u32 $0xFFFF, v8  }
0x79: {  	v6 =	vxor.u32 v6, v12;
	v5 =	vxor.u32 v5, v9;
	v11 =	vshrl.u32 v3, $0x10  }
0x7a: {  	v9 =	vand.u32 $0xFFFF, v13;
	v10 =	vshrl.u32 v5, $0x10;
	vm4 =	veq.s32 v11, v2  }
0x7b: {  	v3 =	vand.u32 $0xFFFF, v3;
	v11 =	vshrl.u32 v4, $0x10;
	vm3 =	veq.s32 v10, v2  }
0x7c: {  	v5 =	vand.u32 $0xFFFF, v5;
	v10 =	vshrl.u32 v6, $0x10;
	vm6 =	veq.s32 v11, v2  }
0x7d: {  	v4 =	vand.u32 $0xFFFF, v4;
	vm5 =	veq.s32 v10, v2;
	[tilespmem:v7+s2+$0x0] =	vst.idx.add.s32.msk vm0, v1  }
0x7e: {  	v6 =	vand.u32 $0xFFFF, v6;
	[tilespmem:v8+s2+$0x0] =	vst.idx.add.s32.msk vm2, v1  }
0x7f: {  	[tilespmem:v9+s2+$0x0] =	vst.idx.add.s32.msk vm1, v1  }
0x80: {  	[tilespmem:v3+s2+$0x0] =	vst.idx.add.s32.msk vm4, v1  }
0x81: {  	[tilespmem:v5+s2+$0x0] =	vst.idx.add.s32.msk vm3, v1  }
0x82: {  	[tilespmem:v4+s2+$0x0] =	vst.idx.add.s32.msk vm6, v1  }
0x83: {  	[tilespmem:v6+s2+$0x0] =	vst.idx.add.s32.msk vm5, v1  }
0x84: {  	[tilespmem:s17], [sflag:$0x2] =	stream.linear.gather [hbm4b:s7+s2], $0x4000, $0x38;
	[tilespmem:$0x18080] =	vst v63  }
0x85: {  	_ =	swait.ge [sflag:s18], $0x4000  }
0x86: {  	[sflag:s18] =	ssyncset.done $0x0  }
0x87: {  	s21 =	simm.s32 $0x10040;
	[sflag:s18] =	ssyncadd.s32 $0xFFFFC000  }
0x88: {  	v6 =	vld [tilespmem:s21+$0x20];
	_ =	sdelay $0x1  }
0x89: {  	v7 =	vld [tilespmem:s21+$0xFFFFFFC0]  }
0x8a: {  	v4 =	vld [tilespmem:s21+$0xFFFFFFF0]  }
0x8b: {  	v3 =	vld [tilespmem:s21+$0xFFFFFFE0]  }
0x8c: {  	v12 =	vld [tilespmem:s21+$0x0];
	v5 =	vshra.s32 v6, $0x1F  }
0x8d: {  	v8 =	vld [tilespmem:s21+$0x30];
	v9 =	vor.u32 $0x80000000, v5  }
0x8e: {  	v9 =	vxor.u32 v6, v9  }
0x8f: {  	v10 =	vshra.s32 v7, $0x1F;
	v11 =	vshra.s32 v4, $0x1F;
	v5 =	vld [tilespmem:s21+$0x10];
	v13 =	vshrl.u32 v9, $0x10  }
0x90: {  	v14 =	vshra.s32 v3, $0x1F;
	v10 =	vor.u32 $0x80000000, v10;
	v6 =	vld [tilespmem:s21+$0xFFFFFFD0];
	vm1 =	veq.s32 v13, v2  }
0x91: {  	v15 =	vshra.s32 v12, $0x1F;
	v7 =	vxor.u32 v7, v10;
	v16 =	vand.u32 $0xFFFF, v9  }
0x92: {  	v10 =	vor.u32 $0x80000000, v14;
	v14 =	vshrl.u32 v7, $0x10;
	v13 =	vshra.s32 v8, $0x1F  }
0x93: {  	v11 =	vor.u32 $0x80000000, v11;
	vm0 =	veq.s32 v14, v2;
	v13 =	vor.u32 $0x80000000, v13  }
0x94: {  	v14 =	vor.u32 $0x80000000, v15;
	v9 =	vshra.s32 v5, $0x1F;
	v13 =	vxor.u32 v8, v13  }
0x95: {  	v8 =	vxor.u32 v12, v14;
	v15 =	vshra.s32 v6, $0x1F;
	v17 =	vshrl.u32 v13, $0x10  }
0x96: {  	s22 =	simm.s32 $0x100C0;
	s21 =	simm.s32 $0x0;
	v14 =	vshrl.u32 v8, $0x10;
	v12 =	vor.u32 $0x80000000, v15;
	[tilespmem:v16+s2+$0x0] =	vst.idx.add.s32.msk vm1, v1;
	vm1 =	veq.s32 v17, v2  }
.LBB2_8:
0x97: {  	v15 =	vld [tilespmem:s22+$0x20];
	s21 =	sadd.s32 $0x8, s21;
	v10 =	vxor.u32 v3, v10;
	v11 =	vxor.u32 v4, v11;
	v13 =	vand.u32 $0xFFFF, v13  }
0x98: {  	v9 =	vor.u32 $0x80000000, v9;
	v3 =	vld [tilespmem:s22+$0xFFFFFFE0];
	p0 =	slt.u32 s21, $0x3F8;
	v4 =	vshrl.u32 v10, $0x10;
	v16 =	vshrl.u32 v11, $0x10  }
0x99: {  	v7 =	vand.u32 $0xFFFF, v7;
	v5 =	vxor.u32 v5, v9;
	v17 =	vld [tilespmem:s22+$0xFFFFFFC0];
	vm2 =	veq.s32 v4, v2  }
0x9a: {  	v6 =	vxor.u32 v6, v12;
	vm4 =	veq.s32 v14, v2;
	v9 =	vshrl.u32 v5, $0x10;
	v4 =	vld [tilespmem:s22+$0xFFFFFFF0]  }
0x9b: {  	v8 =	vand.u32 $0xFFFF, v8;
	v14 =	vand.u32 $0xFFFF, v6;
	v18 =	vand.u32 $0xFFFF, v10;
	v12 =	vld [tilespmem:s22+$0x30]  }
0x9c: {  	vm5 =	veq.s32 v9, v2;
	v9 =	vand.u32 $0xFFFF, v5;
	v19 =	vld [tilespmem:s22+$0x0];
	v10 =	vshra.s32 v15, $0x1F  }
0x9d: {  	v20 =	vshrl.u32 v6, $0x10;
	vm3 =	veq.s32 v16, v2;
	v5 =	vld [tilespmem:s22+$0x10];
	v10 =	vor.u32 $0x80000000, v10  }
0x9e: {  	vm6 =	veq.s32 v20, v2;
	v6 =	vld [tilespmem:s22+$0xFFFFFFD0];
	v10 =	vxor.u32 v15, v10;
	v15 =	vand.u32 $0xFFFF, v11  }
0x9f: {  	v11 =	vshra.s32 v17, $0x1F;
	v16 =	vshra.s32 v4, $0x1F;
	v20 =	vshrl.u32 v10, $0x10;
	[tilespmem:v7+s2+$0x0] =	vst.idx.add.s32.msk vm0, v1  }
0xa0: {  	v21 =	vshra.s32 v3, $0x1F;
	vm7 =	veq.s32 v20, v2;
	v20 =	vshra.s32 v12, $0x1F;
	[tilespmem:v8+s2+$0x0] =	vst.idx.add.s32.msk vm4, v1  }
0xa1: {  	v7 =	vor.u32 $0x80000000, v11;
	v22 =	vand.u32 $0xFFFF, v10;
	v8 =	vshra.s32 v19, $0x1F;
	[tilespmem:v13+s2+$0x0] =	vst.idx.add.s32.msk vm1, v1  }
.Ltmp3:
0xa2: {  	v10 =	vor.u32 $0x80000000, v21;
	v7 =	vxor.u32 v17, v7;
	v11 =	vor.u32 $0x80000000, v16;
	[tilespmem:v9+s2+$0x0] =	vst.idx.add.s32.msk vm5, v1;
	(pc) =	sbr.rel @p0 .LBB2_8-.Ltmp3, $4  }
0xa3: {  	v13 =	vshrl.u32 v7, $0x10;
	v16 =	vor.u32 $0x80000000, v20;
	v9 =	vshra.s32 v5, $0x1F;
	[tilespmem:v18+s2+$0x0] =	vst.idx.add.s32.msk vm2, v1  }
0xa4: {  	vm0 =	veq.s32 v13, v2;
	v8 =	vor.u32 $0x80000000, v8;
	v13 =	vxor.u32 v12, v16;
	[tilespmem:v14+s2+$0x0] =	vst.idx.add.s32.msk vm6, v1  }
0xa5: {  	v12 =	vshra.s32 v6, $0x1F;
	v8 =	vxor.u32 v19, v8;
	v16 =	vshrl.u32 v13, $0x10;
	[tilespmem:v15+s2+$0x0] =	vst.idx.add.s32.msk vm3, v1  }
0xa6: {  	s22 =	sadd.s32 $0x80, s22;
	v12 =	vor.u32 $0x80000000, v12;
	v14 =	vshrl.u32 v8, $0x10;
	vm1 =	veq.s32 v16, v2;
	[tilespmem:v22+s2+$0x0] =	vst.idx.add.s32.msk vm7, v1  }
0xa7: {  	v3 =	vxor.u32 v3, v10;
	v4 =	vxor.u32 v4, v11;
	v9 =	vor.u32 $0x80000000, v9  }
0xa8: {  	v7 =	vand.u32 $0xFFFF, v7;
	vm2 =	veq.s32 v14, v2;
	v8 =	vand.u32 $0xFFFF, v8  }
0xa9: {  	v6 =	vxor.u32 v6, v12;
	v5 =	vxor.u32 v5, v9;
	v11 =	vshrl.u32 v3, $0x10  }
0xaa: {  	v9 =	vand.u32 $0xFFFF, v13;
	v10 =	vshrl.u32 v5, $0x10;
	vm4 =	veq.s32 v11, v2  }
0xab: {  	v3 =	vand.u32 $0xFFFF, v3;
	v11 =	vshrl.u32 v4, $0x10;
	vm3 =	veq.s32 v10, v2  }
0xac: {  	v5 =	vand.u32 $0xFFFF, v5;
	v10 =	vshrl.u32 v6, $0x10;
	vm6 =	veq.s32 v11, v2  }
0xad: {  	v4 =	vand.u32 $0xFFFF, v4;
	vm5 =	veq.s32 v10, v2;
	[tilespmem:v7+s2+$0x0] =	vst.idx.add.s32.msk vm0, v1  }
0xae: {  	v6 =	vand.u32 $0xFFFF, v6;
	[tilespmem:v8+s2+$0x0] =	vst.idx.add.s32.msk vm2, v1  }
0xaf: {  	[tilespmem:v9+s2+$0x0] =	vst.idx.add.s32.msk vm1, v1  }
0xb0: {  	[tilespmem:v3+s2+$0x0] =	vst.idx.add.s32.msk vm4, v1  }
0xb1: {  	[tilespmem:v5+s2+$0x0] =	vst.idx.add.s32.msk vm3, v1  }
0xb2: {  	[tilespmem:v4+s2+$0x0] =	vst.idx.add.s32.msk vm6, v1  }
0xb3: {  	[tilespmem:v6+s2+$0x0] =	vst.idx.add.s32.msk vm5, v1  }
0xb4: {  	[tilespmem:s16], [sflag:$0x1] =	stream.linear.gather [hbm4b:s8+s2], $0x4000, $0x38;
	[tilespmem:$0x18080] =	vst v63  }
0xb5: {  	_ =	swait.ge [sflag:s19], $0x4000  }
0xb6: {  	[sflag:s19] =	ssyncset.done $0x0  }
0xb7: {  	s21 =	simm.s32 $0x14040;
	[sflag:s19] =	ssyncadd.s32 $0xFFFFC000  }
0xb8: {  	v6 =	vld [tilespmem:s21+$0x20];
	_ =	sdelay $0x1  }
0xb9: {  	v7 =	vld [tilespmem:s21+$0xFFFFFFC0]  }
0xba: {  	v4 =	vld [tilespmem:s21+$0xFFFFFFF0]  }
0xbb: {  	v3 =	vld [tilespmem:s21+$0xFFFFFFE0]  }
0xbc: {  	v12 =	vld [tilespmem:s21+$0x0];
	v5 =	vshra.s32 v6, $0x1F  }
0xbd: {  	v8 =	vld [tilespmem:s21+$0x30];
	v9 =	vor.u32 $0x80000000, v5  }
0xbe: {  	v9 =	vxor.u32 v6, v9  }
0xbf: {  	v10 =	vshra.s32 v7, $0x1F;
	v11 =	vshra.s32 v4, $0x1F;
	v5 =	vld [tilespmem:s21+$0x10];
	v13 =	vshrl.u32 v9, $0x10  }
0xc0: {  	v14 =	vshra.s32 v3, $0x1F;
	v10 =	vor.u32 $0x80000000, v10;
	v6 =	vld [tilespmem:s21+$0xFFFFFFD0];
	vm1 =	veq.s32 v13, v2  }
0xc1: {  	v15 =	vshra.s32 v12, $0x1F;
	v7 =	vxor.u32 v7, v10;
	v16 =	vand.u32 $0xFFFF, v9  }
0xc2: {  	v10 =	vor.u32 $0x80000000, v14;
	v14 =	vshrl.u32 v7, $0x10;
	v13 =	vshra.s32 v8, $0x1F  }
0xc3: {  	v11 =	vor.u32 $0x80000000, v11;
	vm0 =	veq.s32 v14, v2;
	v13 =	vor.u32 $0x80000000, v13  }
0xc4: {  	v14 =	vor.u32 $0x80000000, v15;
	v9 =	vshra.s32 v5, $0x1F;
	v13 =	vxor.u32 v8, v13  }
0xc5: {  	v8 =	vxor.u32 v12, v14;
	v15 =	vshra.s32 v6, $0x1F;
	v17 =	vshrl.u32 v13, $0x10  }
0xc6: {  	s22 =	simm.s32 $0x140C0;
	s21 =	simm.s32 $0x0;
	v14 =	vshrl.u32 v8, $0x10;
	v12 =	vor.u32 $0x80000000, v15;
	[tilespmem:v16+s2+$0x0] =	vst.idx.add.s32.msk vm1, v1;
	vm1 =	veq.s32 v17, v2  }
.LBB2_10:
0xc7: {  	v15 =	vld [tilespmem:s22+$0x20];
	s21 =	sadd.s32 $0x8, s21;
	v10 =	vxor.u32 v3, v10;
	v11 =	vxor.u32 v4, v11;
	v13 =	vand.u32 $0xFFFF, v13  }
0xc8: {  	v9 =	vor.u32 $0x80000000, v9;
	v3 =	vld [tilespmem:s22+$0xFFFFFFE0];
	p0 =	slt.u32 s21, $0x3F8;
	v4 =	vshrl.u32 v10, $0x10;
	v16 =	vshrl.u32 v11, $0x10  }
0xc9: {  	v7 =	vand.u32 $0xFFFF, v7;
	v5 =	vxor.u32 v5, v9;
	v17 =	vld [tilespmem:s22+$0xFFFFFFC0];
	vm2 =	veq.s32 v4, v2  }
0xca: {  	v6 =	vxor.u32 v6, v12;
	vm4 =	veq.s32 v14, v2;
	v9 =	vshrl.u32 v5, $0x10;
	v4 =	vld [tilespmem:s22+$0xFFFFFFF0]  }
0xcb: {  	v8 =	vand.u32 $0xFFFF, v8;
	v14 =	vand.u32 $0xFFFF, v6;
	v18 =	vand.u32 $0xFFFF, v10;
	v12 =	vld [tilespmem:s22+$0x30]  }
0xcc: {  	vm5 =	veq.s32 v9, v2;
	v9 =	vand.u32 $0xFFFF, v5;
	v19 =	vld [tilespmem:s22+$0x0];
	v10 =	vshra.s32 v15, $0x1F  }
0xcd: {  	v20 =	vshrl.u32 v6, $0x10;
	vm3 =	veq.s32 v16, v2;
	v5 =	vld [tilespmem:s22+$0x10];
	v10 =	vor.u32 $0x80000000, v10  }
0xce: {  	vm6 =	veq.s32 v20, v2;
	v6 =	vld [tilespmem:s22+$0xFFFFFFD0];
	v10 =	vxor.u32 v15, v10;
	v15 =	vand.u32 $0xFFFF, v11  }
0xcf: {  	v11 =	vshra.s32 v17, $0x1F;
	v16 =	vshra.s32 v4, $0x1F;
	v20 =	vshrl.u32 v10, $0x10;
	[tilespmem:v7+s2+$0x0] =	vst.idx.add.s32.msk vm0, v1  }
0xd0: {  	v21 =	vshra.s32 v3, $0x1F;
	vm7 =	veq.s32 v20, v2;
	v20 =	vshra.s32 v12, $0x1F;
	[tilespmem:v8+s2+$0x0] =	vst.idx.add.s32.msk vm4, v1  }
0xd1: {  	v7 =	vor.u32 $0x80000000, v11;
	v22 =	vand.u32 $0xFFFF, v10;
	v8 =	vshra.s32 v19, $0x1F;
	[tilespmem:v13+s2+$0x0] =	vst.idx.add.s32.msk vm1, v1  }
.Ltmp4:
0xd2: {  	v10 =	vor.u32 $0x80000000, v21;
	v7 =	vxor.u32 v17, v7;
	v11 =	vor.u32 $0x80000000, v16;
	[tilespmem:v9+s2+$0x0] =	vst.idx.add.s32.msk vm5, v1;
	(pc) =	sbr.rel @p0 .LBB2_10-.Ltmp4, $4  }
0xd3: {  	v13 =	vshrl.u32 v7, $0x10;
	v16 =	vor.u32 $0x80000000, v20;
	v9 =	vshra.s32 v5, $0x1F;
	[tilespmem:v18+s2+$0x0] =	vst.idx.add.s32.msk vm2, v1  }
0xd4: {  	vm0 =	veq.s32 v13, v2;
	v8 =	vor.u32 $0x80000000, v8;
	v13 =	vxor.u32 v12, v16;
	[tilespmem:v14+s2+$0x0] =	vst.idx.add.s32.msk vm6, v1  }
0xd5: {  	v12 =	vshra.s32 v6, $0x1F;
	v8 =	vxor.u32 v19, v8;
	v16 =	vshrl.u32 v13, $0x10;
	[tilespmem:v15+s2+$0x0] =	vst.idx.add.s32.msk vm3, v1  }
0xd6: {  	s22 =	sadd.s32 $0x80, s22;
	v12 =	vor.u32 $0x80000000, v12;
	v14 =	vshrl.u32 v8, $0x10;
	vm1 =	veq.s32 v16, v2;
	[tilespmem:v22+s2+$0x0] =	vst.idx.add.s32.msk vm7, v1  }
0xd7: {  	v3 =	vxor.u32 v3, v10;
	v4 =	vxor.u32 v4, v11;
	v9 =	vor.u32 $0x80000000, v9  }
0xd8: {  	v7 =	vand.u32 $0xFFFF, v7;
	vm2 =	veq.s32 v14, v2;
	v8 =	vand.u32 $0xFFFF, v8  }
0xd9: {  	v6 =	vxor.u32 v6, v12;
	v5 =	vxor.u32 v5, v9;
	v11 =	vshrl.u32 v3, $0x10  }
0xda: {  	v9 =	vand.u32 $0xFFFF, v13;
	v10 =	vshrl.u32 v5, $0x10;
	vm4 =	veq.s32 v11, v2  }
0xdb: {  	v3 =	vand.u32 $0xFFFF, v3;
	v11 =	vshrl.u32 v4, $0x10;
	vm3 =	veq.s32 v10, v2  }
0xdc: {  	v5 =	vand.u32 $0xFFFF, v5;
	v10 =	vshrl.u32 v6, $0x10;
	vm6 =	veq.s32 v11, v2  }
0xdd: {  	v4 =	vand.u32 $0xFFFF, v4;
	vm5 =	veq.s32 v10, v2;
	[tilespmem:v7+s2+$0x0] =	vst.idx.add.s32.msk vm0, v1  }
0xde: {  	v6 =	vand.u32 $0xFFFF, v6;
	[tilespmem:v8+s2+$0x0] =	vst.idx.add.s32.msk vm2, v1  }
0xdf: {  	[tilespmem:v9+s2+$0x0] =	vst.idx.add.s32.msk vm1, v1  }
0xe0: {  	[tilespmem:v3+s2+$0x0] =	vst.idx.add.s32.msk vm4, v1  }
0xe1: {  	[tilespmem:v5+s2+$0x0] =	vst.idx.add.s32.msk vm3, v1  }
0xe2: {  	[tilespmem:v4+s2+$0x0] =	vst.idx.add.s32.msk vm6, v1  }
0xe3: {  	[tilespmem:v6+s2+$0x0] =	vst.idx.add.s32.msk vm5, v1  }
0xe4: {  	[tilespmem:s17], [sflag:$0x2] =	stream.linear.gather [hbm4b:s9+s2], $0x4000, $0x38;
	[tilespmem:$0x18080] =	vst v63  }
0xe5: {  	_ =	swait.ge [sflag:s18], $0x4000  }
0xe6: {  	[sflag:s18] =	ssyncset.done $0x0  }
0xe7: {  	s21 =	simm.s32 $0x10040;
	[sflag:s18] =	ssyncadd.s32 $0xFFFFC000  }
0xe8: {  	v6 =	vld [tilespmem:s21+$0x20];
	_ =	sdelay $0x1  }
0xe9: {  	v7 =	vld [tilespmem:s21+$0xFFFFFFC0]  }
0xea: {  	v4 =	vld [tilespmem:s21+$0xFFFFFFF0]  }
0xeb: {  	v3 =	vld [tilespmem:s21+$0xFFFFFFE0]  }
0xec: {  	v12 =	vld [tilespmem:s21+$0x0];
	v5 =	vshra.s32 v6, $0x1F  }
0xed: {  	v8 =	vld [tilespmem:s21+$0x30];
	v9 =	vor.u32 $0x80000000, v5  }
0xee: {  	v9 =	vxor.u32 v6, v9  }
0xef: {  	v10 =	vshra.s32 v7, $0x1F;
	v11 =	vshra.s32 v4, $0x1F;
	v5 =	vld [tilespmem:s21+$0x10];
	v13 =	vshrl.u32 v9, $0x10  }
0xf0: {  	v14 =	vshra.s32 v3, $0x1F;
	v10 =	vor.u32 $0x80000000, v10;
	v6 =	vld [tilespmem:s21+$0xFFFFFFD0];
	vm1 =	veq.s32 v13, v2  }
0xf1: {  	v15 =	vshra.s32 v12, $0x1F;
	v7 =	vxor.u32 v7, v10;
	v16 =	vand.u32 $0xFFFF, v9  }
0xf2: {  	v10 =	vor.u32 $0x80000000, v14;
	v14 =	vshrl.u32 v7, $0x10;
	v13 =	vshra.s32 v8, $0x1F  }
0xf3: {  	v11 =	vor.u32 $0x80000000, v11;
	vm0 =	veq.s32 v14, v2;
	v13 =	vor.u32 $0x80000000, v13  }
0xf4: {  	v14 =	vor.u32 $0x80000000, v15;
	v9 =	vshra.s32 v5, $0x1F;
	v13 =	vxor.u32 v8, v13  }
0xf5: {  	v8 =	vxor.u32 v12, v14;
	v15 =	vshra.s32 v6, $0x1F;
	v17 =	vshrl.u32 v13, $0x10  }
0xf6: {  	s22 =	simm.s32 $0x100C0;
	s21 =	simm.s32 $0x0;
	v14 =	vshrl.u32 v8, $0x10;
	v12 =	vor.u32 $0x80000000, v15;
	[tilespmem:v16+s2+$0x0] =	vst.idx.add.s32.msk vm1, v1;
	vm1 =	veq.s32 v17, v2  }
.LBB2_12:
0xf7: {  	v15 =	vld [tilespmem:s22+$0x20];
	s21 =	sadd.s32 $0x8, s21;
	v10 =	vxor.u32 v3, v10;
	v11 =	vxor.u32 v4, v11;
	v13 =	vand.u32 $0xFFFF, v13  }
0xf8: {  	v9 =	vor.u32 $0x80000000, v9;
	v3 =	vld [tilespmem:s22+$0xFFFFFFE0];
	p0 =	slt.u32 s21, $0x3F8;
	v4 =	vshrl.u32 v10, $0x10;
	v16 =	vshrl.u32 v11, $0x10  }
0xf9: {  	v7 =	vand.u32 $0xFFFF, v7;
	v5 =	vxor.u32 v5, v9;
	v17 =	vld [tilespmem:s22+$0xFFFFFFC0];
	vm2 =	veq.s32 v4, v2  }
0xfa: {  	v6 =	vxor.u32 v6, v12;
	vm4 =	veq.s32 v14, v2;
	v9 =	vshrl.u32 v5, $0x10;
	v4 =	vld [tilespmem:s22+$0xFFFFFFF0]  }
0xfb: {  	v8 =	vand.u32 $0xFFFF, v8;
	v14 =	vand.u32 $0xFFFF, v6;
	v18 =	vand.u32 $0xFFFF, v10;
	v12 =	vld [tilespmem:s22+$0x30]  }
0xfc: {  	vm5 =	veq.s32 v9, v2;
	v9 =	vand.u32 $0xFFFF, v5;
	v19 =	vld [tilespmem:s22+$0x0];
	v10 =	vshra.s32 v15, $0x1F  }
0xfd: {  	v20 =	vshrl.u32 v6, $0x10;
	vm3 =	veq.s32 v16, v2;
	v5 =	vld [tilespmem:s22+$0x10];
	v10 =	vor.u32 $0x80000000, v10  }
0xfe: {  	vm6 =	veq.s32 v20, v2;
	v6 =	vld [tilespmem:s22+$0xFFFFFFD0];
	v10 =	vxor.u32 v15, v10;
	v15 =	vand.u32 $0xFFFF, v11  }
0xff: {  	v11 =	vshra.s32 v17, $0x1F;
	v16 =	vshra.s32 v4, $0x1F;
	v20 =	vshrl.u32 v10, $0x10;
	[tilespmem:v7+s2+$0x0] =	vst.idx.add.s32.msk vm0, v1  }
0x100: {  	v21 =	vshra.s32 v3, $0x1F;
	vm7 =	veq.s32 v20, v2;
	v20 =	vshra.s32 v12, $0x1F;
	[tilespmem:v8+s2+$0x0] =	vst.idx.add.s32.msk vm4, v1  }
0x101: {  	v7 =	vor.u32 $0x80000000, v11;
	v22 =	vand.u32 $0xFFFF, v10;
	v8 =	vshra.s32 v19, $0x1F;
	[tilespmem:v13+s2+$0x0] =	vst.idx.add.s32.msk vm1, v1  }
.Ltmp5:
0x102: {  	v10 =	vor.u32 $0x80000000, v21;
	v7 =	vxor.u32 v17, v7;
	v11 =	vor.u32 $0x80000000, v16;
	[tilespmem:v9+s2+$0x0] =	vst.idx.add.s32.msk vm5, v1;
	(pc) =	sbr.rel @p0 .LBB2_12-.Ltmp5, $4  }
0x103: {  	v13 =	vshrl.u32 v7, $0x10;
	v16 =	vor.u32 $0x80000000, v20;
	v9 =	vshra.s32 v5, $0x1F;
	[tilespmem:v18+s2+$0x0] =	vst.idx.add.s32.msk vm2, v1  }
0x104: {  	vm0 =	veq.s32 v13, v2;
	v8 =	vor.u32 $0x80000000, v8;
	v13 =	vxor.u32 v12, v16;
	[tilespmem:v14+s2+$0x0] =	vst.idx.add.s32.msk vm6, v1  }
0x105: {  	v12 =	vshra.s32 v6, $0x1F;
	v8 =	vxor.u32 v19, v8;
	v16 =	vshrl.u32 v13, $0x10;
	[tilespmem:v15+s2+$0x0] =	vst.idx.add.s32.msk vm3, v1  }
0x106: {  	s22 =	sadd.s32 $0x80, s22;
	v12 =	vor.u32 $0x80000000, v12;
	v14 =	vshrl.u32 v8, $0x10;
	vm1 =	veq.s32 v16, v2;
	[tilespmem:v22+s2+$0x0] =	vst.idx.add.s32.msk vm7, v1  }
0x107: {  	v3 =	vxor.u32 v3, v10;
	v4 =	vxor.u32 v4, v11;
	v9 =	vor.u32 $0x80000000, v9  }
0x108: {  	v7 =	vand.u32 $0xFFFF, v7;
	vm2 =	veq.s32 v14, v2;
	v8 =	vand.u32 $0xFFFF, v8  }
0x109: {  	v6 =	vxor.u32 v6, v12;
	v5 =	vxor.u32 v5, v9;
	v11 =	vshrl.u32 v3, $0x10  }
0x10a: {  	v9 =	vand.u32 $0xFFFF, v13;
	v10 =	vshrl.u32 v5, $0x10;
	vm4 =	veq.s32 v11, v2  }
0x10b: {  	v3 =	vand.u32 $0xFFFF, v3;
	v11 =	vshrl.u32 v4, $0x10;
	vm3 =	veq.s32 v10, v2  }
0x10c: {  	v5 =	vand.u32 $0xFFFF, v5;
	v10 =	vshrl.u32 v6, $0x10;
	vm6 =	veq.s32 v11, v2  }
0x10d: {  	v4 =	vand.u32 $0xFFFF, v4;
	vm5 =	veq.s32 v10, v2;
	[tilespmem:v7+s2+$0x0] =	vst.idx.add.s32.msk vm0, v1  }
0x10e: {  	v6 =	vand.u32 $0xFFFF, v6;
	[tilespmem:v8+s2+$0x0] =	vst.idx.add.s32.msk vm2, v1  }
0x10f: {  	[tilespmem:v9+s2+$0x0] =	vst.idx.add.s32.msk vm1, v1  }
0x110: {  	[tilespmem:v3+s2+$0x0] =	vst.idx.add.s32.msk vm4, v1  }
0x111: {  	[tilespmem:v5+s2+$0x0] =	vst.idx.add.s32.msk vm3, v1  }
0x112: {  	[tilespmem:v4+s2+$0x0] =	vst.idx.add.s32.msk vm6, v1  }
0x113: {  	[tilespmem:v6+s2+$0x0] =	vst.idx.add.s32.msk vm5, v1  }
0x114: {  	[tilespmem:s16], [sflag:$0x1] =	stream.linear.gather [hbm4b:s10+s2], $0x4000, $0x38;
	[tilespmem:$0x18080] =	vst v63  }
0x115: {  	_ =	swait.ge [sflag:s19], $0x4000  }
0x116: {  	[sflag:s19] =	ssyncset.done $0x0  }
0x117: {  	s21 =	simm.s32 $0x14040;
	[sflag:s19] =	ssyncadd.s32 $0xFFFFC000  }
0x118: {  	v6 =	vld [tilespmem:s21+$0x20];
	_ =	sdelay $0x1  }
0x119: {  	v7 =	vld [tilespmem:s21+$0xFFFFFFC0]  }
0x11a: {  	v4 =	vld [tilespmem:s21+$0xFFFFFFF0]  }
0x11b: {  	v3 =	vld [tilespmem:s21+$0xFFFFFFE0]  }
0x11c: {  	v12 =	vld [tilespmem:s21+$0x0];
	v5 =	vshra.s32 v6, $0x1F  }
0x11d: {  	v8 =	vld [tilespmem:s21+$0x30];
	v9 =	vor.u32 $0x80000000, v5  }
0x11e: {  	v9 =	vxor.u32 v6, v9  }
0x11f: {  	v10 =	vshra.s32 v7, $0x1F;
	v11 =	vshra.s32 v4, $0x1F;
	v5 =	vld [tilespmem:s21+$0x10];
	v13 =	vshrl.u32 v9, $0x10  }
0x120: {  	v14 =	vshra.s32 v3, $0x1F;
	v10 =	vor.u32 $0x80000000, v10;
	v6 =	vld [tilespmem:s21+$0xFFFFFFD0];
	vm1 =	veq.s32 v13, v2  }
0x121: {  	v15 =	vshra.s32 v12, $0x1F;
	v7 =	vxor.u32 v7, v10;
	v16 =	vand.u32 $0xFFFF, v9  }
0x122: {  	v10 =	vor.u32 $0x80000000, v14;
	v14 =	vshrl.u32 v7, $0x10;
	v13 =	vshra.s32 v8, $0x1F  }
0x123: {  	v11 =	vor.u32 $0x80000000, v11;
	vm0 =	veq.s32 v14, v2;
	v13 =	vor.u32 $0x80000000, v13  }
0x124: {  	v14 =	vor.u32 $0x80000000, v15;
	v9 =	vshra.s32 v5, $0x1F;
	v13 =	vxor.u32 v8, v13  }
0x125: {  	v8 =	vxor.u32 v12, v14;
	v15 =	vshra.s32 v6, $0x1F;
	v17 =	vshrl.u32 v13, $0x10  }
0x126: {  	s22 =	simm.s32 $0x140C0;
	s21 =	simm.s32 $0x0;
	v14 =	vshrl.u32 v8, $0x10;
	v12 =	vor.u32 $0x80000000, v15;
	[tilespmem:v16+s2+$0x0] =	vst.idx.add.s32.msk vm1, v1;
	vm1 =	veq.s32 v17, v2  }
.LBB2_14:
0x127: {  	v15 =	vld [tilespmem:s22+$0x20];
	s21 =	sadd.s32 $0x8, s21;
	v10 =	vxor.u32 v3, v10;
	v11 =	vxor.u32 v4, v11;
	v13 =	vand.u32 $0xFFFF, v13  }
0x128: {  	v9 =	vor.u32 $0x80000000, v9;
	v3 =	vld [tilespmem:s22+$0xFFFFFFE0];
	p0 =	slt.u32 s21, $0x3F8;
	v4 =	vshrl.u32 v10, $0x10;
	v16 =	vshrl.u32 v11, $0x10  }
0x129: {  	v7 =	vand.u32 $0xFFFF, v7;
	v5 =	vxor.u32 v5, v9;
	v17 =	vld [tilespmem:s22+$0xFFFFFFC0];
	vm2 =	veq.s32 v4, v2  }
0x12a: {  	v6 =	vxor.u32 v6, v12;
	vm4 =	veq.s32 v14, v2;
	v9 =	vshrl.u32 v5, $0x10;
	v4 =	vld [tilespmem:s22+$0xFFFFFFF0]  }
0x12b: {  	v8 =	vand.u32 $0xFFFF, v8;
	v14 =	vand.u32 $0xFFFF, v6;
	v18 =	vand.u32 $0xFFFF, v10;
	v12 =	vld [tilespmem:s22+$0x30]  }
0x12c: {  	vm5 =	veq.s32 v9, v2;
	v9 =	vand.u32 $0xFFFF, v5;
	v19 =	vld [tilespmem:s22+$0x0];
	v10 =	vshra.s32 v15, $0x1F  }
0x12d: {  	v20 =	vshrl.u32 v6, $0x10;
	vm3 =	veq.s32 v16, v2;
	v5 =	vld [tilespmem:s22+$0x10];
	v10 =	vor.u32 $0x80000000, v10  }
0x12e: {  	vm6 =	veq.s32 v20, v2;
	v6 =	vld [tilespmem:s22+$0xFFFFFFD0];
	v10 =	vxor.u32 v15, v10;
	v15 =	vand.u32 $0xFFFF, v11  }
0x12f: {  	v11 =	vshra.s32 v17, $0x1F;
	v16 =	vshra.s32 v4, $0x1F;
	v20 =	vshrl.u32 v10, $0x10;
	[tilespmem:v7+s2+$0x0] =	vst.idx.add.s32.msk vm0, v1  }
0x130: {  	v21 =	vshra.s32 v3, $0x1F;
	vm7 =	veq.s32 v20, v2;
	v20 =	vshra.s32 v12, $0x1F;
	[tilespmem:v8+s2+$0x0] =	vst.idx.add.s32.msk vm4, v1  }
0x131: {  	v7 =	vor.u32 $0x80000000, v11;
	v22 =	vand.u32 $0xFFFF, v10;
	v8 =	vshra.s32 v19, $0x1F;
	[tilespmem:v13+s2+$0x0] =	vst.idx.add.s32.msk vm1, v1  }
.Ltmp6:
0x132: {  	v10 =	vor.u32 $0x80000000, v21;
	v7 =	vxor.u32 v17, v7;
	v11 =	vor.u32 $0x80000000, v16;
	[tilespmem:v9+s2+$0x0] =	vst.idx.add.s32.msk vm5, v1;
	(pc) =	sbr.rel @p0 .LBB2_14-.Ltmp6, $4  }
0x133: {  	v13 =	vshrl.u32 v7, $0x10;
	v16 =	vor.u32 $0x80000000, v20;
	v9 =	vshra.s32 v5, $0x1F;
	[tilespmem:v18+s2+$0x0] =	vst.idx.add.s32.msk vm2, v1  }
0x134: {  	vm0 =	veq.s32 v13, v2;
	v8 =	vor.u32 $0x80000000, v8;
	v13 =	vxor.u32 v12, v16;
	[tilespmem:v14+s2+$0x0] =	vst.idx.add.s32.msk vm6, v1  }
0x135: {  	v12 =	vshra.s32 v6, $0x1F;
	v8 =	vxor.u32 v19, v8;
	v16 =	vshrl.u32 v13, $0x10;
	[tilespmem:v15+s2+$0x0] =	vst.idx.add.s32.msk vm3, v1  }
0x136: {  	s22 =	sadd.s32 $0x80, s22;
	v12 =	vor.u32 $0x80000000, v12;
	v14 =	vshrl.u32 v8, $0x10;
	vm1 =	veq.s32 v16, v2;
	[tilespmem:v22+s2+$0x0] =	vst.idx.add.s32.msk vm7, v1  }
0x137: {  	v3 =	vxor.u32 v3, v10;
	v4 =	vxor.u32 v4, v11;
	v9 =	vor.u32 $0x80000000, v9  }
0x138: {  	v7 =	vand.u32 $0xFFFF, v7;
	vm2 =	veq.s32 v14, v2;
	v8 =	vand.u32 $0xFFFF, v8  }
0x139: {  	v6 =	vxor.u32 v6, v12;
	v5 =	vxor.u32 v5, v9;
	v11 =	vshrl.u32 v3, $0x10  }
0x13a: {  	v9 =	vand.u32 $0xFFFF, v13;
	v10 =	vshrl.u32 v5, $0x10;
	vm4 =	veq.s32 v11, v2  }
0x13b: {  	v3 =	vand.u32 $0xFFFF, v3;
	v11 =	vshrl.u32 v4, $0x10;
	vm3 =	veq.s32 v10, v2  }
0x13c: {  	v5 =	vand.u32 $0xFFFF, v5;
	v10 =	vshrl.u32 v6, $0x10;
	vm6 =	veq.s32 v11, v2  }
0x13d: {  	v4 =	vand.u32 $0xFFFF, v4;
	vm5 =	veq.s32 v10, v2;
	[tilespmem:v7+s2+$0x0] =	vst.idx.add.s32.msk vm0, v1  }
0x13e: {  	v6 =	vand.u32 $0xFFFF, v6;
	[tilespmem:v8+s2+$0x0] =	vst.idx.add.s32.msk vm2, v1  }
0x13f: {  	[tilespmem:v9+s2+$0x0] =	vst.idx.add.s32.msk vm1, v1  }
0x140: {  	[tilespmem:v3+s2+$0x0] =	vst.idx.add.s32.msk vm4, v1  }
0x141: {  	[tilespmem:v5+s2+$0x0] =	vst.idx.add.s32.msk vm3, v1  }
0x142: {  	[tilespmem:v4+s2+$0x0] =	vst.idx.add.s32.msk vm6, v1  }
0x143: {  	[tilespmem:v6+s2+$0x0] =	vst.idx.add.s32.msk vm5, v1  }
0x144: {  	[tilespmem:s17], [sflag:$0x2] =	stream.linear.gather [hbm4b:s11+s2], $0x4000, $0x38;
	[tilespmem:$0x18080] =	vst v63  }
0x145: {  	_ =	swait.ge [sflag:s18], $0x4000  }
0x146: {  	[sflag:s18] =	ssyncset.done $0x0  }
0x147: {  	s21 =	simm.s32 $0x10040;
	[sflag:s18] =	ssyncadd.s32 $0xFFFFC000  }
0x148: {  	v6 =	vld [tilespmem:s21+$0x20];
	_ =	sdelay $0x1  }
0x149: {  	v7 =	vld [tilespmem:s21+$0xFFFFFFC0]  }
0x14a: {  	v4 =	vld [tilespmem:s21+$0xFFFFFFF0]  }
0x14b: {  	v3 =	vld [tilespmem:s21+$0xFFFFFFE0]  }
0x14c: {  	v12 =	vld [tilespmem:s21+$0x0];
	v5 =	vshra.s32 v6, $0x1F  }
0x14d: {  	v8 =	vld [tilespmem:s21+$0x30];
	v9 =	vor.u32 $0x80000000, v5  }
0x14e: {  	v9 =	vxor.u32 v6, v9  }
0x14f: {  	v10 =	vshra.s32 v7, $0x1F;
	v11 =	vshra.s32 v4, $0x1F;
	v5 =	vld [tilespmem:s21+$0x10];
	v13 =	vshrl.u32 v9, $0x10  }
0x150: {  	v14 =	vshra.s32 v3, $0x1F;
	v10 =	vor.u32 $0x80000000, v10;
	v6 =	vld [tilespmem:s21+$0xFFFFFFD0];
	vm1 =	veq.s32 v13, v2  }
0x151: {  	v15 =	vshra.s32 v12, $0x1F;
	v7 =	vxor.u32 v7, v10;
	v16 =	vand.u32 $0xFFFF, v9  }
0x152: {  	v10 =	vor.u32 $0x80000000, v14;
	v14 =	vshrl.u32 v7, $0x10;
	v13 =	vshra.s32 v8, $0x1F  }
0x153: {  	v11 =	vor.u32 $0x80000000, v11;
	vm0 =	veq.s32 v14, v2;
	v13 =	vor.u32 $0x80000000, v13  }
0x154: {  	v14 =	vor.u32 $0x80000000, v15;
	v9 =	vshra.s32 v5, $0x1F;
	v13 =	vxor.u32 v8, v13  }
0x155: {  	v8 =	vxor.u32 v12, v14;
	v15 =	vshra.s32 v6, $0x1F;
	v17 =	vshrl.u32 v13, $0x10  }
0x156: {  	s22 =	simm.s32 $0x100C0;
	s21 =	simm.s32 $0x0;
	v14 =	vshrl.u32 v8, $0x10;
	v12 =	vor.u32 $0x80000000, v15;
	[tilespmem:v16+s2+$0x0] =	vst.idx.add.s32.msk vm1, v1;
	vm1 =	veq.s32 v17, v2  }
.LBB2_16:
0x157: {  	v15 =	vld [tilespmem:s22+$0x20];
	s21 =	sadd.s32 $0x8, s21;
	v10 =	vxor.u32 v3, v10;
	v11 =	vxor.u32 v4, v11;
	v13 =	vand.u32 $0xFFFF, v13  }
0x158: {  	v9 =	vor.u32 $0x80000000, v9;
	v3 =	vld [tilespmem:s22+$0xFFFFFFE0];
	p0 =	slt.u32 s21, $0x3F8;
	v4 =	vshrl.u32 v10, $0x10;
	v16 =	vshrl.u32 v11, $0x10  }
0x159: {  	v7 =	vand.u32 $0xFFFF, v7;
	v5 =	vxor.u32 v5, v9;
	v17 =	vld [tilespmem:s22+$0xFFFFFFC0];
	vm2 =	veq.s32 v4, v2  }
0x15a: {  	v6 =	vxor.u32 v6, v12;
	vm4 =	veq.s32 v14, v2;
	v9 =	vshrl.u32 v5, $0x10;
	v4 =	vld [tilespmem:s22+$0xFFFFFFF0]  }
0x15b: {  	v8 =	vand.u32 $0xFFFF, v8;
	v14 =	vand.u32 $0xFFFF, v6;
	v18 =	vand.u32 $0xFFFF, v10;
	v12 =	vld [tilespmem:s22+$0x30]  }
0x15c: {  	vm5 =	veq.s32 v9, v2;
	v9 =	vand.u32 $0xFFFF, v5;
	v19 =	vld [tilespmem:s22+$0x0];
	v10 =	vshra.s32 v15, $0x1F  }
0x15d: {  	v20 =	vshrl.u32 v6, $0x10;
	vm3 =	veq.s32 v16, v2;
	v5 =	vld [tilespmem:s22+$0x10];
	v10 =	vor.u32 $0x80000000, v10  }
0x15e: {  	vm6 =	veq.s32 v20, v2;
	v6 =	vld [tilespmem:s22+$0xFFFFFFD0];
	v10 =	vxor.u32 v15, v10;
	v15 =	vand.u32 $0xFFFF, v11  }
0x15f: {  	v11 =	vshra.s32 v17, $0x1F;
	v16 =	vshra.s32 v4, $0x1F;
	v20 =	vshrl.u32 v10, $0x10;
	[tilespmem:v7+s2+$0x0] =	vst.idx.add.s32.msk vm0, v1  }
0x160: {  	v21 =	vshra.s32 v3, $0x1F;
	vm7 =	veq.s32 v20, v2;
	v20 =	vshra.s32 v12, $0x1F;
	[tilespmem:v8+s2+$0x0] =	vst.idx.add.s32.msk vm4, v1  }
0x161: {  	v7 =	vor.u32 $0x80000000, v11;
	v22 =	vand.u32 $0xFFFF, v10;
	v8 =	vshra.s32 v19, $0x1F;
	[tilespmem:v13+s2+$0x0] =	vst.idx.add.s32.msk vm1, v1  }
.Ltmp7:
0x162: {  	v10 =	vor.u32 $0x80000000, v21;
	v7 =	vxor.u32 v17, v7;
	v11 =	vor.u32 $0x80000000, v16;
	[tilespmem:v9+s2+$0x0] =	vst.idx.add.s32.msk vm5, v1;
	(pc) =	sbr.rel @p0 .LBB2_16-.Ltmp7, $4  }
0x163: {  	v13 =	vshrl.u32 v7, $0x10;
	v16 =	vor.u32 $0x80000000, v20;
	v9 =	vshra.s32 v5, $0x1F;
	[tilespmem:v18+s2+$0x0] =	vst.idx.add.s32.msk vm2, v1  }
0x164: {  	vm0 =	veq.s32 v13, v2;
	v8 =	vor.u32 $0x80000000, v8;
	v13 =	vxor.u32 v12, v16;
	[tilespmem:v14+s2+$0x0] =	vst.idx.add.s32.msk vm6, v1  }
0x165: {  	v12 =	vshra.s32 v6, $0x1F;
	v8 =	vxor.u32 v19, v8;
	v16 =	vshrl.u32 v13, $0x10;
	[tilespmem:v15+s2+$0x0] =	vst.idx.add.s32.msk vm3, v1  }
0x166: {  	s22 =	sadd.s32 $0x80, s22;
	v12 =	vor.u32 $0x80000000, v12;
	v14 =	vshrl.u32 v8, $0x10;
	vm1 =	veq.s32 v16, v2;
	[tilespmem:v22+s2+$0x0] =	vst.idx.add.s32.msk vm7, v1  }
0x167: {  	v3 =	vxor.u32 v3, v10;
	v4 =	vxor.u32 v4, v11;
	v9 =	vor.u32 $0x80000000, v9  }
0x168: {  	v7 =	vand.u32 $0xFFFF, v7;
	vm2 =	veq.s32 v14, v2;
	v8 =	vand.u32 $0xFFFF, v8  }
0x169: {  	v6 =	vxor.u32 v6, v12;
	v5 =	vxor.u32 v5, v9;
	v11 =	vshrl.u32 v3, $0x10  }
0x16a: {  	v9 =	vand.u32 $0xFFFF, v13;
	v10 =	vshrl.u32 v5, $0x10;
	vm4 =	veq.s32 v11, v2  }
0x16b: {  	v3 =	vand.u32 $0xFFFF, v3;
	v11 =	vshrl.u32 v4, $0x10;
	vm3 =	veq.s32 v10, v2  }
0x16c: {  	v5 =	vand.u32 $0xFFFF, v5;
	v10 =	vshrl.u32 v6, $0x10;
	vm6 =	veq.s32 v11, v2  }
0x16d: {  	v4 =	vand.u32 $0xFFFF, v4;
	vm5 =	veq.s32 v10, v2;
	[tilespmem:v7+s2+$0x0] =	vst.idx.add.s32.msk vm0, v1  }
0x16e: {  	v6 =	vand.u32 $0xFFFF, v6;
	[tilespmem:v8+s2+$0x0] =	vst.idx.add.s32.msk vm2, v1  }
0x16f: {  	[tilespmem:v9+s2+$0x0] =	vst.idx.add.s32.msk vm1, v1  }
0x170: {  	[tilespmem:v3+s2+$0x0] =	vst.idx.add.s32.msk vm4, v1  }
0x171: {  	[tilespmem:v5+s2+$0x0] =	vst.idx.add.s32.msk vm3, v1  }
0x172: {  	[tilespmem:v4+s2+$0x0] =	vst.idx.add.s32.msk vm6, v1  }
0x173: {  	[tilespmem:v6+s2+$0x0] =	vst.idx.add.s32.msk vm5, v1  }
0x174: {  	_ =	swait.ge [sflag:s19], $0x4000  }
0x175: {  	[sflag:s19] =	ssyncset.done $0x0  }
0x176: {  	s21 =	simm.s32 $0x14040;
	[sflag:s19] =	ssyncadd.s32 $0xFFFFC000  }
0x177: {  	v6 =	vld [tilespmem:s21+$0x20];
	_ =	sdelay $0x1  }
0x178: {  	v7 =	vld [tilespmem:s21+$0xFFFFFFC0]  }
0x179: {  	v4 =	vld [tilespmem:s21+$0xFFFFFFF0]  }
0x17a: {  	v3 =	vld [tilespmem:s21+$0xFFFFFFE0]  }
0x17b: {  	v12 =	vld [tilespmem:s21+$0x0];
	v5 =	vshra.s32 v6, $0x1F  }
0x17c: {  	v8 =	vld [tilespmem:s21+$0x30];
	v9 =	vor.u32 $0x80000000, v5  }
0x17d: {  	v9 =	vxor.u32 v6, v9  }
0x17e: {  	v10 =	vshra.s32 v7, $0x1F;
	v11 =	vshra.s32 v4, $0x1F;
	v5 =	vld [tilespmem:s21+$0x10];
	v13 =	vshrl.u32 v9, $0x10  }
0x17f: {  	v14 =	vshra.s32 v3, $0x1F;
	v10 =	vor.u32 $0x80000000, v10;
	v6 =	vld [tilespmem:s21+$0xFFFFFFD0];
	vm1 =	veq.s32 v13, v2  }
0x180: {  	v15 =	vshra.s32 v12, $0x1F;
	v7 =	vxor.u32 v7, v10;
	v16 =	vand.u32 $0xFFFF, v9  }
0x181: {  	v10 =	vor.u32 $0x80000000, v14;
	v14 =	vshrl.u32 v7, $0x10;
	v13 =	vshra.s32 v8, $0x1F  }
0x182: {  	v11 =	vor.u32 $0x80000000, v11;
	vm0 =	veq.s32 v14, v2;
	v13 =	vor.u32 $0x80000000, v13  }
0x183: {  	v14 =	vor.u32 $0x80000000, v15;
	v9 =	vshra.s32 v5, $0x1F;
	v13 =	vxor.u32 v8, v13  }
0x184: {  	v8 =	vxor.u32 v12, v14;
	v15 =	vshra.s32 v6, $0x1F;
	v17 =	vshrl.u32 v13, $0x10  }
0x185: {  	s22 =	simm.s32 $0x140C0;
	s21 =	simm.s32 $0x0;
	v14 =	vshrl.u32 v8, $0x10;
	v12 =	vor.u32 $0x80000000, v15;
	[tilespmem:v16+s2+$0x0] =	vst.idx.add.s32.msk vm1, v1;
	vm1 =	veq.s32 v17, v2  }
.LBB2_18:
0x186: {  	v15 =	vld [tilespmem:s22+$0x20];
	s21 =	sadd.s32 $0x8, s21;
	v10 =	vxor.u32 v3, v10;
	v11 =	vxor.u32 v4, v11;
	v13 =	vand.u32 $0xFFFF, v13  }
0x187: {  	v9 =	vor.u32 $0x80000000, v9;
	v3 =	vld [tilespmem:s22+$0xFFFFFFE0];
	p0 =	slt.u32 s21, $0x3F8;
	v4 =	vshrl.u32 v10, $0x10;
	v16 =	vshrl.u32 v11, $0x10  }
0x188: {  	v7 =	vand.u32 $0xFFFF, v7;
	v5 =	vxor.u32 v5, v9;
	v17 =	vld [tilespmem:s22+$0xFFFFFFC0];
	vm2 =	veq.s32 v4, v2  }
0x189: {  	v6 =	vxor.u32 v6, v12;
	vm4 =	veq.s32 v14, v2;
	v9 =	vshrl.u32 v5, $0x10;
	v4 =	vld [tilespmem:s22+$0xFFFFFFF0]  }
0x18a: {  	v8 =	vand.u32 $0xFFFF, v8;
	v14 =	vand.u32 $0xFFFF, v6;
	v18 =	vand.u32 $0xFFFF, v10;
	v12 =	vld [tilespmem:s22+$0x30]  }
0x18b: {  	vm5 =	veq.s32 v9, v2;
	v9 =	vand.u32 $0xFFFF, v5;
	v19 =	vld [tilespmem:s22+$0x0];
	v10 =	vshra.s32 v15, $0x1F  }
0x18c: {  	v20 =	vshrl.u32 v6, $0x10;
	vm3 =	veq.s32 v16, v2;
	v5 =	vld [tilespmem:s22+$0x10];
	v10 =	vor.u32 $0x80000000, v10  }
0x18d: {  	vm6 =	veq.s32 v20, v2;
	v6 =	vld [tilespmem:s22+$0xFFFFFFD0];
	v10 =	vxor.u32 v15, v10;
	v15 =	vand.u32 $0xFFFF, v11  }
0x18e: {  	v11 =	vshra.s32 v17, $0x1F;
	v16 =	vshra.s32 v4, $0x1F;
	v20 =	vshrl.u32 v10, $0x10;
	[tilespmem:v7+s2+$0x0] =	vst.idx.add.s32.msk vm0, v1  }
0x18f: {  	v21 =	vshra.s32 v3, $0x1F;
	vm7 =	veq.s32 v20, v2;
	v20 =	vshra.s32 v12, $0x1F;
	[tilespmem:v8+s2+$0x0] =	vst.idx.add.s32.msk vm4, v1  }
0x190: {  	v7 =	vor.u32 $0x80000000, v11;
	v22 =	vand.u32 $0xFFFF, v10;
	v8 =	vshra.s32 v19, $0x1F;
	[tilespmem:v13+s2+$0x0] =	vst.idx.add.s32.msk vm1, v1  }
.Ltmp8:
0x191: {  	v10 =	vor.u32 $0x80000000, v21;
	v7 =	vxor.u32 v17, v7;
	v11 =	vor.u32 $0x80000000, v16;
	[tilespmem:v9+s2+$0x0] =	vst.idx.add.s32.msk vm5, v1;
	(pc) =	sbr.rel @p0 .LBB2_18-.Ltmp8, $4  }
0x192: {  	v13 =	vshrl.u32 v7, $0x10;
	v16 =	vor.u32 $0x80000000, v20;
	v9 =	vshra.s32 v5, $0x1F;
	[tilespmem:v18+s2+$0x0] =	vst.idx.add.s32.msk vm2, v1  }
0x193: {  	vm0 =	veq.s32 v13, v2;
	v8 =	vor.u32 $0x80000000, v8;
	v13 =	vxor.u32 v12, v16;
	[tilespmem:v14+s2+$0x0] =	vst.idx.add.s32.msk vm6, v1  }
0x194: {  	v12 =	vshra.s32 v6, $0x1F;
	v8 =	vxor.u32 v19, v8;
	v16 =	vshrl.u32 v13, $0x10;
	[tilespmem:v15+s2+$0x0] =	vst.idx.add.s32.msk vm3, v1  }
0x195: {  	s22 =	sadd.s32 $0x80, s22;
	v12 =	vor.u32 $0x80000000, v12;
	v14 =	vshrl.u32 v8, $0x10;
	vm1 =	veq.s32 v16, v2;
	[tilespmem:v22+s2+$0x0] =	vst.idx.add.s32.msk vm7, v1  }
0x196: {  	v3 =	vxor.u32 v3, v10;
	v4 =	vxor.u32 v4, v11;
	v9 =	vor.u32 $0x80000000, v9  }
0x197: {  	v7 =	vand.u32 $0xFFFF, v7;
	vm2 =	veq.s32 v14, v2;
	v59 =	vand.u32 $0xFFFF, v13  }
0x198: {  	v8 =	vand.u32 $0xFFFF, v8;
	v6 =	vxor.u32 v6, v12;
	v61 =	vshrl.u32 v3, $0x10  }
0x199: {  	v5 =	vxor.u32 v5, v9;
	v62 =	vshrl.u32 v6, $0x10;
	vm4 =	veq.s32 v61, v2  }
0x19a: {  	v63 =	vshrl.u32 v4, $0x10;
	v3 =	vand.u32 $0xFFFF, v3;
	vm5 =	veq.s32 v62, v2  }
0x19b: {  	v6 =	vand.u32 $0xFFFF, v6;
	v60 =	vshrl.u32 v5, $0x10;
	vm6 =	veq.s32 v63, v2  }
0x19c: {  	vm3 =	veq.s32 v60, v2;
	v2 =	vand.u32 $0xFFFF, v4;
	[tilespmem:v7+s2+$0x0] =	vst.idx.add.s32.msk vm0, v1  }
0x19d: {  	v5 =	vand.u32 $0xFFFF, v5;
	[tilespmem:v59+s2+$0x0] =	vst.idx.add.s32.msk vm1, v1  }
0x19e: {  	[tilespmem:v8+s2+$0x0] =	vst.idx.add.s32.msk vm2, v1  }
0x19f: {  	[tilespmem:v3+s2+$0x0] =	vst.idx.add.s32.msk vm4, v1  }
0x1a0: {  	s20 =	sadd.s32 $0x1, s20;
	[tilespmem:v6+s2+$0x0] =	vst.idx.add.s32.msk vm5, v1  }
0x1a1: {  	p0 =	sne.s32 s20, s13;
	[tilespmem:v2+s2+$0x0] =	vst.idx.add.s32.msk vm6, v1  }
.Ltmp9:
0x1a2: {  	[tilespmem:v5+s2+$0x0] =	vst.idx.add.s32.msk vm3, v1;
	(pc) =	sbr.rel @p0 .LBB2_1-.Ltmp9, $4  }
0x1a3: {  	[hbm4b:s12+s2] =	stream.linear.scatter [tilespmem:s2], [sflag:$0x3], $0x10000, $0x38;
	[tilespmem:$0x18080] =	vst v63  }
0x1a4: {  	_ =	swait.ge [sflag:s15], $0x10000  }
0x1a5: {  	[sflag:s15] =	ssyncset.done $0x0  }
0x1a6: {  	[sflag:s15] =	ssyncadd.s32 $0xFFFF0000  }
0x1a7: {  	_ =	sfence.sel $0x180000  }
0x1a8: {  	[bflag:$0x0] =	sbarrier.arrive $0xFFFF  }
0x1a9: {  	p0 =	sne.s32 s1, $0x0;
	_ =	strace $0x9000004A  }
0x1aa: {  	s0 =	sadd.s32 @!p0 $0x100000, s0;
	[bflag:$0x2] =	sbarrier.arrive $0xFFFF  }
0x1ab: {  	[sflag:s0] =	ssyncadd.tile.s32 @!p0 $0x1;
	_ =	shalt  }
.Lfunc_end2:
_tile_overlayer_lowered:
.L_overlay_start_2:
0x1ac: {  	(tag) =	ssettag $0x2  }
0x1ad: {  	s0 =	rddreg [dreg:$0x0];
	s2 =	stileid.u32  }
0x1ae: {  	s1 =	rddreg [dreg:$0x1];
	p0 =	sne.s32 s2, $0x0  }
0x1af: {  	s3 =	rddreg [dreg:$0x2];
	[bflag:$0x3] =	sbarrier.arrive $0xFFFF;
	s2 =	simm.s32 @!p0 $0x1C03  }
0x1b0: {  	[timem:s3], [sflag:s2] =	dma.local @!p0 [hbm:s0], s1  }
0x1b1: {  	s0 =	simm.s32 @!p0 $0x3  }
0x1b2: {  	_ =	swait.ge @!p0 [sflag:s0], s1  }
0x1b3: {  	s1 =	ssub.s32 @!p0 $0x0, s1;
	[sflag:s0] =	ssyncset.done @!p0 $0x0  }
0x1b4: {  	[sflag:s0] =	ssyncadd.s32 @!p0 s1  }
0x1b5: {  	[bflag:$0x3] =	sbarrier.arrive $0xFFFF  }
0x1b6: {  	_ =	shalt  }

// kernel: kernel.7.cloned.1.call-start
scs
__scs_entry_jumppad:
0x0: {  	(pc) =	sbr.rel $0x88, $3  }
0x1: {  	(tag) =	ssettag $0x0;
	lr =	simm.s32 $0x1  }
0x2: {  	[smem:$0x3FA0] =	sst lr;
	_ =	strace $0xD0000000  }
0x3: {  	_ = 	snop  }
0x4: {  	_ = 	snop  }
0x5: {  	_ = 	snop  }
0x6: {  	_ = 	snop  }
0x7: {  	_ = 	snop  }
__scs_overlays_trampoline_lowered:
0x8: {  	[smem:$0x3FAF] =	sst s0  }
0x9: {  	[smem:$0x3FB0] =	sst s1  }
0xa: {  	[smem:$0x3FB1] =	sst s2  }
0xb: {  	[smem:$0x3FB2] =	sst s3  }
0xc: {  	[smem:$0x3FB3] =	sst s4  }
0xd: {  	[smem:$0x3FB4] =	sst s5  }
0xe: {  	[smem:$0x3FB5] =	sst s6  }
0xf: {  	[smem:$0x3FB6] =	sst s7  }
0x10: {  	[smem:$0x3FB7] =	sst s8  }
0x11: {  	[smem:$0x3FB8] =	sst s9;
	s0 =	simm.s32 @!p0 $0x0  }
0x12: {  	s1 =	sld [smem:$0x3F9E];
	s0 =	simm.s32 @p0 $0x1  }
0x13: {  	[smem:$0x3FB9] =	sst s0;
	s0 =	simm.s32 @!p1 $0x0  }
0x14: {  	s2 =	sld [smem:$0x3F9D];
	s0 =	simm.s32 @p1 $0x1  }
0x15: {  	[smem:$0x3FBA] =	sst s0;
	s0 =	simm.s32 @!p2 $0x0  }
0x16: {  	s3 =	sld [smem:$0x3FDB];
	s0 =	simm.s32 @p2 $0x1  }
0x17: {  	s4 =	simm.s32 $0x1BF5;
	[smem:$0x3FBC] =	sst s0  }
0x18: {  	s0 =	sld [smem:$0x3F9F];
	_ =	swait.ge [sflag:s4], $0x0  }
0x19: {  	s7 =	sld [smem:$0x3FA0]  }
0x1a: {  	s8 =	sadd.s32 $0xFFFFE003, lr  }
0x1b: {  	s9 =	sadd.s32 $0xFFFFFEF7, lr;
	s5 =	simm.s32 $0xFFFFFFFF;
	p2 =	slt.u32 s8, $0xFFFFF086  }
0x1c: {  	p1 =	slt.u32 s9, $0xF7A;
	s5 =	simm.s32 @!p2 $0x0  }
0x1d: {  	s5 =	simm.s32 @p1 $0x1;
	p0 =	seq.s32 s7, s2  }
0x1e: {  	s7 =	smul.u32 @!p0 $0xF7A, s2;
	p2 =	seq.s32 @!p0 s5, $0x0  }
0x1f: {  	s9 =	smul.u32 $0xF7A, s1;
	s8 =	simm.s32 @!p0 $0x1BF5;
	p2 =	por !p2, p0  }
0x20: {  	[sflag:s8] =	ssyncset.s32 @!p0 $0xFFFFF086;
	s6 =	sadd.s32 @!p0 s3, s7;
	s7 =	simm.s32 @!p0 $0x108  }
0x21: {  	s3 =	sadd.s32 s3, s9;
	s6 =	sadd.s32 @!p0 $0x88, s6;
	s7 =	simm.s32 @p2 $0x1082  }
0x22: {  	[simem:s7], [sflag:s8] =	dma.local @!p0 [hbm:s6], $0xF7A  }
0x23: {  	s9 =	sor.u32 $0xD0000000, s2;
	s6 =	simm.s32 $0x108;
	_ =	swait.ge @!p0 [sflag:s8], $0x0  }
0x24: {  	s3 =	sadd.s32 $0x88, s3;
	s6 =	simm.s32 @!p1 $0x1082;
	[sflag:s4] =	ssyncset.s32 $0xFFFFF086  }
0x25: {  	[simem:s6], [sflag:s4] =	dma.local [hbm:s3], $0xF7A  }
0x26: {  	[smem:$0x3FA0] =	sst s1;
	(tag) =	ssettag s2;
	_ =	strace s9  }
0x27: {  	s1 =	sld [smem:$0x3FB0]  }
0x28: {  	s2 =	sld [smem:$0x3FB1]  }
0x29: {  	s4 =	sld [smem:$0x3FB3]  }
0x2a: {  	p0 =	seq.s32 s5, $0x0;
	s5 =	sld [smem:$0x3FB4]  }
0x2b: {  	s6 =	sld [smem:$0x3FB5]  }
0x2c: {  	s7 =	sld [smem:$0x3FB6]  }
0x2d: {  	s3 =	simm.s32 $0x108;
	s8 =	sld [smem:$0x3FB7]  }
0x2e: {  	s3 =	simm.s32 @!p0 $0x1082;
	s9 =	sld [smem:$0x3FB8]  }
0x2f: {  	lr =	sadd.s32 s0, s3;
	s0 =	sld [smem:$0x3FAF]  }
0x30: {  	s3 =	sld [smem:$0x3FB2]  }
0x31: {  	[smem:$0x3FBB] =	sst s10  }
0x32: {  	s10 =	sld [smem:$0x3FB9];
	_ =	sdelay $0x3  }
0x33: {  	p0 =	seq.s32 s10, $0x1;
	s10 =	sld [smem:$0x3FBB];
	_ =	sdelay $0x3  }
0x34: {  	[smem:$0x3FBB] =	sst s10  }
0x35: {  	s10 =	sld [smem:$0x3FBA];
	_ =	sdelay $0x3  }
0x36: {  	p1 =	seq.s32 s10, $0x1;
	s10 =	sld [smem:$0x3FBB];
	_ =	sdelay $0x3  }
0x37: {  	[smem:$0x3FBB] =	sst s10  }
0x38: {  	s10 =	sld [smem:$0x3FBC]  }
0x39: {  	_ = 	snop;
	(pc) =	sbr.ind lr, $3  }
0x3a: {  	_ = 	snop  }
0x3b: {  	_ = 	snop  }
0x3c: {  	p2 =	seq.s32 s10, $0x1;
	s10 =	sld [smem:$0x3FBB]  }
0x3d: {  	_ =	shalt  }
0x3e: {  	_ =	shalt  }
0x3f: {  	_ =	shalt  }
0x40: {  	_ =	shalt  }
0x41: {  	_ =	shalt  }
0x42: {  	_ =	shalt  }
0x43: {  	_ =	shalt  }
0x44: {  	_ =	shalt  }
0x45: {  	_ =	shalt  }
0x46: {  	_ =	shalt  }
0x47: {  	_ =	shalt  }
0x48: {  	_ =	shalt  }
0x49: {  	_ =	shalt  }
0x4a: {  	_ =	shalt  }
0x4b: {  	_ =	shalt  }
0x4c: {  	_ =	shalt  }
0x4d: {  	_ =	shalt  }
0x4e: {  	_ =	shalt  }
0x4f: {  	_ =	shalt  }
0x50: {  	_ =	shalt  }
0x51: {  	_ =	shalt  }
0x52: {  	_ =	shalt  }
0x53: {  	_ =	shalt  }
0x54: {  	_ =	shalt  }
0x55: {  	_ =	shalt  }
0x56: {  	_ =	shalt  }
0x57: {  	_ =	shalt  }
0x58: {  	_ =	shalt  }
0x59: {  	_ =	shalt  }
0x5a: {  	_ =	shalt  }
0x5b: {  	_ =	shalt  }
0x5c: {  	_ =	shalt  }
0x5d: {  	_ =	shalt  }
0x5e: {  	_ =	shalt  }
0x5f: {  	_ =	shalt  }
0x60: {  	_ =	shalt  }
0x61: {  	_ =	shalt  }
0x62: {  	_ =	shalt  }
0x63: {  	_ =	shalt  }
0x64: {  	_ =	shalt  }
0x65: {  	_ =	shalt  }
0x66: {  	_ =	shalt  }
0x67: {  	_ =	shalt  }
0x68: {  	_ =	shalt  }
0x69: {  	_ =	shalt  }
0x6a: {  	_ =	shalt  }
0x6b: {  	_ =	shalt  }
0x6c: {  	_ =	shalt  }
0x6d: {  	_ =	shalt  }
0x6e: {  	_ =	shalt  }
0x6f: {  	_ =	shalt  }
0x70: {  	_ =	shalt  }
0x71: {  	_ =	shalt  }
0x72: {  	_ =	shalt  }
0x73: {  	_ =	shalt  }
0x74: {  	_ =	shalt  }
0x75: {  	_ =	shalt  }
0x76: {  	_ =	shalt  }
0x77: {  	_ =	shalt  }
0x78: {  	_ =	shalt  }
0x79: {  	_ =	shalt  }
0x7a: {  	_ =	shalt  }
0x7b: {  	_ =	shalt  }
0x7c: {  	_ =	shalt  }
0x7d: {  	_ =	shalt  }
0x7e: {  	_ =	shalt  }
0x7f: {  	_ =	shalt  }
0x80: {  	_ =	shalt  }
0x81: {  	_ =	shalt  }
0x82: {  	_ =	shalt  }
0x83: {  	_ =	shalt  }
0x84: {  	_ =	shalt  }
0x85: {  	_ =	shalt  }
0x86: {  	_ =	shalt  }
0x87: {  	_ =	shalt  }
.Lfunc_end0:
.L_simem_size_0:
called_computation_lowered:
.L_overlay_start_0:
0x88: {  	s2 =	sld [smem:$0x3FD9]  }
0x89: {  	s3 =	sld [smem:$0x3FFE];
	_ =	sdelay $0x1  }
0x8a: {  	s1 =	srdreg.scid  }
0x8b: {  	s0 =	sand.u32 $0x1, s1  }
0x8c: {  	s17 =	sshll.u32 s0, $0xA;
	s2 =	sadd.s32 s3, s2  }
0x8d: {  	s2 =	sadd.s32 s2, s17  }
0x8e: {  	[smem:$0x3FC7] =	sst s2  }
0x8f: {  	_ = 	snop  }
0x90: {  	s2 =	sld [smem:$0x3FC9]  }
0x91: {  	s18 =	sld [smem:$0x3FD0];
	(tm) =	ssettm $0x1  }
0x92: {  	s4 =	sld [smem:$0x3FFB];
	_ =	sdelay $0x3  }
0x93: {  	_ =	strace s4  }
0x94: {  	s4 =	sld [smem:$0x3FFC];
	_ =	sdelay $0x3  }
0x95: {  	_ =	strace s4  }
0x96: {  	s4 =	sld [smem:$0x3FFD];
	_ =	sdelay $0x3  }
0x97: {  	_ =	strace s4  }
0x98: {  	_ =	strace $0x8FFFFFFF  }
0x99: {  	s19 =	sld [smem:$0x3FDB];
	_ =	sdelay $0x1  }
0x9a: {  	s5 =	simm.s32 $_scs_section_size  }
0x9b: {  	s6 =	simm.s32 $_size__tile_overlayer_lowered;
	s7 =	simm.s32 $_tile_overlayer_lowered  }
0x9c: {  	s22 =	simm.s32 $0x1BFF;
	s21 =	sshll.u32 s7, $0x1;
	s4 =	sadd.s32 s5, s19  }
0x9d: {  	s8 =	simm.s32 $0x0;
	s20 =	sshll.u32 s6, $0x1;
	s6 =	sadd.s32 s21, s4  }
0x9e: {  	[timem:s8], [sflag:s22] =	dma.local [hbm:s6], s20  }
0x9f: {  	_ =	swait.ge [sflag:s22], s20  }
0xa0: {  	s5 =	ssub.s32 $0x0, s20;
	[sflag:s22] =	ssyncset.done $0x0  }
0xa1: {  	[sflag:s22] =	ssyncadd.s32 s5;
	_ =	sdelay $0x1  }
0xa2: {  	s23 =	simm.s32 $0x1B8B  }
0xa3: {  	_ =	swait.ge [sflag:s23], $0x1  }
0xa4: {  	[sflag:s23] =	ssyncset.done $0x0  }
0xa5: {  	s25 =	simm.s32 $0x1B8E;
	s24 =	sld [smem:$0x3FFE];
	[sflag:s23] =	ssyncadd.s32 $0xFFFFFFFF  }
0xa6: {  	s26 =	simm.s32 $execute0_lowered;
	[smem:$0x3FD2] =	sst s25  }
0xa7: {  	s6 =	sshll.u32 s26, $0x1;
	_ =	strace $0x80000046;
	[dreg:$0x1] =	wrdreg $0xFFFFFFFF  }
0xa8: {  	s28 =	simm.s32 $_size_execute0_lowered;
	s4 =	sadd.s32 s4, s6;
	[dreg:$0x0] =	wrdreg $0x0  }
0xa9: {  	s6 =	sshll.u32 s28, $0x1;
	[dreg:$0x2] =	wrdreg s4  }
0xaa: {  	[dreg:$0x3] =	wrdreg s6  }
0xab: {  	[dreg:$0x4] =	wrdreg $0xC0  }
0xac: {  	_ =	task [dreg:s8], $0x5FFFF  }
0xad: {  	[dreg:$0x1] =	wrdreg $0xFFFFFFFF  }
0xae: {  	[dreg:$0x0] =	wrdreg $0x60  }
0xaf: {  	[dreg:$0x2] =	wrdreg s2  }
0xb0: {  	[dreg:$0x3] =	wrdreg s24  }
0xb1: {  	[dreg:$0x4] =	wrdreg s18  }
0xb2: {  	[dreg:$0x5] =	wrdreg $0x9  }
0xb3: {  	_ =	task.clear_ibuf [dreg:s8], $0x6FFFF;
	_ =	strace $0x90000046  }
0xb4: {  	s29 =	simm.s32 $0x9;
	_ =	strace $0x80000048  }
0xb5: {  	_ =	swait.ge [sflag:s29], $0x1  }
0xb6: {  	[sflag:s29] =	ssyncadd.s32 $0xFFFFFFFF  }
0xb7: {  	_ =	strace $0x90000048  }
0xb8: {  	_ =	sfence  }
0xb9: {  	s30 =	sld [smem:$0x0];
	_ =	sdelay $0x2  }
0xba: {  	s31 =	sshll.u32 s1, $0xD;
	s1 =	sshrl.u32 s1, $0x2  }
0xbb: {  	s3 =	sand.u32 $0x4000, s31;
	s1 =	sadd.s32 s1, s30  }
0xbc: {  	s0 =	sor.u32 s3, s0;
	s1 =	sshll.u32 s1, $0x11  }
0xbd: {  	s0 =	sor.u32 s1, s0  }
0xbe: {  	s0 =	sadd.s32 $0x8F2B, s0  }
0xbf: {  	[sflag:s0] =	ssyncadd.remote.s32 $0x1  }
0xc0: {  	_ =	sfence.sel $0xFFFF  }
0xc1: {  	[dreg:$0x0] =	wrdreg $0xFFFFFFFF;
	(pc) =	sbr.abs _section_cstart, $3  }
0xc2: {  	[dreg:$0x1] =	wrdreg $0xFFFFFFFF  }
0xc3: {  	_ =	task.clear_ibuf [dreg:s8], $0x2FFFF;
	_ =	strace $0x9FFFFFFF  }
0xc4: {  	(tm) =	ssettm $0x7FFFFFFF  }
0xc5: {  	_ =	shalt  }
tec
execute0_lowered:
.L_overlay_start_1:
0x0: {  	(tag) =	ssettag $0x1  }
0x1: {  	s4 =	rddreg [dreg:$0x0]  }
0x2: {  	s3 =	rddreg [dreg:$0x1]  }
0x3: {  	s12 =	rddreg [dreg:$0x2]  }
0x4: {  	s0 =	rddreg [dreg:$0x3];
	s5 =	srdreg.scid  }
0x5: {  	s1 =	stileid.u32;
	s2 =	simm.s32 $0x0;
	s15 =	simm.s32 $0x3  }
0x6: {  	s16 =	simm.s32 $0x10000;
	s17 =	simm.s32 $0x14000;
	s18 =	simm.s32 $0x1  }
0x7: {  	s19 =	simm.s32 $0x2;
	s20 =	simm.s32 $0x0;
	s5 =	sand.u32 $0x1, s5  }
0x8: {  	s6 =	sshll.u32 s1, $0x1;
	[smem:$0x7FF] =	sst s2;
	s3 =	sadd.s32 $0x1200, s3  }
0x9: {  	s13 =	sor.u32 s5, s6;
	_ =	strace $0x80000047;
	s5 =	ssub.s32 $0x2, s5  }
0xa: {  	s6 =	sshll.u32 s13, $0xE;
	s7 =	sshrl.u32 s5, $0x1;
	s13 =	sshll.u32 s13, $0xD  }
0xb: {  	s4 =	sadd.s32 s4, s6;
	s14 =	ssub.s32 s5, s7;
	s12 =	sadd.s32 s12, s13  }
0xc: {  	s5 =	sadd.s32 $0x800, s4;
	s6 =	sadd.s32 $0x1000, s4;
	s7 =	sadd.s32 $0x1800, s4  }
0xd: {  	s8 =	sadd.s32 $0x2000, s4;
	s9 =	sadd.s32 $0x2800, s4;
	s10 =	sadd.s32 $0x3000, s4  }
0xe: {  	v0 =	vimm.s32 $0x0;
	v1 =	vimm.s32 $0x1;
	s11 =	sadd.s32 $0x3800, s4;
	s13 =	smax.u32 s14, $0x1;
	s14 =	simm.s32 $0x18000  }
.LBB2_1:
0xf: {  	[tilespmem:s14], [sflag:$0x3] =	stream.linear.gather [hbm4b:s3+s2], $0x80, $0x38;
	[tilespmem:$0x18080] =	vst v63  }
0x10: {  	_ =	swait.ge [sflag:s15], $0x80  }
0x11: {  	[sflag:s15] =	ssyncset.done $0x0  }
0x12: {  	s21 =	simm.s32 $0x40;
	[sflag:s15] =	ssyncadd.s32 $0xFFFFFF80  }
0x13: {  	[tilespmem:s16], [sflag:$0x1] =	stream.linear.gather [hbm4b:s4+s2], $0x4000, $0x38;
	[tilespmem:$0x18080] =	vst v63  }
0x14: {  	[tilespmem:s21+$0xFFFFFFC0] =	vst v0  }
0x15: {  	[tilespmem:s21+$0x30] =	vst v0  }
0x16: {  	[tilespmem:s21+$0x20] =	vst v0  }
0x17: {  	[tilespmem:s21+$0x10] =	vst v0  }
0x18: {  	[tilespmem:s21+$0x0] =	vst v0  }
0x19: {  	[tilespmem:s21+$0xFFFFFFF0] =	vst v0  }
0x1a: {  	s22 =	simm.s32 $0x0;
	[tilespmem:s21+$0xFFFFFFE0] =	vst v0  }
.LBB2_2:
0x1b: {  	s22 =	sadd.s32 $0x8, s22;
	[tilespmem:s21+$0xFFFFFFD0] =	vst v0;
	s21 =	sadd.s32 $0x80, s21  }
0x1c: {  	[tilespmem:s21+$0xFFFFFFC0] =	vst v0;
	p0 =	slt.u32 s22, $0xFF8  }
0x1d: {  	[tilespmem:s21+$0x30] =	vst v0  }
.Ltmp0:
0x1e: {  	[tilespmem:s21+$0x20] =	vst v0;
	(pc) =	sbr.rel @p0 .LBB2_2-.Ltmp0, $4  }
0x1f: {  	[tilespmem:s21+$0x10] =	vst v0  }
0x20: {  	[tilespmem:s21+$0x0] =	vst v0  }
0x21: {  	[tilespmem:s21+$0xFFFFFFF0] =	vst v0  }
0x22: {  	[tilespmem:s21+$0xFFFFFFE0] =	vst v0  }
0x23: {  	[tilespmem:s21+$0xFFFFFFD0] =	vst v0  }
0x24: {  	[tilespmem:s17], [sflag:$0x2] =	stream.linear.gather [hbm4b:s5+s2], $0x4000, $0x38;
	[tilespmem:$0x18080] =	vst v63  }
0x25: {  	_ =	swait.ge [sflag:s18], $0x4000  }
0x26: {  	[sflag:s18] =	ssyncset.done $0x0  }
0x27: {  	s31 =	simm.s32 $0x10040;
	[sflag:s18] =	ssyncadd.s32 $0xFFFFC000  }
0x28: {  	v2 =	vld [tilespmem:s31+$0x30]  }
0x29: {  	v3 =	vld [tilespmem:s31+$0xFFFFFFD0]  }
0x2a: {  	v4 =	vld [tilespmem:s31+$0xFFFFFFE0]  }
0x2b: {  	v5 =	vld [tilespmem:s31+$0xFFFFFFF0]  }
0x2c: {  	v6 =	vld [tilespmem:s31+$0x0]  }
0x2d: {  	v7 =	vld [tilespmem:s31+$0x10]  }
0x2e: {  	v10 =	vld [tilespmem:s31+$0x20]  }
0x2f: {  	v11 =	vld [tilespmem:s31+$0xFFFFFFC0];
	_ =	sdelay $0x2  }
0x30: {  	v8 =	vshra.s32 v2, $0x1F;
	v9 =	vshra.s32 v3, $0x1F;
	v12 =	vshra.s32 v4, $0x1F  }
0x31: {  	v59 =	vshra.s32 v5, $0x1F;
	v60 =	vshra.s32 v6, $0x1F;
	v61 =	vshra.s32 v7, $0x1F  }
0x32: {  	v62 =	vshra.s32 v10, $0x1F;
	v13 =	vshra.s32 v11, $0x1F;
	v8 =	vor.u32 $0x80000000, v8  }
0x33: {  	v9 =	vor.u32 $0x80000000, v9;
	v63 =	vor.u32 $0x80000000, v13;
	v2 =	vxor.u32 v2, v8  }
0x34: {  	v8 =	vor.u32 $0x80000000, v12;
	v3 =	vxor.u32 v3, v9;
	v2 =	vshrl.u32 v2, $0x10  }
0x35: {  	v9 =	vor.u32 $0x80000000, v59;
	v4 =	vxor.u32 v4, v8;
	v8 =	vor.u32 $0x80000000, v60  }
0x36: {  	v9 =	vxor.u32 v5, v9;
	v5 =	vor.u32 $0x80000000, v61;
	v14 =	vxor.u32 v6, v8  }
0x37: {  	v6 =	vor.u32 $0x80000000, v62;
	v8 =	vxor.u32 v7, v5;
	v5 =	vshrl.u32 v3, $0x10  }
0x38: {  	v3 =	vshrl.u32 v4, $0x10;
	v7 =	vxor.u32 v10, v6;
	v6 =	vxor.u32 v11, v63  }
0x39: {  	s21 =	simm.s32 $0x0;
	s22 =	simm.s32 $0x100C0;
	v4 =	vshrl.u32 v9, $0x10;
	v6 =	vshrl.u32 v6, $0x10;
	[tilespmem:v2+s2+$0x0] =	vst.idx.add.s32.msk $0xffff, v1;
	v2 =	vshrl.u32 v14, $0x10  }
.LBB2_4:
0x3a: {  	v9 =	vld [tilespmem:s22+$0x30];
	s21 =	sadd.s32 $0x8, s21;
	v10 =	vshrl.u32 v8, $0x10;
	v11 =	vshrl.u32 v7, $0x10  }
0x3b: {  	v7 =	vld [tilespmem:s22+$0xFFFFFFD0];
	p0 =	slt.u32 s21, $0x3F8  }
0x3c: {  	v8 =	vld [tilespmem:s22+$0xFFFFFFE0]  }
0x3d: {  	v12 =	vld [tilespmem:s22+$0xFFFFFFF0]  }
0x3e: {  	v13 =	vld [tilespmem:s22+$0x0]  }
0x3f: {  	v14 =	vld [tilespmem:s22+$0x10];
	v15 =	vshra.s32 v9, $0x1F  }
0x40: {  	v16 =	vshra.s32 v7, $0x1F;
	v17 =	vld [tilespmem:s22+$0x20];
	v15 =	vor.u32 $0x80000000, v15  }
0x41: {  	v18 =	vld [tilespmem:s22+$0xFFFFFFC0];
	v16 =	vor.u32 $0x80000000, v16;
	v19 =	vshra.s32 v8, $0x1F;
	v9 =	vxor.u32 v9, v15  }
0x42: {  	v15 =	vor.u32 $0x80000000, v19;
	v19 =	vshra.s32 v12, $0x1F;
	v9 =	vshrl.u32 v9, $0x10;
	[tilespmem:v6+s2+$0x0] =	vst.idx.add.s32.msk $0xffff, v1  }
0x43: {  	v6 =	vxor.u32 v7, v16;
	v7 =	vor.u32 $0x80000000, v19;
	v16 =	vshra.s32 v13, $0x1F;
	[tilespmem:v5+s2+$0x0] =	vst.idx.add.s32.msk $0xffff, v1  }
0x44: {  	v15 =	vxor.u32 v8, v15;
	v5 =	vor.u32 $0x80000000, v16;
	v8 =	vshra.s32 v14, $0x1F;
	[tilespmem:v3+s2+$0x0] =	vst.idx.add.s32.msk $0xffff, v1  }
.Ltmp1:
0x45: {  	v12 =	vxor.u32 v12, v7;
	v3 =	vor.u32 $0x80000000, v8;
	v7 =	vshra.s32 v17, $0x1F;
	[tilespmem:v4+s2+$0x0] =	vst.idx.add.s32.msk $0xffff, v1;
	(pc) =	sbr.rel @p0 .LBB2_4-.Ltmp1, $4  }
0x46: {  	v13 =	vxor.u32 v13, v5;
	v4 =	vshra.s32 v18, $0x1F;
	v5 =	vor.u32 $0x80000000, v7;
	[tilespmem:v2+s2+$0x0] =	vst.idx.add.s32.msk $0xffff, v1  }
0x47: {  	v8 =	vxor.u32 v14, v3;
	v2 =	vor.u32 $0x80000000, v4;
	v7 =	vxor.u32 v17, v5;
	[tilespmem:v9+s2+$0x0] =	vst.idx.add.s32.msk $0xffff, v1  }
0x48: {  	v3 =	vshrl.u32 v15, $0x10;
	v5 =	vshrl.u32 v6, $0x10;
	v2 =	vxor.u32 v18, v2;
	[tilespmem:v10+s2+$0x0] =	vst.idx.add.s32.msk $0xffff, v1  }
0x49: {  	s22 =	sadd.s32 $0x80, s22;
	v4 =	vshrl.u32 v12, $0x10;
	v6 =	vshrl.u32 v2, $0x10;
	v2 =	vshrl.u32 v13, $0x10;
	[tilespmem:v11+s2+$0x0] =	vst.idx.add.s32.msk $0xffff, v1  }
0x4a: {  	_ =	sdelay $0x3  }
0x4b: {  	v8 =	vshrl.u32 v8, $0x10;
	[tilespmem:v6+s2+$0x0] =	vst.idx.add.s32.msk $0xffff, v1  }
0x4c: {  	v6 =	vshrl.u32 v7, $0x10;
	[tilespmem:v5+s2+$0x0] =	vst.idx.add.s32.msk $0xffff, v1  }
0x4d: {  	[tilespmem:v3+s2+$0x0] =	vst.idx.add.s32.msk $0xffff, v1  }
0x4e: {  	[tilespmem:v4+s2+$0x0] =	vst.idx.add.s32.msk $0xffff, v1  }
0x4f: {  	[tilespmem:v2+s2+$0x0] =	vst.idx.add.s32.msk $0xffff, v1  }
0x50: {  	[tilespmem:v8+s2+$0x0] =	vst.idx.add.s32.msk $0xffff, v1  }
0x51: {  	[tilespmem:v6+s2+$0x0] =	vst.idx.add.s32.msk $0xffff, v1  }
0x52: {  	[tilespmem:s16], [sflag:$0x1] =	stream.linear.gather [hbm4b:s6+s2], $0x4000, $0x38;
	[tilespmem:$0x18080] =	vst v63  }
0x53: {  	_ =	swait.ge [sflag:s19], $0x4000  }
0x54: {  	[sflag:s19] =	ssyncset.done $0x0  }
0x55: {  	s21 =	simm.s32 $0x14040;
	[sflag:s19] =	ssyncadd.s32 $0xFFFFC000  }
0x56: {  	v2 =	vld [tilespmem:s21+$0x30]  }
0x57: {  	v3 =	vld [tilespmem:s21+$0xFFFFFFD0]  }
0x58: {  	v4 =	vld [tilespmem:s21+$0xFFFFFFE0]  }
0x59: {  	v5 =	vld [tilespmem:s21+$0xFFFFFFF0]  }
0x5a: {  	v6 =	vld [tilespmem:s21+$0x0]  }
0x5b: {  	v7 =	vld [tilespmem:s21+$0x10]  }
0x5c: {  	v10 =	vld [tilespmem:s21+$0x20]  }
0x5d: {  	v11 =	vld [tilespmem:s21+$0xFFFFFFC0];
	_ =	sdelay $0x2  }
0x5e: {  	v8 =	vshra.s32 v2, $0x1F;
	v9 =	vshra.s32 v3, $0x1F;
	v12 =	vshra.s32 v4, $0x1F  }
0x5f: {  	v59 =	vshra.s32 v5, $0x1F;
	v60 =	vshra.s32 v6, $0x1F;
	v61 =	vshra.s32 v7, $0x1F  }
0x60: {  	v62 =	vshra.s32 v10, $0x1F;
	v13 =	vshra.s32 v11, $0x1F;
	v8 =	vor.u32 $0x80000000, v8  }
0x61: {  	v9 =	vor.u32 $0x80000000, v9;
	v63 =	vor.u32 $0x80000000, v13;
	v2 =	vxor.u32 v2, v8  }
0x62: {  	v8 =	vor.u32 $0x80000000, v12;
	v3 =	vxor.u32 v3, v9;
	v2 =	vshrl.u32 v2, $0x10  }
0x63: {  	v9 =	vor.u32 $0x80000000, v59;
	v4 =	vxor.u32 v4, v8;
	v8 =	vor.u32 $0x80000000, v60  }
0x64: {  	v9 =	vxor.u32 v5, v9;
	v5 =	vor.u32 $0x80000000, v61;
	v14 =	vxor.u32 v6, v8  }
0x65: {  	v6 =	vor.u32 $0x80000000, v62;
	v8 =	vxor.u32 v7, v5;
	v5 =	vshrl.u32 v3, $0x10  }
0x66: {  	v3 =	vshrl.u32 v4, $0x10;
	v7 =	vxor.u32 v10, v6;
	v6 =	vxor.u32 v11, v63  }
0x67: {  	s22 =	simm.s32 $0x140C0;
	s21 =	simm.s32 $0x0;
	v4 =	vshrl.u32 v9, $0x10;
	v6 =	vshrl.u32 v6, $0x10;
	[tilespmem:v2+s2+$0x0] =	vst.idx.add.s32.msk $0xffff, v1;
	v2 =	vshrl.u32 v14, $0x10  }
.LBB2_6:
0x68: {  	v9 =	vld [tilespmem:s22+$0x30];
	s21 =	sadd.s32 $0x8, s21;
	v10 =	vshrl.u32 v8, $0x10;
	v11 =	vshrl.u32 v7, $0x10  }
0x69: {  	v7 =	vld [tilespmem:s22+$0xFFFFFFD0];
	p0 =	slt.u32 s21, $0x3F8  }
0x6a: {  	v8 =	vld [tilespmem:s22+$0xFFFFFFE0]  }
0x6b: {  	v12 =	vld [tilespmem:s22+$0xFFFFFFF0]  }
0x6c: {  	v13 =	vld [tilespmem:s22+$0x0]  }
0x6d: {  	v14 =	vld [tilespmem:s22+$0x10];
	v15 =	vshra.s32 v9, $0x1F  }
0x6e: {  	v16 =	vshra.s32 v7, $0x1F;
	v17 =	vld [tilespmem:s22+$0x20];
	v15 =	vor.u32 $0x80000000, v15  }
0x6f: {  	v18 =	vld [tilespmem:s22+$0xFFFFFFC0];
	v16 =	vor.u32 $0x80000000, v16;
	v19 =	vshra.s32 v8, $0x1F;
	v9 =	vxor.u32 v9, v15  }
0x70: {  	v15 =	vor.u32 $0x80000000, v19;
	v19 =	vshra.s32 v12, $0x1F;
	v9 =	vshrl.u32 v9, $0x10;
	[tilespmem:v6+s2+$0x0] =	vst.idx.add.s32.msk $0xffff, v1  }
0x71: {  	v6 =	vxor.u32 v7, v16;
	v7 =	vor.u32 $0x80000000, v19;
	v16 =	vshra.s32 v13, $0x1F;
	[tilespmem:v5+s2+$0x0] =	vst.idx.add.s32.msk $0xffff, v1  }
0x72: {  	v15 =	vxor.u32 v8, v15;
	v5 =	vor.u32 $0x80000000, v16;
	v8 =	vshra.s32 v14, $0x1F;
	[tilespmem:v3+s2+$0x0] =	vst.idx.add.s32.msk $0xffff, v1  }
.Ltmp2:
0x73: {  	v12 =	vxor.u32 v12, v7;
	v3 =	vor.u32 $0x80000000, v8;
	v7 =	vshra.s32 v17, $0x1F;
	[tilespmem:v4+s2+$0x0] =	vst.idx.add.s32.msk $0xffff, v1;
	(pc) =	sbr.rel @p0 .LBB2_6-.Ltmp2, $4  }
0x74: {  	v13 =	vxor.u32 v13, v5;
	v4 =	vshra.s32 v18, $0x1F;
	v5 =	vor.u32 $0x80000000, v7;
	[tilespmem:v2+s2+$0x0] =	vst.idx.add.s32.msk $0xffff, v1  }
0x75: {  	v8 =	vxor.u32 v14, v3;
	v2 =	vor.u32 $0x80000000, v4;
	v7 =	vxor.u32 v17, v5;
	[tilespmem:v9+s2+$0x0] =	vst.idx.add.s32.msk $0xffff, v1  }
0x76: {  	v3 =	vshrl.u32 v15, $0x10;
	v5 =	vshrl.u32 v6, $0x10;
	v2 =	vxor.u32 v18, v2;
	[tilespmem:v10+s2+$0x0] =	vst.idx.add.s32.msk $0xffff, v1  }
0x77: {  	s22 =	sadd.s32 $0x80, s22;
	v4 =	vshrl.u32 v12, $0x10;
	v6 =	vshrl.u32 v2, $0x10;
	v2 =	vshrl.u32 v13, $0x10;
	[tilespmem:v11+s2+$0x0] =	vst.idx.add.s32.msk $0xffff, v1  }
0x78: {  	_ =	sdelay $0x3  }
0x79: {  	v8 =	vshrl.u32 v8, $0x10;
	[tilespmem:v6+s2+$0x0] =	vst.idx.add.s32.msk $0xffff, v1  }
0x7a: {  	v6 =	vshrl.u32 v7, $0x10;
	[tilespmem:v5+s2+$0x0] =	vst.idx.add.s32.msk $0xffff, v1  }
0x7b: {  	[tilespmem:v3+s2+$0x0] =	vst.idx.add.s32.msk $0xffff, v1  }
0x7c: {  	[tilespmem:v4+s2+$0x0] =	vst.idx.add.s32.msk $0xffff, v1  }
0x7d: {  	[tilespmem:v2+s2+$0x0] =	vst.idx.add.s32.msk $0xffff, v1  }
0x7e: {  	[tilespmem:v8+s2+$0x0] =	vst.idx.add.s32.msk $0xffff, v1  }
0x7f: {  	[tilespmem:v6+s2+$0x0] =	vst.idx.add.s32.msk $0xffff, v1  }
0x80: {  	[tilespmem:s17], [sflag:$0x2] =	stream.linear.gather [hbm4b:s7+s2], $0x4000, $0x38;
	[tilespmem:$0x18080] =	vst v63  }
0x81: {  	_ =	swait.ge [sflag:s18], $0x4000  }
0x82: {  	[sflag:s18] =	ssyncset.done $0x0  }
0x83: {  	s21 =	simm.s32 $0x10040;
	[sflag:s18] =	ssyncadd.s32 $0xFFFFC000  }
0x84: {  	v2 =	vld [tilespmem:s21+$0x30]  }
0x85: {  	v3 =	vld [tilespmem:s21+$0xFFFFFFD0]  }
0x86: {  	v4 =	vld [tilespmem:s21+$0xFFFFFFE0]  }
0x87: {  	v5 =	vld [tilespmem:s21+$0xFFFFFFF0]  }
0x88: {  	v6 =	vld [tilespmem:s21+$0x0]  }
0x89: {  	v7 =	vld [tilespmem:s21+$0x10]  }
0x8a: {  	v10 =	vld [tilespmem:s21+$0x20]  }
0x8b: {  	v11 =	vld [tilespmem:s21+$0xFFFFFFC0];
	_ =	sdelay $0x2  }
0x8c: {  	v8 =	vshra.s32 v2, $0x1F;
	v9 =	vshra.s32 v3, $0x1F;
	v12 =	vshra.s32 v4, $0x1F  }
0x8d: {  	v59 =	vshra.s32 v5, $0x1F;
	v60 =	vshra.s32 v6, $0x1F;
	v61 =	vshra.s32 v7, $0x1F  }
0x8e: {  	v62 =	vshra.s32 v10, $0x1F;
	v13 =	vshra.s32 v11, $0x1F;
	v8 =	vor.u32 $0x80000000, v8  }
0x8f: {  	v9 =	vor.u32 $0x80000000, v9;
	v63 =	vor.u32 $0x80000000, v13;
	v2 =	vxor.u32 v2, v8  }
0x90: {  	v8 =	vor.u32 $0x80000000, v12;
	v3 =	vxor.u32 v3, v9;
	v2 =	vshrl.u32 v2, $0x10  }
0x91: {  	v9 =	vor.u32 $0x80000000, v59;
	v4 =	vxor.u32 v4, v8;
	v8 =	vor.u32 $0x80000000, v60  }
0x92: {  	v9 =	vxor.u32 v5, v9;
	v5 =	vor.u32 $0x80000000, v61;
	v14 =	vxor.u32 v6, v8  }
0x93: {  	v6 =	vor.u32 $0x80000000, v62;
	v8 =	vxor.u32 v7, v5;
	v5 =	vshrl.u32 v3, $0x10  }
0x94: {  	v3 =	vshrl.u32 v4, $0x10;
	v7 =	vxor.u32 v10, v6;
	v6 =	vxor.u32 v11, v63  }
0x95: {  	s22 =	simm.s32 $0x100C0;
	s21 =	simm.s32 $0x0;
	v4 =	vshrl.u32 v9, $0x10;
	v6 =	vshrl.u32 v6, $0x10;
	[tilespmem:v2+s2+$0x0] =	vst.idx.add.s32.msk $0xffff, v1;
	v2 =	vshrl.u32 v14, $0x10  }
.LBB2_8:
0x96: {  	v9 =	vld [tilespmem:s22+$0x30];
	s21 =	sadd.s32 $0x8, s21;
	v10 =	vshrl.u32 v8, $0x10;
	v11 =	vshrl.u32 v7, $0x10  }
0x97: {  	v7 =	vld [tilespmem:s22+$0xFFFFFFD0];
	p0 =	slt.u32 s21, $0x3F8  }
0x98: {  	v8 =	vld [tilespmem:s22+$0xFFFFFFE0]  }
0x99: {  	v12 =	vld [tilespmem:s22+$0xFFFFFFF0]  }
0x9a: {  	v13 =	vld [tilespmem:s22+$0x0]  }
0x9b: {  	v14 =	vld [tilespmem:s22+$0x10];
	v15 =	vshra.s32 v9, $0x1F  }
0x9c: {  	v16 =	vshra.s32 v7, $0x1F;
	v17 =	vld [tilespmem:s22+$0x20];
	v15 =	vor.u32 $0x80000000, v15  }
0x9d: {  	v18 =	vld [tilespmem:s22+$0xFFFFFFC0];
	v16 =	vor.u32 $0x80000000, v16;
	v19 =	vshra.s32 v8, $0x1F;
	v9 =	vxor.u32 v9, v15  }
0x9e: {  	v15 =	vor.u32 $0x80000000, v19;
	v19 =	vshra.s32 v12, $0x1F;
	v9 =	vshrl.u32 v9, $0x10;
	[tilespmem:v6+s2+$0x0] =	vst.idx.add.s32.msk $0xffff, v1  }
0x9f: {  	v6 =	vxor.u32 v7, v16;
	v7 =	vor.u32 $0x80000000, v19;
	v16 =	vshra.s32 v13, $0x1F;
	[tilespmem:v5+s2+$0x0] =	vst.idx.add.s32.msk $0xffff, v1  }
0xa0: {  	v15 =	vxor.u32 v8, v15;
	v5 =	vor.u32 $0x80000000, v16;
	v8 =	vshra.s32 v14, $0x1F;
	[tilespmem:v3+s2+$0x0] =	vst.idx.add.s32.msk $0xffff, v1  }
.Ltmp3:
0xa1: {  	v12 =	vxor.u32 v12, v7;
	v3 =	vor.u32 $0x80000000, v8;
	v7 =	vshra.s32 v17, $0x1F;
	[tilespmem:v4+s2+$0x0] =	vst.idx.add.s32.msk $0xffff, v1;
	(pc) =	sbr.rel @p0 .LBB2_8-.Ltmp3, $4  }
0xa2: {  	v13 =	vxor.u32 v13, v5;
	v4 =	vshra.s32 v18, $0x1F;
	v5 =	vor.u32 $0x80000000, v7;
	[tilespmem:v2+s2+$0x0] =	vst.idx.add.s32.msk $0xffff, v1  }
0xa3: {  	v8 =	vxor.u32 v14, v3;
	v2 =	vor.u32 $0x80000000, v4;
	v7 =	vxor.u32 v17, v5;
	[tilespmem:v9+s2+$0x0] =	vst.idx.add.s32.msk $0xffff, v1  }
0xa4: {  	v3 =	vshrl.u32 v15, $0x10;
	v5 =	vshrl.u32 v6, $0x10;
	v2 =	vxor.u32 v18, v2;
	[tilespmem:v10+s2+$0x0] =	vst.idx.add.s32.msk $0xffff, v1  }
0xa5: {  	s22 =	sadd.s32 $0x80, s22;
	v4 =	vshrl.u32 v12, $0x10;
	v6 =	vshrl.u32 v2, $0x10;
	v2 =	vshrl.u32 v13, $0x10;
	[tilespmem:v11+s2+$0x0] =	vst.idx.add.s32.msk $0xffff, v1  }
0xa6: {  	_ =	sdelay $0x3  }
0xa7: {  	v8 =	vshrl.u32 v8, $0x10;
	[tilespmem:v6+s2+$0x0] =	vst.idx.add.s32.msk $0xffff, v1  }
0xa8: {  	v6 =	vshrl.u32 v7, $0x10;
	[tilespmem:v5+s2+$0x0] =	vst.idx.add.s32.msk $0xffff, v1  }
0xa9: {  	[tilespmem:v3+s2+$0x0] =	vst.idx.add.s32.msk $0xffff, v1  }
0xaa: {  	[tilespmem:v4+s2+$0x0] =	vst.idx.add.s32.msk $0xffff, v1  }
0xab: {  	[tilespmem:v2+s2+$0x0] =	vst.idx.add.s32.msk $0xffff, v1  }
0xac: {  	[tilespmem:v8+s2+$0x0] =	vst.idx.add.s32.msk $0xffff, v1  }
0xad: {  	[tilespmem:v6+s2+$0x0] =	vst.idx.add.s32.msk $0xffff, v1  }
0xae: {  	[tilespmem:s16], [sflag:$0x1] =	stream.linear.gather [hbm4b:s8+s2], $0x4000, $0x38;
	[tilespmem:$0x18080] =	vst v63  }
0xaf: {  	_ =	swait.ge [sflag:s19], $0x4000  }
0xb0: {  	[sflag:s19] =	ssyncset.done $0x0  }
0xb1: {  	s21 =	simm.s32 $0x14040;
	[sflag:s19] =	ssyncadd.s32 $0xFFFFC000  }
0xb2: {  	v2 =	vld [tilespmem:s21+$0x30]  }
0xb3: {  	v3 =	vld [tilespmem:s21+$0xFFFFFFD0]  }
0xb4: {  	v4 =	vld [tilespmem:s21+$0xFFFFFFE0]  }
0xb5: {  	v5 =	vld [tilespmem:s21+$0xFFFFFFF0]  }
0xb6: {  	v6 =	vld [tilespmem:s21+$0x0]  }
0xb7: {  	v7 =	vld [tilespmem:s21+$0x10]  }
0xb8: {  	v10 =	vld [tilespmem:s21+$0x20]  }
0xb9: {  	v11 =	vld [tilespmem:s21+$0xFFFFFFC0];
	_ =	sdelay $0x2  }
0xba: {  	v8 =	vshra.s32 v2, $0x1F;
	v9 =	vshra.s32 v3, $0x1F;
	v12 =	vshra.s32 v4, $0x1F  }
0xbb: {  	v59 =	vshra.s32 v5, $0x1F;
	v60 =	vshra.s32 v6, $0x1F;
	v61 =	vshra.s32 v7, $0x1F  }
0xbc: {  	v62 =	vshra.s32 v10, $0x1F;
	v13 =	vshra.s32 v11, $0x1F;
	v8 =	vor.u32 $0x80000000, v8  }
0xbd: {  	v9 =	vor.u32 $0x80000000, v9;
	v63 =	vor.u32 $0x80000000, v13;
	v2 =	vxor.u32 v2, v8  }
0xbe: {  	v8 =	vor.u32 $0x80000000, v12;
	v3 =	vxor.u32 v3, v9;
	v2 =	vshrl.u32 v2, $0x10  }
0xbf: {  	v9 =	vor.u32 $0x80000000, v59;
	v4 =	vxor.u32 v4, v8;
	v8 =	vor.u32 $0x80000000, v60  }
0xc0: {  	v9 =	vxor.u32 v5, v9;
	v5 =	vor.u32 $0x80000000, v61;
	v14 =	vxor.u32 v6, v8  }
0xc1: {  	v6 =	vor.u32 $0x80000000, v62;
	v8 =	vxor.u32 v7, v5;
	v5 =	vshrl.u32 v3, $0x10  }
0xc2: {  	v3 =	vshrl.u32 v4, $0x10;
	v7 =	vxor.u32 v10, v6;
	v6 =	vxor.u32 v11, v63  }
0xc3: {  	s22 =	simm.s32 $0x140C0;
	s21 =	simm.s32 $0x0;
	v4 =	vshrl.u32 v9, $0x10;
	v6 =	vshrl.u32 v6, $0x10;
	[tilespmem:v2+s2+$0x0] =	vst.idx.add.s32.msk $0xffff, v1;
	v2 =	vshrl.u32 v14, $0x10  }
.LBB2_10:
0xc4: {  	v9 =	vld [tilespmem:s22+$0x30];
	s21 =	sadd.s32 $0x8, s21;
	v10 =	vshrl.u32 v8, $0x10;
	v11 =	vshrl.u32 v7, $0x10  }
0xc5: {  	v7 =	vld [tilespmem:s22+$0xFFFFFFD0];
	p0 =	slt.u32 s21, $0x3F8  }
0xc6: {  	v8 =	vld [tilespmem:s22+$0xFFFFFFE0]  }
0xc7: {  	v12 =	vld [tilespmem:s22+$0xFFFFFFF0]  }
0xc8: {  	v13 =	vld [tilespmem:s22+$0x0]  }
0xc9: {  	v14 =	vld [tilespmem:s22+$0x10];
	v15 =	vshra.s32 v9, $0x1F  }
0xca: {  	v16 =	vshra.s32 v7, $0x1F;
	v17 =	vld [tilespmem:s22+$0x20];
	v15 =	vor.u32 $0x80000000, v15  }
0xcb: {  	v18 =	vld [tilespmem:s22+$0xFFFFFFC0];
	v16 =	vor.u32 $0x80000000, v16;
	v19 =	vshra.s32 v8, $0x1F;
	v9 =	vxor.u32 v9, v15  }
0xcc: {  	v15 =	vor.u32 $0x80000000, v19;
	v19 =	vshra.s32 v12, $0x1F;
	v9 =	vshrl.u32 v9, $0x10;
	[tilespmem:v6+s2+$0x0] =	vst.idx.add.s32.msk $0xffff, v1  }
0xcd: {  	v6 =	vxor.u32 v7, v16;
	v7 =	vor.u32 $0x80000000, v19;
	v16 =	vshra.s32 v13, $0x1F;
	[tilespmem:v5+s2+$0x0] =	vst.idx.add.s32.msk $0xffff, v1  }
0xce: {  	v15 =	vxor.u32 v8, v15;
	v5 =	vor.u32 $0x80000000, v16;
	v8 =	vshra.s32 v14, $0x1F;
	[tilespmem:v3+s2+$0x0] =	vst.idx.add.s32.msk $0xffff, v1  }
.Ltmp4:
0xcf: {  	v12 =	vxor.u32 v12, v7;
	v3 =	vor.u32 $0x80000000, v8;
	v7 =	vshra.s32 v17, $0x1F;
	[tilespmem:v4+s2+$0x0] =	vst.idx.add.s32.msk $0xffff, v1;
	(pc) =	sbr.rel @p0 .LBB2_10-.Ltmp4, $4  }
0xd0: {  	v13 =	vxor.u32 v13, v5;
	v4 =	vshra.s32 v18, $0x1F;
	v5 =	vor.u32 $0x80000000, v7;
	[tilespmem:v2+s2+$0x0] =	vst.idx.add.s32.msk $0xffff, v1  }
0xd1: {  	v8 =	vxor.u32 v14, v3;
	v2 =	vor.u32 $0x80000000, v4;
	v7 =	vxor.u32 v17, v5;
	[tilespmem:v9+s2+$0x0] =	vst.idx.add.s32.msk $0xffff, v1  }
0xd2: {  	v3 =	vshrl.u32 v15, $0x10;
	v5 =	vshrl.u32 v6, $0x10;
	v2 =	vxor.u32 v18, v2;
	[tilespmem:v10+s2+$0x0] =	vst.idx.add.s32.msk $0xffff, v1  }
0xd3: {  	s22 =	sadd.s32 $0x80, s22;
	v4 =	vshrl.u32 v12, $0x10;
	v6 =	vshrl.u32 v2, $0x10;
	v2 =	vshrl.u32 v13, $0x10;
	[tilespmem:v11+s2+$0x0] =	vst.idx.add.s32.msk $0xffff, v1  }
0xd4: {  	_ =	sdelay $0x3  }
0xd5: {  	v8 =	vshrl.u32 v8, $0x10;
	[tilespmem:v6+s2+$0x0] =	vst.idx.add.s32.msk $0xffff, v1  }
0xd6: {  	v6 =	vshrl.u32 v7, $0x10;
	[tilespmem:v5+s2+$0x0] =	vst.idx.add.s32.msk $0xffff, v1  }
0xd7: {  	[tilespmem:v3+s2+$0x0] =	vst.idx.add.s32.msk $0xffff, v1  }
0xd8: {  	[tilespmem:v4+s2+$0x0] =	vst.idx.add.s32.msk $0xffff, v1  }
0xd9: {  	[tilespmem:v2+s2+$0x0] =	vst.idx.add.s32.msk $0xffff, v1  }
0xda: {  	[tilespmem:v8+s2+$0x0] =	vst.idx.add.s32.msk $0xffff, v1  }
0xdb: {  	[tilespmem:v6+s2+$0x0] =	vst.idx.add.s32.msk $0xffff, v1  }
0xdc: {  	[tilespmem:s17], [sflag:$0x2] =	stream.linear.gather [hbm4b:s9+s2], $0x4000, $0x38;
	[tilespmem:$0x18080] =	vst v63  }
0xdd: {  	_ =	swait.ge [sflag:s18], $0x4000  }
0xde: {  	[sflag:s18] =	ssyncset.done $0x0  }
0xdf: {  	s21 =	simm.s32 $0x10040;
	[sflag:s18] =	ssyncadd.s32 $0xFFFFC000  }
0xe0: {  	v2 =	vld [tilespmem:s21+$0x30]  }
0xe1: {  	v3 =	vld [tilespmem:s21+$0xFFFFFFD0]  }
0xe2: {  	v4 =	vld [tilespmem:s21+$0xFFFFFFE0]  }
0xe3: {  	v5 =	vld [tilespmem:s21+$0xFFFFFFF0]  }
0xe4: {  	v6 =	vld [tilespmem:s21+$0x0]  }
0xe5: {  	v7 =	vld [tilespmem:s21+$0x10]  }
0xe6: {  	v10 =	vld [tilespmem:s21+$0x20]  }
0xe7: {  	v11 =	vld [tilespmem:s21+$0xFFFFFFC0];
	_ =	sdelay $0x2  }
0xe8: {  	v8 =	vshra.s32 v2, $0x1F;
	v9 =	vshra.s32 v3, $0x1F;
	v12 =	vshra.s32 v4, $0x1F  }
0xe9: {  	v59 =	vshra.s32 v5, $0x1F;
	v60 =	vshra.s32 v6, $0x1F;
	v61 =	vshra.s32 v7, $0x1F  }
0xea: {  	v62 =	vshra.s32 v10, $0x1F;
	v13 =	vshra.s32 v11, $0x1F;
	v8 =	vor.u32 $0x80000000, v8  }
0xeb: {  	v9 =	vor.u32 $0x80000000, v9;
	v63 =	vor.u32 $0x80000000, v13;
	v2 =	vxor.u32 v2, v8  }
0xec: {  	v8 =	vor.u32 $0x80000000, v12;
	v3 =	vxor.u32 v3, v9;
	v2 =	vshrl.u32 v2, $0x10  }
0xed: {  	v9 =	vor.u32 $0x80000000, v59;
	v4 =	vxor.u32 v4, v8;
	v8 =	vor.u32 $0x80000000, v60  }
0xee: {  	v9 =	vxor.u32 v5, v9;
	v5 =	vor.u32 $0x80000000, v61;
	v14 =	vxor.u32 v6, v8  }
0xef: {  	v6 =	vor.u32 $0x80000000, v62;
	v8 =	vxor.u32 v7, v5;
	v5 =	vshrl.u32 v3, $0x10  }
0xf0: {  	v3 =	vshrl.u32 v4, $0x10;
	v7 =	vxor.u32 v10, v6;
	v6 =	vxor.u32 v11, v63  }
0xf1: {  	s22 =	simm.s32 $0x100C0;
	s21 =	simm.s32 $0x0;
	v4 =	vshrl.u32 v9, $0x10;
	v6 =	vshrl.u32 v6, $0x10;
	[tilespmem:v2+s2+$0x0] =	vst.idx.add.s32.msk $0xffff, v1;
	v2 =	vshrl.u32 v14, $0x10  }
.LBB2_12:
0xf2: {  	v9 =	vld [tilespmem:s22+$0x30];
	s21 =	sadd.s32 $0x8, s21;
	v10 =	vshrl.u32 v8, $0x10;
	v11 =	vshrl.u32 v7, $0x10  }
0xf3: {  	v7 =	vld [tilespmem:s22+$0xFFFFFFD0];
	p0 =	slt.u32 s21, $0x3F8  }
0xf4: {  	v8 =	vld [tilespmem:s22+$0xFFFFFFE0]  }
0xf5: {  	v12 =	vld [tilespmem:s22+$0xFFFFFFF0]  }
0xf6: {  	v13 =	vld [tilespmem:s22+$0x0]  }
0xf7: {  	v14 =	vld [tilespmem:s22+$0x10];
	v15 =	vshra.s32 v9, $0x1F  }
0xf8: {  	v16 =	vshra.s32 v7, $0x1F;
	v17 =	vld [tilespmem:s22+$0x20];
	v15 =	vor.u32 $0x80000000, v15  }
0xf9: {  	v18 =	vld [tilespmem:s22+$0xFFFFFFC0];
	v16 =	vor.u32 $0x80000000, v16;
	v19 =	vshra.s32 v8, $0x1F;
	v9 =	vxor.u32 v9, v15  }
0xfa: {  	v15 =	vor.u32 $0x80000000, v19;
	v19 =	vshra.s32 v12, $0x1F;
	v9 =	vshrl.u32 v9, $0x10;
	[tilespmem:v6+s2+$0x0] =	vst.idx.add.s32.msk $0xffff, v1  }
0xfb: {  	v6 =	vxor.u32 v7, v16;
	v7 =	vor.u32 $0x80000000, v19;
	v16 =	vshra.s32 v13, $0x1F;
	[tilespmem:v5+s2+$0x0] =	vst.idx.add.s32.msk $0xffff, v1  }
0xfc: {  	v15 =	vxor.u32 v8, v15;
	v5 =	vor.u32 $0x80000000, v16;
	v8 =	vshra.s32 v14, $0x1F;
	[tilespmem:v3+s2+$0x0] =	vst.idx.add.s32.msk $0xffff, v1  }
.Ltmp5:
0xfd: {  	v12 =	vxor.u32 v12, v7;
	v3 =	vor.u32 $0x80000000, v8;
	v7 =	vshra.s32 v17, $0x1F;
	[tilespmem:v4+s2+$0x0] =	vst.idx.add.s32.msk $0xffff, v1;
	(pc) =	sbr.rel @p0 .LBB2_12-.Ltmp5, $4  }
0xfe: {  	v13 =	vxor.u32 v13, v5;
	v4 =	vshra.s32 v18, $0x1F;
	v5 =	vor.u32 $0x80000000, v7;
	[tilespmem:v2+s2+$0x0] =	vst.idx.add.s32.msk $0xffff, v1  }
0xff: {  	v8 =	vxor.u32 v14, v3;
	v2 =	vor.u32 $0x80000000, v4;
	v7 =	vxor.u32 v17, v5;
	[tilespmem:v9+s2+$0x0] =	vst.idx.add.s32.msk $0xffff, v1  }
0x100: {  	v3 =	vshrl.u32 v15, $0x10;
	v5 =	vshrl.u32 v6, $0x10;
	v2 =	vxor.u32 v18, v2;
	[tilespmem:v10+s2+$0x0] =	vst.idx.add.s32.msk $0xffff, v1  }
0x101: {  	s22 =	sadd.s32 $0x80, s22;
	v4 =	vshrl.u32 v12, $0x10;
	v6 =	vshrl.u32 v2, $0x10;
	v2 =	vshrl.u32 v13, $0x10;
	[tilespmem:v11+s2+$0x0] =	vst.idx.add.s32.msk $0xffff, v1  }
0x102: {  	_ =	sdelay $0x3  }
0x103: {  	v8 =	vshrl.u32 v8, $0x10;
	[tilespmem:v6+s2+$0x0] =	vst.idx.add.s32.msk $0xffff, v1  }
0x104: {  	v6 =	vshrl.u32 v7, $0x10;
	[tilespmem:v5+s2+$0x0] =	vst.idx.add.s32.msk $0xffff, v1  }
0x105: {  	[tilespmem:v3+s2+$0x0] =	vst.idx.add.s32.msk $0xffff, v1  }
0x106: {  	[tilespmem:v4+s2+$0x0] =	vst.idx.add.s32.msk $0xffff, v1  }
0x107: {  	[tilespmem:v2+s2+$0x0] =	vst.idx.add.s32.msk $0xffff, v1  }
0x108: {  	[tilespmem:v8+s2+$0x0] =	vst.idx.add.s32.msk $0xffff, v1  }
0x109: {  	[tilespmem:v6+s2+$0x0] =	vst.idx.add.s32.msk $0xffff, v1  }
0x10a: {  	[tilespmem:s16], [sflag:$0x1] =	stream.linear.gather [hbm4b:s10+s2], $0x4000, $0x38;
	[tilespmem:$0x18080] =	vst v63  }
0x10b: {  	_ =	swait.ge [sflag:s19], $0x4000  }
0x10c: {  	[sflag:s19] =	ssyncset.done $0x0  }
0x10d: {  	s21 =	simm.s32 $0x14040;
	[sflag:s19] =	ssyncadd.s32 $0xFFFFC000  }
0x10e: {  	v2 =	vld [tilespmem:s21+$0x30]  }
0x10f: {  	v3 =	vld [tilespmem:s21+$0xFFFFFFD0]  }
0x110: {  	v4 =	vld [tilespmem:s21+$0xFFFFFFE0]  }
0x111: {  	v5 =	vld [tilespmem:s21+$0xFFFFFFF0]  }
0x112: {  	v6 =	vld [tilespmem:s21+$0x0]  }
0x113: {  	v7 =	vld [tilespmem:s21+$0x10]  }
0x114: {  	v10 =	vld [tilespmem:s21+$0x20]  }
0x115: {  	v11 =	vld [tilespmem:s21+$0xFFFFFFC0];
	_ =	sdelay $0x2  }
0x116: {  	v8 =	vshra.s32 v2, $0x1F;
	v9 =	vshra.s32 v3, $0x1F;
	v12 =	vshra.s32 v4, $0x1F  }
0x117: {  	v59 =	vshra.s32 v5, $0x1F;
	v60 =	vshra.s32 v6, $0x1F;
	v61 =	vshra.s32 v7, $0x1F  }
0x118: {  	v62 =	vshra.s32 v10, $0x1F;
	v13 =	vshra.s32 v11, $0x1F;
	v8 =	vor.u32 $0x80000000, v8  }
0x119: {  	v9 =	vor.u32 $0x80000000, v9;
	v63 =	vor.u32 $0x80000000, v13;
	v2 =	vxor.u32 v2, v8  }
0x11a: {  	v8 =	vor.u32 $0x80000000, v12;
	v3 =	vxor.u32 v3, v9;
	v2 =	vshrl.u32 v2, $0x10  }
0x11b: {  	v9 =	vor.u32 $0x80000000, v59;
	v4 =	vxor.u32 v4, v8;
	v8 =	vor.u32 $0x80000000, v60  }
0x11c: {  	v9 =	vxor.u32 v5, v9;
	v5 =	vor.u32 $0x80000000, v61;
	v14 =	vxor.u32 v6, v8  }
0x11d: {  	v6 =	vor.u32 $0x80000000, v62;
	v8 =	vxor.u32 v7, v5;
	v5 =	vshrl.u32 v3, $0x10  }
0x11e: {  	v3 =	vshrl.u32 v4, $0x10;
	v7 =	vxor.u32 v10, v6;
	v6 =	vxor.u32 v11, v63  }
0x11f: {  	s22 =	simm.s32 $0x140C0;
	s21 =	simm.s32 $0x0;
	v4 =	vshrl.u32 v9, $0x10;
	v6 =	vshrl.u32 v6, $0x10;
	[tilespmem:v2+s2+$0x0] =	vst.idx.add.s32.msk $0xffff, v1;
	v2 =	vshrl.u32 v14, $0x10  }
.LBB2_14:
0x120: {  	v9 =	vld [tilespmem:s22+$0x30];
	s21 =	sadd.s32 $0x8, s21;
	v10 =	vshrl.u32 v8, $0x10;
	v11 =	vshrl.u32 v7, $0x10  }
0x121: {  	v7 =	vld [tilespmem:s22+$0xFFFFFFD0];
	p0 =	slt.u32 s21, $0x3F8  }
0x122: {  	v8 =	vld [tilespmem:s22+$0xFFFFFFE0]  }
0x123: {  	v12 =	vld [tilespmem:s22+$0xFFFFFFF0]  }
0x124: {  	v13 =	vld [tilespmem:s22+$0x0]  }
0x125: {  	v14 =	vld [tilespmem:s22+$0x10];
	v15 =	vshra.s32 v9, $0x1F  }
0x126: {  	v16 =	vshra.s32 v7, $0x1F;
	v17 =	vld [tilespmem:s22+$0x20];
	v15 =	vor.u32 $0x80000000, v15  }
0x127: {  	v18 =	vld [tilespmem:s22+$0xFFFFFFC0];
	v16 =	vor.u32 $0x80000000, v16;
	v19 =	vshra.s32 v8, $0x1F;
	v9 =	vxor.u32 v9, v15  }
0x128: {  	v15 =	vor.u32 $0x80000000, v19;
	v19 =	vshra.s32 v12, $0x1F;
	v9 =	vshrl.u32 v9, $0x10;
	[tilespmem:v6+s2+$0x0] =	vst.idx.add.s32.msk $0xffff, v1  }
0x129: {  	v6 =	vxor.u32 v7, v16;
	v7 =	vor.u32 $0x80000000, v19;
	v16 =	vshra.s32 v13, $0x1F;
	[tilespmem:v5+s2+$0x0] =	vst.idx.add.s32.msk $0xffff, v1  }
0x12a: {  	v15 =	vxor.u32 v8, v15;
	v5 =	vor.u32 $0x80000000, v16;
	v8 =	vshra.s32 v14, $0x1F;
	[tilespmem:v3+s2+$0x0] =	vst.idx.add.s32.msk $0xffff, v1  }
.Ltmp6:
0x12b: {  	v12 =	vxor.u32 v12, v7;
	v3 =	vor.u32 $0x80000000, v8;
	v7 =	vshra.s32 v17, $0x1F;
	[tilespmem:v4+s2+$0x0] =	vst.idx.add.s32.msk $0xffff, v1;
	(pc) =	sbr.rel @p0 .LBB2_14-.Ltmp6, $4  }
0x12c: {  	v13 =	vxor.u32 v13, v5;
	v4 =	vshra.s32 v18, $0x1F;
	v5 =	vor.u32 $0x80000000, v7;
	[tilespmem:v2+s2+$0x0] =	vst.idx.add.s32.msk $0xffff, v1  }
0x12d: {  	v8 =	vxor.u32 v14, v3;
	v2 =	vor.u32 $0x80000000, v4;
	v7 =	vxor.u32 v17, v5;
	[tilespmem:v9+s2+$0x0] =	vst.idx.add.s32.msk $0xffff, v1  }
0x12e: {  	v3 =	vshrl.u32 v15, $0x10;
	v5 =	vshrl.u32 v6, $0x10;
	v2 =	vxor.u32 v18, v2;
	[tilespmem:v10+s2+$0x0] =	vst.idx.add.s32.msk $0xffff, v1  }
0x12f: {  	s22 =	sadd.s32 $0x80, s22;
	v4 =	vshrl.u32 v12, $0x10;
	v6 =	vshrl.u32 v2, $0x10;
	v2 =	vshrl.u32 v13, $0x10;
	[tilespmem:v11+s2+$0x0] =	vst.idx.add.s32.msk $0xffff, v1  }
0x130: {  	_ =	sdelay $0x3  }
0x131: {  	v8 =	vshrl.u32 v8, $0x10;
	[tilespmem:v6+s2+$0x0] =	vst.idx.add.s32.msk $0xffff, v1  }
0x132: {  	v6 =	vshrl.u32 v7, $0x10;
	[tilespmem:v5+s2+$0x0] =	vst.idx.add.s32.msk $0xffff, v1  }
0x133: {  	[tilespmem:v3+s2+$0x0] =	vst.idx.add.s32.msk $0xffff, v1  }
0x134: {  	[tilespmem:v4+s2+$0x0] =	vst.idx.add.s32.msk $0xffff, v1  }
0x135: {  	[tilespmem:v2+s2+$0x0] =	vst.idx.add.s32.msk $0xffff, v1  }
0x136: {  	[tilespmem:v8+s2+$0x0] =	vst.idx.add.s32.msk $0xffff, v1  }
0x137: {  	[tilespmem:v6+s2+$0x0] =	vst.idx.add.s32.msk $0xffff, v1  }
0x138: {  	[tilespmem:s17], [sflag:$0x2] =	stream.linear.gather [hbm4b:s11+s2], $0x4000, $0x38;
	[tilespmem:$0x18080] =	vst v63  }
0x139: {  	_ =	swait.ge [sflag:s18], $0x4000  }
0x13a: {  	[sflag:s18] =	ssyncset.done $0x0  }
0x13b: {  	s21 =	simm.s32 $0x10040;
	[sflag:s18] =	ssyncadd.s32 $0xFFFFC000  }
0x13c: {  	v2 =	vld [tilespmem:s21+$0x30]  }
0x13d: {  	v3 =	vld [tilespmem:s21+$0xFFFFFFD0]  }
0x13e: {  	v4 =	vld [tilespmem:s21+$0xFFFFFFE0]  }
0x13f: {  	v5 =	vld [tilespmem:s21+$0xFFFFFFF0]  }
0x140: {  	v6 =	vld [tilespmem:s21+$0x0]  }
0x141: {  	v7 =	vld [tilespmem:s21+$0x10]  }
0x142: {  	v10 =	vld [tilespmem:s21+$0x20]  }
0x143: {  	v11 =	vld [tilespmem:s21+$0xFFFFFFC0];
	_ =	sdelay $0x2  }
0x144: {  	v8 =	vshra.s32 v2, $0x1F;
	v9 =	vshra.s32 v3, $0x1F;
	v12 =	vshra.s32 v4, $0x1F  }
0x145: {  	v59 =	vshra.s32 v5, $0x1F;
	v60 =	vshra.s32 v6, $0x1F;
	v61 =	vshra.s32 v7, $0x1F  }
0x146: {  	v62 =	vshra.s32 v10, $0x1F;
	v13 =	vshra.s32 v11, $0x1F;
	v8 =	vor.u32 $0x80000000, v8  }
0x147: {  	v9 =	vor.u32 $0x80000000, v9;
	v63 =	vor.u32 $0x80000000, v13;
	v2 =	vxor.u32 v2, v8  }
0x148: {  	v8 =	vor.u32 $0x80000000, v12;
	v3 =	vxor.u32 v3, v9;
	v2 =	vshrl.u32 v2, $0x10  }
0x149: {  	v9 =	vor.u32 $0x80000000, v59;
	v4 =	vxor.u32 v4, v8;
	v8 =	vor.u32 $0x80000000, v60  }
0x14a: {  	v9 =	vxor.u32 v5, v9;
	v5 =	vor.u32 $0x80000000, v61;
	v14 =	vxor.u32 v6, v8  }
0x14b: {  	v6 =	vor.u32 $0x80000000, v62;
	v8 =	vxor.u32 v7, v5;
	v5 =	vshrl.u32 v3, $0x10  }
0x14c: {  	v3 =	vshrl.u32 v4, $0x10;
	v7 =	vxor.u32 v10, v6;
	v6 =	vxor.u32 v11, v63  }
0x14d: {  	s22 =	simm.s32 $0x100C0;
	s21 =	simm.s32 $0x0;
	v4 =	vshrl.u32 v9, $0x10;
	v6 =	vshrl.u32 v6, $0x10;
	[tilespmem:v2+s2+$0x0] =	vst.idx.add.s32.msk $0xffff, v1;
	v2 =	vshrl.u32 v14, $0x10  }
.LBB2_16:
0x14e: {  	v9 =	vld [tilespmem:s22+$0x30];
	s21 =	sadd.s32 $0x8, s21;
	v10 =	vshrl.u32 v8, $0x10;
	v11 =	vshrl.u32 v7, $0x10  }
0x14f: {  	v7 =	vld [tilespmem:s22+$0xFFFFFFD0];
	p0 =	slt.u32 s21, $0x3F8  }
0x150: {  	v8 =	vld [tilespmem:s22+$0xFFFFFFE0]  }
0x151: {  	v12 =	vld [tilespmem:s22+$0xFFFFFFF0]  }
0x152: {  	v13 =	vld [tilespmem:s22+$0x0]  }
0x153: {  	v14 =	vld [tilespmem:s22+$0x10];
	v15 =	vshra.s32 v9, $0x1F  }
0x154: {  	v16 =	vshra.s32 v7, $0x1F;
	v17 =	vld [tilespmem:s22+$0x20];
	v15 =	vor.u32 $0x80000000, v15  }
0x155: {  	v18 =	vld [tilespmem:s22+$0xFFFFFFC0];
	v16 =	vor.u32 $0x80000000, v16;
	v19 =	vshra.s32 v8, $0x1F;
	v9 =	vxor.u32 v9, v15  }
0x156: {  	v15 =	vor.u32 $0x80000000, v19;
	v19 =	vshra.s32 v12, $0x1F;
	v9 =	vshrl.u32 v9, $0x10;
	[tilespmem:v6+s2+$0x0] =	vst.idx.add.s32.msk $0xffff, v1  }
0x157: {  	v6 =	vxor.u32 v7, v16;
	v7 =	vor.u32 $0x80000000, v19;
	v16 =	vshra.s32 v13, $0x1F;
	[tilespmem:v5+s2+$0x0] =	vst.idx.add.s32.msk $0xffff, v1  }
0x158: {  	v15 =	vxor.u32 v8, v15;
	v5 =	vor.u32 $0x80000000, v16;
	v8 =	vshra.s32 v14, $0x1F;
	[tilespmem:v3+s2+$0x0] =	vst.idx.add.s32.msk $0xffff, v1  }
.Ltmp7:
0x159: {  	v12 =	vxor.u32 v12, v7;
	v3 =	vor.u32 $0x80000000, v8;
	v7 =	vshra.s32 v17, $0x1F;
	[tilespmem:v4+s2+$0x0] =	vst.idx.add.s32.msk $0xffff, v1;
	(pc) =	sbr.rel @p0 .LBB2_16-.Ltmp7, $4  }
0x15a: {  	v13 =	vxor.u32 v13, v5;
	v4 =	vshra.s32 v18, $0x1F;
	v5 =	vor.u32 $0x80000000, v7;
	[tilespmem:v2+s2+$0x0] =	vst.idx.add.s32.msk $0xffff, v1  }
0x15b: {  	v8 =	vxor.u32 v14, v3;
	v2 =	vor.u32 $0x80000000, v4;
	v7 =	vxor.u32 v17, v5;
	[tilespmem:v9+s2+$0x0] =	vst.idx.add.s32.msk $0xffff, v1  }
0x15c: {  	v3 =	vshrl.u32 v15, $0x10;
	v5 =	vshrl.u32 v6, $0x10;
	v2 =	vxor.u32 v18, v2;
	[tilespmem:v10+s2+$0x0] =	vst.idx.add.s32.msk $0xffff, v1  }
0x15d: {  	s22 =	sadd.s32 $0x80, s22;
	v4 =	vshrl.u32 v12, $0x10;
	v6 =	vshrl.u32 v2, $0x10;
	v2 =	vshrl.u32 v13, $0x10;
	[tilespmem:v11+s2+$0x0] =	vst.idx.add.s32.msk $0xffff, v1  }
0x15e: {  	_ =	sdelay $0x3  }
0x15f: {  	v8 =	vshrl.u32 v8, $0x10;
	[tilespmem:v6+s2+$0x0] =	vst.idx.add.s32.msk $0xffff, v1  }
0x160: {  	v6 =	vshrl.u32 v7, $0x10;
	[tilespmem:v5+s2+$0x0] =	vst.idx.add.s32.msk $0xffff, v1  }
0x161: {  	[tilespmem:v3+s2+$0x0] =	vst.idx.add.s32.msk $0xffff, v1  }
0x162: {  	[tilespmem:v4+s2+$0x0] =	vst.idx.add.s32.msk $0xffff, v1  }
0x163: {  	[tilespmem:v2+s2+$0x0] =	vst.idx.add.s32.msk $0xffff, v1  }
0x164: {  	[tilespmem:v8+s2+$0x0] =	vst.idx.add.s32.msk $0xffff, v1  }
0x165: {  	[tilespmem:v6+s2+$0x0] =	vst.idx.add.s32.msk $0xffff, v1  }
0x166: {  	_ =	swait.ge [sflag:s19], $0x4000  }
0x167: {  	[sflag:s19] =	ssyncset.done $0x0  }
0x168: {  	s21 =	simm.s32 $0x14040;
	[sflag:s19] =	ssyncadd.s32 $0xFFFFC000  }
0x169: {  	v2 =	vld [tilespmem:s21+$0x30]  }
0x16a: {  	v3 =	vld [tilespmem:s21+$0xFFFFFFD0]  }
0x16b: {  	v4 =	vld [tilespmem:s21+$0xFFFFFFE0]  }
0x16c: {  	v5 =	vld [tilespmem:s21+$0xFFFFFFF0]  }
0x16d: {  	v6 =	vld [tilespmem:s21+$0x0]  }
0x16e: {  	v7 =	vld [tilespmem:s21+$0x10]  }
0x16f: {  	v10 =	vld [tilespmem:s21+$0x20]  }
0x170: {  	v11 =	vld [tilespmem:s21+$0xFFFFFFC0];
	_ =	sdelay $0x2  }
0x171: {  	v8 =	vshra.s32 v2, $0x1F;
	v9 =	vshra.s32 v3, $0x1F;
	v12 =	vshra.s32 v4, $0x1F  }
0x172: {  	v59 =	vshra.s32 v5, $0x1F;
	v60 =	vshra.s32 v6, $0x1F;
	v61 =	vshra.s32 v7, $0x1F  }
0x173: {  	v62 =	vshra.s32 v10, $0x1F;
	v13 =	vshra.s32 v11, $0x1F;
	v8 =	vor.u32 $0x80000000, v8  }
0x174: {  	v9 =	vor.u32 $0x80000000, v9;
	v63 =	vor.u32 $0x80000000, v13;
	v2 =	vxor.u32 v2, v8  }
0x175: {  	v8 =	vor.u32 $0x80000000, v12;
	v3 =	vxor.u32 v3, v9;
	v2 =	vshrl.u32 v2, $0x10  }
0x176: {  	v9 =	vor.u32 $0x80000000, v59;
	v4 =	vxor.u32 v4, v8;
	v8 =	vor.u32 $0x80000000, v60  }
0x177: {  	v9 =	vxor.u32 v5, v9;
	v5 =	vor.u32 $0x80000000, v61;
	v14 =	vxor.u32 v6, v8  }
0x178: {  	v6 =	vor.u32 $0x80000000, v62;
	v8 =	vxor.u32 v7, v5;
	v5 =	vshrl.u32 v3, $0x10  }
0x179: {  	v3 =	vshrl.u32 v4, $0x10;
	v7 =	vxor.u32 v10, v6;
	v6 =	vxor.u32 v11, v63  }
0x17a: {  	s22 =	simm.s32 $0x140C0;
	s21 =	simm.s32 $0x0;
	v4 =	vshrl.u32 v9, $0x10;
	v6 =	vshrl.u32 v6, $0x10;
	[tilespmem:v2+s2+$0x0] =	vst.idx.add.s32.msk $0xffff, v1;
	v2 =	vshrl.u32 v14, $0x10  }
.LBB2_18:
0x17b: {  	v9 =	vld [tilespmem:s22+$0x30];
	s21 =	sadd.s32 $0x8, s21;
	v10 =	vshrl.u32 v8, $0x10;
	v11 =	vshrl.u32 v7, $0x10  }
0x17c: {  	v7 =	vld [tilespmem:s22+$0xFFFFFFD0];
	p0 =	slt.u32 s21, $0x3F8  }
0x17d: {  	v8 =	vld [tilespmem:s22+$0xFFFFFFE0]  }
0x17e: {  	v12 =	vld [tilespmem:s22+$0xFFFFFFF0]  }
0x17f: {  	v13 =	vld [tilespmem:s22+$0x0]  }
0x180: {  	v14 =	vld [tilespmem:s22+$0x10];
	v15 =	vshra.s32 v9, $0x1F  }
0x181: {  	v16 =	vshra.s32 v7, $0x1F;
	v17 =	vld [tilespmem:s22+$0x20];
	v15 =	vor.u32 $0x80000000, v15  }
0x182: {  	v18 =	vld [tilespmem:s22+$0xFFFFFFC0];
	v16 =	vor.u32 $0x80000000, v16;
	v19 =	vshra.s32 v8, $0x1F;
	v9 =	vxor.u32 v9, v15  }
0x183: {  	v15 =	vor.u32 $0x80000000, v19;
	v19 =	vshra.s32 v12, $0x1F;
	v9 =	vshrl.u32 v9, $0x10;
	[tilespmem:v6+s2+$0x0] =	vst.idx.add.s32.msk $0xffff, v1  }
0x184: {  	v6 =	vxor.u32 v7, v16;
	v7 =	vor.u32 $0x80000000, v19;
	v16 =	vshra.s32 v13, $0x1F;
	[tilespmem:v5+s2+$0x0] =	vst.idx.add.s32.msk $0xffff, v1  }
0x185: {  	v15 =	vxor.u32 v8, v15;
	v5 =	vor.u32 $0x80000000, v16;
	v8 =	vshra.s32 v14, $0x1F;
	[tilespmem:v3+s2+$0x0] =	vst.idx.add.s32.msk $0xffff, v1  }
.Ltmp8:
0x186: {  	v12 =	vxor.u32 v12, v7;
	v3 =	vor.u32 $0x80000000, v8;
	v7 =	vshra.s32 v17, $0x1F;
	[tilespmem:v4+s2+$0x0] =	vst.idx.add.s32.msk $0xffff, v1;
	(pc) =	sbr.rel @p0 .LBB2_18-.Ltmp8, $4  }
0x187: {  	v13 =	vxor.u32 v13, v5;
	v4 =	vshra.s32 v18, $0x1F;
	v5 =	vor.u32 $0x80000000, v7;
	[tilespmem:v2+s2+$0x0] =	vst.idx.add.s32.msk $0xffff, v1  }
0x188: {  	v8 =	vxor.u32 v14, v3;
	v2 =	vor.u32 $0x80000000, v4;
	v7 =	vxor.u32 v17, v5;
	[tilespmem:v9+s2+$0x0] =	vst.idx.add.s32.msk $0xffff, v1  }
0x189: {  	v3 =	vshrl.u32 v15, $0x10;
	v5 =	vshrl.u32 v6, $0x10;
	v2 =	vxor.u32 v18, v2;
	[tilespmem:v10+s2+$0x0] =	vst.idx.add.s32.msk $0xffff, v1  }
0x18a: {  	s22 =	sadd.s32 $0x80, s22;
	v4 =	vshrl.u32 v12, $0x10;
	v6 =	vshrl.u32 v2, $0x10;
	v2 =	vshrl.u32 v13, $0x10;
	[tilespmem:v11+s2+$0x0] =	vst.idx.add.s32.msk $0xffff, v1  }
0x18b: {  	_ =	sdelay $0x3  }
0x18c: {  	v8 =	vshrl.u32 v8, $0x10;
	[tilespmem:v6+s2+$0x0] =	vst.idx.add.s32.msk $0xffff, v1  }
0x18d: {  	v63 =	vshrl.u32 v7, $0x10;
	[tilespmem:v5+s2+$0x0] =	vst.idx.add.s32.msk $0xffff, v1  }
0x18e: {  	[tilespmem:v3+s2+$0x0] =	vst.idx.add.s32.msk $0xffff, v1  }
0x18f: {  	[tilespmem:v4+s2+$0x0] =	vst.idx.add.s32.msk $0xffff, v1  }
0x190: {  	[tilespmem:v2+s2+$0x0] =	vst.idx.add.s32.msk $0xffff, v1;
	s20 =	sadd.s32 $0x1, s20  }
0x191: {  	p0 =	sne.s32 s20, s13;
	[tilespmem:v8+s2+$0x0] =	vst.idx.add.s32.msk $0xffff, v1  }
.Ltmp9:
0x192: {  	[tilespmem:v63+s2+$0x0] =	vst.idx.add.s32.msk $0xffff, v1;
	(pc) =	sbr.rel @p0 .LBB2_1-.Ltmp9, $4  }
0x193: {  	[hbm4b:s12+s2] =	stream.linear.scatter [tilespmem:s2], [sflag:$0x3], $0x10000, $0x38;
	[tilespmem:$0x18080] =	vst v63  }
0x194: {  	_ =	swait.ge [sflag:s15], $0x10000  }
0x195: {  	[sflag:s15] =	ssyncset.done $0x0  }
0x196: {  	[sflag:s15] =	ssyncadd.s32 $0xFFFF0000  }
0x197: {  	_ =	sfence.sel $0x180000  }
0x198: {  	[bflag:$0x0] =	sbarrier.arrive $0xFFFF  }
0x199: {  	p0 =	sne.s32 s1, $0x0;
	_ =	strace $0x90000047  }
0x19a: {  	s0 =	sadd.s32 @!p0 $0x100000, s0;
	[bflag:$0x2] =	sbarrier.arrive $0xFFFF  }
0x19b: {  	[sflag:s0] =	ssyncadd.tile.s32 @!p0 $0x1;
	_ =	shalt  }
.Lfunc_end2:
_tile_overlayer_lowered:
.L_overlay_start_2:
0x19c: {  	(tag) =	ssettag $0x2  }
0x19d: {  	s0 =	rddreg [dreg:$0x0];
	s2 =	stileid.u32  }
0x19e: {  	s1 =	rddreg [dreg:$0x1];
	p0 =	sne.s32 s2, $0x0  }
0x19f: {  	s3 =	rddreg [dreg:$0x2];
	[bflag:$0x3] =	sbarrier.arrive $0xFFFF;
	s2 =	simm.s32 @!p0 $0x1C03  }
0x1a0: {  	[timem:s3], [sflag:s2] =	dma.local @!p0 [hbm:s0], s1  }
0x1a1: {  	s0 =	simm.s32 @!p0 $0x3  }
0x1a2: {  	_ =	swait.ge @!p0 [sflag:s0], s1  }
0x1a3: {  	s1 =	ssub.s32 @!p0 $0x0, s1;
	[sflag:s0] =	ssyncset.done @!p0 $0x0  }
0x1a4: {  	[sflag:s0] =	ssyncadd.s32 @!p0 s1  }
0x1a5: {  	[bflag:$0x3] =	sbarrier.arrive $0xFFFF  }
0x1a6: {  	_ =	shalt  }

</sc_bundles>
